<compile_context>
chip_gen: v7x
topology: tpu7x:2x2x1
jax: 0.10.2.dev20260603
libtpu: 0.0.44.dev20260713+nightly
codegen_flags: <defaults>
</compile_context>

<pallas_src>
import functools

import numpy as np
import jax
import jax.numpy as jnp
from jax import lax
from jax.experimental import pallas as pl
from jax.experimental.pallas import tpu as pltpu
from jax.experimental.pallas import tpu_sc as plsc

B, S, D, T, L = 2, 2048, 1024, 1024, 10
_NINF = float("-inf")

_counts = np.minimum(np.arange(S, dtype=np.int64) + L + 1, S)
_offsets = np.zeros(S, np.int64)
_offsets[1:] = np.cumsum(_counts)[:-1]
K = int(_counts.sum())

NW = 32
CHUNK = 8192
SENT = 2064

_rows = np.repeat(np.arange(S, dtype=np.int64), _counts)
_cols = np.arange(K, dtype=np.int64) - np.repeat(_offsets, _counts)
_isent = np.where(_cols >= _rows, _rows, S)
_bounds_np = np.stack([_rows, _cols], axis=-1).astype(np.int32)

CB = 65536
KROW = -(-K // CB) * CB
NCHB = KROW // CHUNK
GMAXB = -(-NCHB // NW)

_packed = np.full(KROW, S * 4096, np.int32)
_packed[:K] = (_isent * 4096 + _cols).astype(np.int32)


def _prep_body(te_ref, w_ref, b_ref, mask_ref, ts_ref, tn_ref, u_ref, v_ref):
    x = te_ref[0]
    logits = jnp.dot(x, w_ref[...], preferred_element_type=jnp.float32)
    logits = logits + b_ref[...]
    ninf = jnp.float32(_NINF)
    m = mask_ref[0] == 1
    start = jnp.where(m, logits[:, 0:1], ninf)
    end = jnp.where(m, logits[:, 1:2], ninf)
    ment = jnp.where(m, logits[:, 2:3], ninf)
    c = ment
    k = 1
    while k < S:
        c = c + jnp.concatenate(
            [jnp.zeros((k, 1), jnp.float32), c[: S - k]], axis=0)
        k *= 2
    cum_end = c
    cum_start = cum_end - ment
    u = start - cum_start
    v = end + cum_end
    s_iota = lax.broadcasted_iota(jnp.int32, (S, 1), 0)
    ts = ts_ref[0]
    tn = tn_ref[0] - 1
    scnt = jnp.zeros((S, 1), jnp.int32)
    ecnt = jnp.zeros((S, 1), jnp.int32)
    for tb in range(T // 128):
        sl = slice(tb * 128, (tb + 1) * 128)
        scnt = scnt + jnp.sum((ts[:, sl] == s_iota).astype(jnp.int32),
                              axis=1, keepdims=True)
        ecnt = ecnt + jnp.sum((tn[:, sl] == s_iota).astype(jnp.int32),
                              axis=1, keepdims=True)
    u_ok = (scnt > 0) & (s_iota > 0) & m
    v_ok = (ecnt > 0) & (s_iota > 0)
    u_ref[0] = jnp.where(u_ok, u, ninf)
    v_ref[0] = jnp.where(v_ok, v, ninf)


def _phase_a(te, w_pad, b_pad, mask3, ts3, tn3):
    return pl.pallas_call(
        _prep_body,
        grid=(B,),
        in_specs=[
            pl.BlockSpec((1, S, D), lambda i: (i, 0, 0)),
            pl.BlockSpec((D, 128), lambda i: (0, 0)),
            pl.BlockSpec((1, 128), lambda i: (0, 0)),
            pl.BlockSpec((1, S, 1), lambda i: (i, 0, 0)),
            pl.BlockSpec((1, 1, T), lambda i: (i, 0, 0)),
            pl.BlockSpec((1, 1, T), lambda i: (i, 0, 0)),
        ],
        out_specs=[
            pl.BlockSpec((1, S, 1), lambda i: (i, 0, 0)),
            pl.BlockSpec((1, S, 1), lambda i: (i, 0, 0)),
        ],
        out_shape=[
            jax.ShapeDtypeStruct((B, S, 1), jnp.float32),
            jax.ShapeDtypeStruct((B, S, 1), jnp.float32),
        ],
    )(te, w_pad, b_pad, mask3, ts3, tn3)


def _band_fill_body(idx_hbm, uv_hbm, out_hbm, idx_v, u0, u1, v0, v1, o0, o1):
    wid = lax.axis_index("s") * 2 + lax.axis_index("c")
    pltpu.sync_copy(uv_hbm.at[pl.ds(0 * SENT, SENT)], u0)
    pltpu.sync_copy(uv_hbm.at[pl.ds(1 * SENT, SENT)], u1)
    pltpu.sync_copy(uv_hbm.at[pl.ds(2 * SENT, SENT)], v0)
    pltpu.sync_copy(uv_hbm.at[pl.ds(3 * SENT, SENT)], v1)
    for g in range(GMAXB):
        c = g * NW + wid

        @pl.when(c < NCHB)
        def _():
            pltpu.sync_copy(idx_hbm.at[pl.ds(c * CHUNK, CHUNK)], idx_v)

            def body(k, carry):
                for t in range(4):
                    off = k * 64 + t * 16
                    pk = idx_v[pl.ds(off, 16)]
                    ii = lax.shift_right_logical(pk, 12)
                    jj = lax.bitwise_and(pk, 4095)
                    o0[pl.ds(off, 16)] = (plsc.load_gather(u0, [ii])
                                          + plsc.load_gather(v0, [jj]))
                    o1[pl.ds(off, 16)] = (plsc.load_gather(u1, [ii])
                                          + plsc.load_gather(v1, [jj]))
                return carry

            lax.fori_loop(0, CHUNK // 64, body, 0)
            pltpu.sync_copy(o0, out_hbm.at[0, pl.ds(c * CHUNK, CHUNK)])
            pltpu.sync_copy(o1, out_hbm.at[1, pl.ds(c * CHUNK, CHUNK)])


@functools.lru_cache(maxsize=1)
def _band_fill():
    mesh = plsc.VectorSubcoreMesh(core_axis_name="c", subcore_axis_name="s")
    return pl.kernel(
        _band_fill_body,
        mesh=mesh,
        compiler_params=pltpu.CompilerParams(needs_layout_passes=False),
        out_type=jax.ShapeDtypeStruct((B, KROW), jnp.float32),
        scratch_types=[
            pltpu.VMEM((CHUNK,), jnp.int32),
            pltpu.VMEM((SENT,), jnp.float32),
            pltpu.VMEM((SENT,), jnp.float32),
            pltpu.VMEM((SENT,), jnp.float32),
            pltpu.VMEM((SENT,), jnp.float32),
            pltpu.VMEM((CHUNK,), jnp.float32),
            pltpu.VMEM((CHUNK,), jnp.float32),
        ],
    )


def _compact_body(in_ref, out_ref):
    out_ref[...] = in_ref[...]


def _compact(out_pad):
    return pl.pallas_call(
        _compact_body,
        grid=(KROW // CB,),
        in_specs=[pl.BlockSpec((B, CB), lambda j: (0, j))],
        out_specs=pl.BlockSpec((B, CB), lambda j: (0, j)),
        out_shape=jax.ShapeDtypeStruct((B, K), jnp.float32),
    )(out_pad)


def kernel(text_encodings, mask_ctxt, tokens_mapping, W, b):
    w_pad = jnp.zeros((D, 128), jnp.float32).at[:, :3].set(W)
    b_pad = jnp.zeros((1, 128), jnp.float32).at[0, :3].set(b)
    mask3 = mask_ctxt.reshape(B, S, 1)
    ts3 = tokens_mapping[:, :, 0].reshape(B, 1, T)
    tn3 = tokens_mapping[:, :, 1].reshape(B, 1, T)

    u3, v3 = _phase_a(text_encodings, w_pad, b_pad, mask3, ts3, tn3)
    pad = jnp.full((B, SENT - S), _NINF, jnp.float32)
    uv = jnp.concatenate(
        [jnp.concatenate([u3[:, :, 0], pad], axis=1),
         jnp.concatenate([v3[:, :, 0], pad], axis=1)], axis=0)
    uv_flat = uv.reshape(-1)

    idx = jnp.asarray(_packed)
    out_flat = _band_fill()(idx, uv_flat)
    scores_f = _compact(out_flat)
    bounds_out = jnp.broadcast_to(jnp.asarray(_bounds_np)[None], (B, K, 2))
    return scores_f, bounds_out

# --- scband reference (transcript-rebuilt; emitter-appended) ---
"""Pipeline reference for scband-mention-scores-head-1494648619663 (READ-ONLY COPY).

The authoritative reference and input builder live on the scoring server;
editing this copy changes nothing except your own understanding.
"""

import jax, jax.numpy as jnp
import numpy as np

B, S, D, T, L = 2, 2048, 1024, 1024, 10

def setup_inputs(seed: int = 0):
    key = jax.random.key(seed)
    k1, k2, k3, k4 = jax.random.split(key, 4)
    text_encodings = jax.random.normal(k1, (B, S, D), dtype=jnp.float32)
    mask_ctxt = jnp.ones((B, S), dtype=jnp.int32)
    tok_start = jax.random.randint(k2, (B, T), 0, S)
    tok_end = jax.random.randint(k3, (B, T), 1, S + 1)
    tokens_mapping = jnp.stack([tok_start, tok_end], axis=-1)
    W = jax.random.normal(k4, (D, 3), dtype=jnp.float32) * 0.02
    b = jnp.zeros((3,), dtype=jnp.float32)
    return {"text_encodings": text_encodings, "mask_ctxt": mask_ctxt, "tokens_mapping": tokens_mapping, "W": W, "b": b}

def _forward(text_encodings, W, b, mask_ctxt, tokens_mapping):
    ninf = jnp.float32(float("-inf"))
    logits = text_encodings @ W + b
    start_lp = logits[:, :, 0]
    end_lp = logits[:, :, 1]
    ment_lp = logits[:, :, 2]
    m = mask_ctxt == 1
    start_lp = jnp.where(m, start_lp, ninf)
    end_lp = jnp.where(m, end_lp, ninf)
    ment_lp = jnp.where(m, ment_lp, ninf)
    scores = start_lp[:, :, None] + end_lp[:, None, :]
    cum_end = jnp.cumsum(ment_lp, axis=1)
    cum_start = jnp.concatenate([jnp.zeros((cum_end.shape[0], 1), cum_end.dtype), cum_end[:, :-1]], axis=1)
    scores = scores + cum_end[:, None, :] - cum_start[:, :, None]
    ar = np.arange(S)
    bounds = np.stack([np.broadcast_to(ar[:, None], (S, S)), np.broadcast_to(ar[None, :], (S, S))], axis=-1)
    sizes = bounds[:, :, 1] - bounds[:, :, 0] + 1
    batch_ar = jnp.arange(tokens_mapping.shape[0])[:, None]
    starts_mask = jnp.zeros(mask_ctxt.shape, dtype=mask_ctxt.dtype).at[batch_ar, tokens_mapping[:, :, 0]].set(1)
    starts_mask = starts_mask.at[:, 0].set(0)
    ends_mask = jnp.zeros(mask_ctxt.shape, dtype=mask_ctxt.dtype).at[batch_ar, tokens_mapping[:, :, 1] - 1].set(1)
    ends_mask = ends_mask.at[:, 0].set(0)
    valid_se = starts_mask[:, :, None] * ends_mask[:, None, :]
    valid = (jnp.asarray(sizes)[None] > 0) & (mask_ctxt[:, :, None] > 0) & (valid_se > 0)
    scores = jnp.where(valid, scores, ninf)
    scores = scores.reshape(scores.shape[0], -1)
    bounds_flat = bounds.reshape(-1, 2)
    keep_idx = np.nonzero((bounds_flat[:, 1] - bounds_flat[:, 0]) <= L)[0]
    scores_f = scores[:, keep_idx]
    bounds_f = jnp.asarray(bounds_flat[keep_idx])
    bounds_out = jnp.broadcast_to(bounds_f[None], (scores_f.shape[0], bounds_f.shape[0], 2))
    return scores_f, bounds_out

def reference(text_encodings, mask_ctxt, tokens_mapping, W, b):
    return _forward(text_encodings, W, b, mask_ctxt, tokens_mapping)

if __name__ == "__main__":
    import jax
    _d = setup_inputs()
    print(jax.jit(kernel)(*tuple(_d.values())))

</pallas_src>

<mosaic_0001>
#map = affine_map<(d0, d1) -> (0)>
#map1 = affine_map<(d0, d1) -> (0, 0)>
module attributes {stable_mosaic.version = 14 : i64} {
  func.func @_band_fill_body(%arg0: i32, %arg1: i32, %arg2: memref<2162688xi32, #tpu.memory_space<hbm>>, %arg3: memref<8256xf32, #tpu.memory_space<hbm>>, %arg4: memref<2x2162688xf32, #tpu.memory_space<hbm>>, %arg5: memref<8192xi32, #tpu.memory_space<vmem>>, %arg6: memref<2064xf32, #tpu.memory_space<vmem>>, %arg7: memref<2064xf32, #tpu.memory_space<vmem>>, %arg8: memref<2064xf32, #tpu.memory_space<vmem>>, %arg9: memref<2064xf32, #tpu.memory_space<vmem>>, %arg10: memref<8192xf32, #tpu.memory_space<vmem>>, %arg11: memref<8192xf32, #tpu.memory_space<vmem>>) attributes {dimension_semantics = [#tpu.dimension_semantics<core_parallel>, #tpu.dimension_semantics<subcore_parallel>], iteration_bounds = array<i64: 2, 16>, scalar_prefetch = 0 : i64, scratch_operands = 7 : i64, tpu.core_type = #tpu.core_type<sc_vector_subcore>, window_params = [{transform_indices = #map}, {transform_indices = #map}, {transform_indices = #map1}]} {
    %mul3A = arith.constant 2 : i32
    %mul3A_0 = arith.muli %arg1, %mul3A : i32
    %add3A = arith.addi %mul3A_0, %arg0 : i32
    "tpu.region"() ({
      %run_scoped3A = tpu.sem_alloc : memref<!tpu.dma_semaphore, #tpu.memory_space<semaphore_mem>>
      %dma_start3A = arith.constant 0 : i32
      %dma_start3A_61 = tpu.memref_slice %arg3[%dma_start3A] : memref<8256xf32, #tpu.memory_space<hbm>> -> memref<2064xf32, #tpu.memory_space<hbm>>
      %dma_start3A_62 = arith.constant 0 : i32
      %dma_start3A_63 = tpu.memref_slice %arg3[%dma_start3A_62] : memref<8256xf32, #tpu.memory_space<hbm>> -> memref<2064xf32, #tpu.memory_space<hbm>>
      tpu.enqueue_dma source(%dma_start3A_63 : memref<2064xf32, #tpu.memory_space<hbm>>) target(%arg6 : memref<2064xf32, #tpu.memory_space<vmem>>) target_semaphore(%run_scoped3A : memref<!tpu.dma_semaphore, #tpu.memory_space<semaphore_mem>>)
      %dma_wait3A = arith.constant 0 : i32
      %dma_wait3A_64 = tpu.memref_slice %arg3[%dma_wait3A] : memref<8256xf32, #tpu.memory_space<hbm>> -> memref<2064xf32, #tpu.memory_space<hbm>>
      %dma_wait3A_65 = arith.constant 0 : i32
      %dma_wait3A_66 = tpu.memref_slice %arg3[%dma_wait3A_65] : memref<8256xf32, #tpu.memory_space<hbm>> -> memref<2064xf32, #tpu.memory_space<hbm>>
      tpu.wait_dma2 semaphore(%run_scoped3A : memref<!tpu.dma_semaphore, #tpu.memory_space<semaphore_mem>>) src(%dma_wait3A_66 : memref<2064xf32, #tpu.memory_space<hbm>>) dst(%arg6 : memref<2064xf32, #tpu.memory_space<vmem>>)
      tpu.yield
    }) : () -> ()
    "tpu.region"() ({
      %run_scoped3A = tpu.sem_alloc : memref<!tpu.dma_semaphore, #tpu.memory_space<semaphore_mem>>
      %dma_start3A = arith.constant 2064 : i32
      %dma_start3A_61 = tpu.memref_slice %arg3[%dma_start3A] : memref<8256xf32, #tpu.memory_space<hbm>> -> memref<2064xf32, #tpu.memory_space<hbm>>
      %dma_start3A_62 = arith.constant 2064 : i32
      %dma_start3A_63 = tpu.memref_slice %arg3[%dma_start3A_62] : memref<8256xf32, #tpu.memory_space<hbm>> -> memref<2064xf32, #tpu.memory_space<hbm>>
      tpu.enqueue_dma source(%dma_start3A_63 : memref<2064xf32, #tpu.memory_space<hbm>>) target(%arg7 : memref<2064xf32, #tpu.memory_space<vmem>>) target_semaphore(%run_scoped3A : memref<!tpu.dma_semaphore, #tpu.memory_space<semaphore_mem>>)
      %dma_wait3A = arith.constant 2064 : i32
      %dma_wait3A_64 = tpu.memref_slice %arg3[%dma_wait3A] : memref<8256xf32, #tpu.memory_space<hbm>> -> memref<2064xf32, #tpu.memory_space<hbm>>
      %dma_wait3A_65 = arith.constant 2064 : i32
      %dma_wait3A_66 = tpu.memref_slice %arg3[%dma_wait3A_65] : memref<8256xf32, #tpu.memory_space<hbm>> -> memref<2064xf32, #tpu.memory_space<hbm>>
      tpu.wait_dma2 semaphore(%run_scoped3A : memref<!tpu.dma_semaphore, #tpu.memory_space<semaphore_mem>>) src(%dma_wait3A_66 : memref<2064xf32, #tpu.memory_space<hbm>>) dst(%arg7 : memref<2064xf32, #tpu.memory_space<vmem>>)
      tpu.yield
    }) : () -> ()
    "tpu.region"() ({
      %run_scoped3A = tpu.sem_alloc : memref<!tpu.dma_semaphore, #tpu.memory_space<semaphore_mem>>
      %dma_start3A = arith.constant 4128 : i32
      %dma_start3A_61 = tpu.memref_slice %arg3[%dma_start3A] : memref<8256xf32, #tpu.memory_space<hbm>> -> memref<2064xf32, #tpu.memory_space<hbm>>
      %dma_start3A_62 = arith.constant 4128 : i32
      %dma_start3A_63 = tpu.memref_slice %arg3[%dma_start3A_62] : memref<8256xf32, #tpu.memory_space<hbm>> -> memref<2064xf32, #tpu.memory_space<hbm>>
      tpu.enqueue_dma source(%dma_start3A_63 : memref<2064xf32, #tpu.memory_space<hbm>>) target(%arg8 : memref<2064xf32, #tpu.memory_space<vmem>>) target_semaphore(%run_scoped3A : memref<!tpu.dma_semaphore, #tpu.memory_space<semaphore_mem>>)
      %dma_wait3A = arith.constant 4128 : i32
      %dma_wait3A_64 = tpu.memref_slice %arg3[%dma_wait3A] : memref<8256xf32, #tpu.memory_space<hbm>> -> memref<2064xf32, #tpu.memory_space<hbm>>
      %dma_wait3A_65 = arith.constant 4128 : i32
      %dma_wait3A_66 = tpu.memref_slice %arg3[%dma_wait3A_65] : memref<8256xf32, #tpu.memory_space<hbm>> -> memref<2064xf32, #tpu.memory_space<hbm>>
      tpu.wait_dma2 semaphore(%run_scoped3A : memref<!tpu.dma_semaphore, #tpu.memory_space<semaphore_mem>>) src(%dma_wait3A_66 : memref<2064xf32, #tpu.memory_space<hbm>>) dst(%arg8 : memref<2064xf32, #tpu.memory_space<vmem>>)
      tpu.yield
    }) : () -> ()
    "tpu.region"() ({
      %run_scoped3A = tpu.sem_alloc : memref<!tpu.dma_semaphore, #tpu.memory_space<semaphore_mem>>
      %dma_start3A = arith.constant 6192 : i32
      %dma_start3A_61 = tpu.memref_slice %arg3[%dma_start3A] : memref<8256xf32, #tpu.memory_space<hbm>> -> memref<2064xf32, #tpu.memory_space<hbm>>
      %dma_start3A_62 = arith.constant 6192 : i32
      %dma_start3A_63 = tpu.memref_slice %arg3[%dma_start3A_62] : memref<8256xf32, #tpu.memory_space<hbm>> -> memref<2064xf32, #tpu.memory_space<hbm>>
      tpu.enqueue_dma source(%dma_start3A_63 : memref<2064xf32, #tpu.memory_space<hbm>>) target(%arg9 : memref<2064xf32, #tpu.memory_space<vmem>>) target_semaphore(%run_scoped3A : memref<!tpu.dma_semaphore, #tpu.memory_space<semaphore_mem>>)
      %dma_wait3A = arith.constant 6192 : i32
      %dma_wait3A_64 = tpu.memref_slice %arg3[%dma_wait3A] : memref<8256xf32, #tpu.memory_space<hbm>> -> memref<2064xf32, #tpu.memory_space<hbm>>
      %dma_wait3A_65 = arith.constant 6192 : i32
      %dma_wait3A_66 = tpu.memref_slice %arg3[%dma_wait3A_65] : memref<8256xf32, #tpu.memory_space<hbm>> -> memref<2064xf32, #tpu.memory_space<hbm>>
      tpu.wait_dma2 semaphore(%run_scoped3A : memref<!tpu.dma_semaphore, #tpu.memory_space<semaphore_mem>>) src(%dma_wait3A_66 : memref<2064xf32, #tpu.memory_space<hbm>>) dst(%arg9 : memref<2064xf32, #tpu.memory_space<vmem>>)
      tpu.yield
    }) : () -> ()
    %add3A_1 = arith.constant 0 : i32
    %add3A_2 = arith.addi %add3A_1, %add3A : i32
    %lt3A = arith.constant 264 : i32
    %lt3A_3 = arith.cmpi slt, %add3A_2, %lt3A : i32
    %convert_element_type3A = arith.extui %lt3A_3 : i1 to i32
    %cond3A = arith.constant 0 : i32
    %cond3A_4 = arith.cmpi ne, %convert_element_type3A, %cond3A : i32
    scf.if %cond3A_4 {
      %mul3A_61 = arith.constant 8192 : i32
      %mul3A_62 = arith.muli %add3A_2, %mul3A_61 : i32
      "tpu.region"() ({
        %run_scoped3A_73 = tpu.sem_alloc : memref<!tpu.dma_semaphore, #tpu.memory_space<semaphore_mem>>
        %dma_start3A = tpu.memref_slice %arg2[%mul3A_62] : memref<2162688xi32, #tpu.memory_space<hbm>> -> memref<8192xi32, #tpu.memory_space<hbm>>
        %dma_start3A_74 = tpu.memref_slice %arg2[%mul3A_62] : memref<2162688xi32, #tpu.memory_space<hbm>> -> memref<8192xi32, #tpu.memory_space<hbm>>
        tpu.enqueue_dma source(%dma_start3A_74 : memref<8192xi32, #tpu.memory_space<hbm>>) target(%arg5 : memref<8192xi32, #tpu.memory_space<vmem>>) target_semaphore(%run_scoped3A_73 : memref<!tpu.dma_semaphore, #tpu.memory_space<semaphore_mem>>)
        %dma_wait3A = tpu.memref_slice %arg2[%mul3A_62] : memref<2162688xi32, #tpu.memory_space<hbm>> -> memref<8192xi32, #tpu.memory_space<hbm>>
        %dma_wait3A_75 = tpu.memref_slice %arg2[%mul3A_62] : memref<2162688xi32, #tpu.memory_space<hbm>> -> memref<8192xi32, #tpu.memory_space<hbm>>
        tpu.wait_dma2 semaphore(%run_scoped3A_73 : memref<!tpu.dma_semaphore, #tpu.memory_space<semaphore_mem>>) src(%dma_wait3A_75 : memref<8192xi32, #tpu.memory_space<hbm>>) dst(%arg5 : memref<8192xi32, #tpu.memory_space<vmem>>)
        tpu.yield
      }) : () -> ()
      %scan3A = arith.constant 0 : i32
      %scan3A_63 = arith.constant 0 : i32
      %scan3A_64 = arith.constant 128 : i32
      %scan3A_65 = arith.addi %scan3A_63, %scan3A_64 : i32
      %scan3A_66 = arith.constant 1 : i32
      scf.for %scan3A_73 = %scan3A_63 to %scan3A_65 step %scan3A_66  : i32 {
        %mul3A_74 = arith.constant 64 : i32
        %mul3A_75 = arith.muli %scan3A_73, %mul3A_74 : i32
        %add3A_76 = arith.constant 0 : i32
        %add3A_77 = arith.addi %mul3A_75, %add3A_76 : i32
        %get3A = arith.index_cast %add3A_77 : i32 to index
        %get3A_78 = tpu.vector_load %arg5[%get3A] {strides = array<i32>} : memref<8192xi32, #tpu.memory_space<vmem>>, vector<16xi32>,
        %shift_right_logical3A = arith.constant 12 : i32
        %shift_right_logical3A_79 = vector.broadcast %shift_right_logical3A : i32 to vector<16xi32>
        %shift_right_logical3A_80 = arith.shrui %get3A_78, %shift_right_logical3A_79 : vector<16xi32>
        %and3A = arith.constant 4095 : i32
        %and3A_81 = vector.broadcast %and3A : i32 to vector<16xi32>
        %and3A_82 = arith.andi %get3A_78, %and3A_81 : vector<16xi32>
        %gather3A = tpu.vector_load_idx %arg6[%shift_right_logical3A_80] : memref<2064xf32, #tpu.memory_space<vmem>>[vector<16xi32>], vector<16xf32>,
        %gather3A_83 = tpu.vector_load_idx %arg8[%and3A_82] : memref<2064xf32, #tpu.memory_space<vmem>>[vector<16xi32>], vector<16xf32>,
        %add3A_84 = arith.addf %gather3A, %gather3A_83 : vector<16xf32>
        %swap3A = arith.index_cast %add3A_77 : i32 to index
        %swap3A_85 = tpu.vector_load %arg10[%swap3A] {strides = array<i32>} : memref<8192xf32, #tpu.memory_space<vmem>>, vector<16xf32>,
        tpu.vector_store %arg10[%swap3A], %add3A_84 {strides = array<i32>} : memref<8192xf32, #tpu.memory_space<vmem>>, vector<16xf32>,
        %gather3A_86 = tpu.vector_load_idx %arg7[%shift_right_logical3A_80] : memref<2064xf32, #tpu.memory_space<vmem>>[vector<16xi32>], vector<16xf32>,
        %gather3A_87 = tpu.vector_load_idx %arg9[%and3A_82] : memref<2064xf32, #tpu.memory_space<vmem>>[vector<16xi32>], vector<16xf32>,
        %add3A_88 = arith.addf %gather3A_86, %gather3A_87 : vector<16xf32>
        %swap3A_89 = arith.index_cast %add3A_77 : i32 to index
        %swap3A_90 = tpu.vector_load %arg11[%swap3A_89] {strides = array<i32>} : memref<8192xf32, #tpu.memory_space<vmem>>, vector<16xf32>,
        tpu.vector_store %arg11[%swap3A_89], %add3A_88 {strides = array<i32>} : memref<8192xf32, #tpu.memory_space<vmem>>, vector<16xf32>,
        %mul3A_91 = arith.constant 64 : i32
        %mul3A_92 = arith.muli %scan3A_73, %mul3A_91 : i32
        %add3A_93 = arith.constant 16 : i32
        %add3A_94 = arith.addi %mul3A_92, %add3A_93 : i32
        %get3A_95 = arith.index_cast %add3A_94 : i32 to index
        %get3A_96 = tpu.vector_load %arg5[%get3A_95] {strides = array<i32>} : memref<8192xi32, #tpu.memory_space<vmem>>, vector<16xi32>,
        %shift_right_logical3A_97 = arith.constant 12 : i32
        %shift_right_logical3A_98 = vector.broadcast %shift_right_logical3A_97 : i32 to vector<16xi32>
        %shift_right_logical3A_99 = arith.shrui %get3A_96, %shift_right_logical3A_98 : vector<16xi32>
        %and3A_100 = arith.constant 4095 : i32
        %and3A_101 = vector.broadcast %and3A_100 : i32 to vector<16xi32>
        %and3A_102 = arith.andi %get3A_96, %and3A_101 : vector<16xi32>
        %gather3A_103 = tpu.vector_load_idx %arg6[%shift_right_logical3A_99] : memref<2064xf32, #tpu.memory_space<vmem>>[vector<16xi32>], vector<16xf32>,
        %gather3A_104 = tpu.vector_load_idx %arg8[%and3A_102] : memref<2064xf32, #tpu.memory_space<vmem>>[vector<16xi32>], vector<16xf32>,
        %add3A_105 = arith.addf %gather3A_103, %gather3A_104 : vector<16xf32>
        %swap3A_106 = arith.index_cast %add3A_94 : i32 to index
        %swap3A_107 = tpu.vector_load %arg10[%swap3A_106] {strides = array<i32>} : memref<8192xf32, #tpu.memory_space<vmem>>, vector<16xf32>,
        tpu.vector_store %arg10[%swap3A_106], %add3A_105 {strides = array<i32>} : memref<8192xf32, #tpu.memory_space<vmem>>, vector<16xf32>,
        %gather3A_108 = tpu.vector_load_idx %arg7[%shift_right_logical3A_99] : memref<2064xf32, #tpu.memory_space<vmem>>[vector<16xi32>], vector<16xf32>,
        %gather3A_109 = tpu.vector_load_idx %arg9[%and3A_102] : memref<2064xf32, #tpu.memory_space<vmem>>[vector<16xi32>], vector<16xf32>,
        %add3A_110 = arith.addf %gather3A_108, %gather3A_109 : vector<16xf32>
        %swap3A_111 = arith.index_cast %add3A_94 : i32 to index
        %swap3A_112 = tpu.vector_load %arg11[%swap3A_111] {strides = array<i32>} : memref<8192xf32, #tpu.memory_space<vmem>>, vector<16xf32>,
        tpu.vector_store %arg11[%swap3A_111], %add3A_110 {strides = array<i32>} : memref<8192xf32, #tpu.memory_space<vmem>>, vector<16xf32>,
        %mul3A_113 = arith.constant 64 : i32
        %mul3A_114 = arith.muli %scan3A_73, %mul3A_113 : i32
        %add3A_115 = arith.constant 32 : i32
        %add3A_116 = arith.addi %mul3A_114, %add3A_115 : i32
        %get3A_117 = arith.index_cast %add3A_116 : i32 to index
        %get3A_118 = tpu.vector_load %arg5[%get3A_117] {strides = array<i32>} : memref<8192xi32, #tpu.memory_space<vmem>>, vector<16xi32>,
        %shift_right_logical3A_119 = arith.constant 12 : i32
        %shift_right_logical3A_120 = vector.broadcast %shift_right_logical3A_119 : i32 to vector<16xi32>
        %shift_right_logical3A_121 = arith.shrui %get3A_118, %shift_right_logical3A_120 : vector<16xi32>
        %and3A_122 = arith.constant 4095 : i32
        %and3A_123 = vector.broadcast %and3A_122 : i32 to vector<16xi32>
        %and3A_124 = arith.andi %get3A_118, %and3A_123 : vector<16xi32>
        %gather3A_125 = tpu.vector_load_idx %arg6[%shift_right_logical3A_121] : memref<2064xf32, #tpu.memory_space<vmem>>[vector<16xi32>], vector<16xf32>,
        %gather3A_126 = tpu.vector_load_idx %arg8[%and3A_124] : memref<2064xf32, #tpu.memory_space<vmem>>[vector<16xi32>], vector<16xf32>,
        %add3A_127 = arith.addf %gather3A_125, %gather3A_126 : vector<16xf32>
        %swap3A_128 = arith.index_cast %add3A_116 : i32 to index
        %swap3A_129 = tpu.vector_load %arg10[%swap3A_128] {strides = array<i32>} : memref<8192xf32, #tpu.memory_space<vmem>>, vector<16xf32>,
        tpu.vector_store %arg10[%swap3A_128], %add3A_127 {strides = array<i32>} : memref<8192xf32, #tpu.memory_space<vmem>>, vector<16xf32>,
        %gather3A_130 = tpu.vector_load_idx %arg7[%shift_right_logical3A_121] : memref<2064xf32, #tpu.memory_space<vmem>>[vector<16xi32>], vector<16xf32>,
        %gather3A_131 = tpu.vector_load_idx %arg9[%and3A_124] : memref<2064xf32, #tpu.memory_space<vmem>>[vector<16xi32>], vector<16xf32>,
        %add3A_132 = arith.addf %gather3A_130, %gather3A_131 : vector<16xf32>
        %swap3A_133 = arith.index_cast %add3A_116 : i32 to index
        %swap3A_134 = tpu.vector_load %arg11[%swap3A_133] {strides = array<i32>} : memref<8192xf32, #tpu.memory_space<vmem>>, vector<16xf32>,
        tpu.vector_store %arg11[%swap3A_133], %add3A_132 {strides = array<i32>} : memref<8192xf32, #tpu.memory_space<vmem>>, vector<16xf32>,
        %mul3A_135 = arith.constant 64 : i32
        %mul3A_136 = arith.muli %scan3A_73, %mul3A_135 : i32
        %add3A_137 = arith.constant 48 : i32
        %add3A_138 = arith.addi %mul3A_136, %add3A_137 : i32
        %get3A_139 = arith.index_cast %add3A_138 : i32 to index
        %get3A_140 = tpu.vector_load %arg5[%get3A_139] {strides = array<i32>} : memref<8192xi32, #tpu.memory_space<vmem>>, vector<16xi32>,
        %shift_right_logical3A_141 = arith.constant 12 : i32
        %shift_right_logical3A_142 = vector.broadcast %shift_right_logical3A_141 : i32 to vector<16xi32>
        %shift_right_logical3A_143 = arith.shrui %get3A_140, %shift_right_logical3A_142 : vector<16xi32>
        %and3A_144 = arith.constant 4095 : i32
        %and3A_145 = vector.broadcast %and3A_144 : i32 to vector<16xi32>
        %and3A_146 = arith.andi %get3A_140, %and3A_145 : vector<16xi32>
        %gather3A_147 = tpu.vector_load_idx %arg6[%shift_right_logical3A_143] : memref<2064xf32, #tpu.memory_space<vmem>>[vector<16xi32>], vector<16xf32>,
        %gather3A_148 = tpu.vector_load_idx %arg8[%and3A_146] : memref<2064xf32, #tpu.memory_space<vmem>>[vector<16xi32>], vector<16xf32>,
        %add3A_149 = arith.addf %gather3A_147, %gather3A_148 : vector<16xf32>
        %swap3A_150 = arith.index_cast %add3A_138 : i32 to index
        %swap3A_151 = tpu.vector_load %arg10[%swap3A_150] {strides = array<i32>} : memref<8192xf32, #tpu.memory_space<vmem>>, vector<16xf32>,
        tpu.vector_store %arg10[%swap3A_150], %add3A_149 {strides = array<i32>} : memref<8192xf32, #tpu.memory_space<vmem>>, vector<16xf32>,
        %gather3A_152 = tpu.vector_load_idx %arg7[%shift_right_logical3A_143] : memref<2064xf32, #tpu.memory_space<vmem>>[vector<16xi32>], vector<16xf32>,
        %gather3A_153 = tpu.vector_load_idx %arg9[%and3A_146] : memref<2064xf32, #tpu.memory_space<vmem>>[vector<16xi32>], vector<16xf32>,
        %add3A_154 = arith.addf %gather3A_152, %gather3A_153 : vector<16xf32>
        %swap3A_155 = arith.index_cast %add3A_138 : i32 to index
        %swap3A_156 = tpu.vector_load %arg11[%swap3A_155] {strides = array<i32>} : memref<8192xf32, #tpu.memory_space<vmem>>, vector<16xf32>,
        tpu.vector_store %arg11[%swap3A_155], %add3A_154 {strides = array<i32>} : memref<8192xf32, #tpu.memory_space<vmem>>, vector<16xf32>,
      }
      %scan3A_67 = arith.constant 128 : i32
      %mul3A_68 = arith.constant 8192 : i32
      %mul3A_69 = arith.muli %add3A_2, %mul3A_68 : i32
      %run_scoped3A = arith.constant 0 : i32
      "tpu.region"() ({
        %run_scoped3A_73 = tpu.sem_alloc : memref<!tpu.dma_semaphore, #tpu.memory_space<semaphore_mem>>
        %dma_start3A = tpu.memref_slice %arg4[%run_scoped3A, %mul3A_69] : memref<2x2162688xf32, #tpu.memory_space<hbm>> -> memref<1x8192xf32, #tpu.memory_space<hbm>>
        %dma_start3A_74 = tpu.memref_squeeze %dma_start3A : memref<1x8192xf32, #tpu.memory_space<hbm>> -> memref<8192xf32, #tpu.memory_space<hbm>>
        %dma_start3A_75 = tpu.memref_slice %arg4[%run_scoped3A, %mul3A_69] : memref<2x2162688xf32, #tpu.memory_space<hbm>> -> memref<1x8192xf32, #tpu.memory_space<hbm>>
        %dma_start3A_76 = tpu.memref_squeeze %dma_start3A_75 : memref<1x8192xf32, #tpu.memory_space<hbm>> -> memref<8192xf32, #tpu.memory_space<hbm>>
        tpu.enqueue_dma source(%arg10 : memref<8192xf32, #tpu.memory_space<vmem>>) target(%dma_start3A_76 : memref<8192xf32, #tpu.memory_space<hbm>>) target_semaphore(%run_scoped3A_73 : memref<!tpu.dma_semaphore, #tpu.memory_space<semaphore_mem>>)
        %dma_wait3A = tpu.memref_slice %arg4[%run_scoped3A, %mul3A_69] : memref<2x2162688xf32, #tpu.memory_space<hbm>> -> memref<1x8192xf32, #tpu.memory_space<hbm>>
        %dma_wait3A_77 = tpu.memref_squeeze %dma_wait3A : memref<1x8192xf32, #tpu.memory_space<hbm>> -> memref<8192xf32, #tpu.memory_space<hbm>>
        %dma_wait3A_78 = tpu.memref_slice %arg4[%run_scoped3A, %mul3A_69] : memref<2x2162688xf32, #tpu.memory_space<hbm>> -> memref<1x8192xf32, #tpu.memory_space<hbm>>
        %dma_wait3A_79 = tpu.memref_squeeze %dma_wait3A_78 : memref<1x8192xf32, #tpu.memory_space<hbm>> -> memref<8192xf32, #tpu.memory_space<hbm>>
        tpu.wait_dma2 semaphore(%run_scoped3A_73 : memref<!tpu.dma_semaphore, #tpu.memory_space<semaphore_mem>>) src(%arg10 : memref<8192xf32, #tpu.memory_space<vmem>>) dst(%dma_wait3A_79 : memref<8192xf32, #tpu.memory_space<hbm>>)
        tpu.yield
      }) : () -> ()
      %mul3A_70 = arith.constant 8192 : i32
      %mul3A_71 = arith.muli %add3A_2, %mul3A_70 : i32
      %run_scoped3A_72 = arith.constant 1 : i32
      "tpu.region"() ({
        %run_scoped3A_73 = tpu.sem_alloc : memref<!tpu.dma_semaphore, #tpu.memory_space<semaphore_mem>>
        %dma_start3A = tpu.memref_slice %arg4[%run_scoped3A_72, %mul3A_71] : memref<2x2162688xf32, #tpu.memory_space<hbm>> -> memref<1x8192xf32, #tpu.memory_space<hbm>>
        %dma_start3A_74 = tpu.memref_squeeze %dma_start3A : memref<1x8192xf32, #tpu.memory_space<hbm>> -> memref<8192xf32, #tpu.memory_space<hbm>>
        %dma_start3A_75 = tpu.memref_slice %arg4[%run_scoped3A_72, %mul3A_71] : memref<2x2162688xf32, #tpu.memory_space<hbm>> -> memref<1x8192xf32, #tpu.memory_space<hbm>>
        %dma_start3A_76 = tpu.memref_squeeze %dma_start3A_75 : memref<1x8192xf32, #tpu.memory_space<hbm>> -> memref<8192xf32, #tpu.memory_space<hbm>>
        tpu.enqueue_dma source(%arg11 : memref<8192xf32, #tpu.memory_space<vmem>>) target(%dma_start3A_76 : memref<8192xf32, #tpu.memory_space<hbm>>) target_semaphore(%run_scoped3A_73 : memref<!tpu.dma_semaphore, #tpu.memory_space<semaphore_mem>>)
        %dma_wait3A = tpu.memref_slice %arg4[%run_scoped3A_72, %mul3A_71] : memref<2x2162688xf32, #tpu.memory_space<hbm>> -> memref<1x8192xf32, #tpu.memory_space<hbm>>
        %dma_wait3A_77 = tpu.memref_squeeze %dma_wait3A : memref<1x8192xf32, #tpu.memory_space<hbm>> -> memref<8192xf32, #tpu.memory_space<hbm>>
        %dma_wait3A_78 = tpu.memref_slice %arg4[%run_scoped3A_72, %mul3A_71] : memref<2x2162688xf32, #tpu.memory_space<hbm>> -> memref<1x8192xf32, #tpu.memory_space<hbm>>
        %dma_wait3A_79 = tpu.memref_squeeze %dma_wait3A_78 : memref<1x8192xf32, #tpu.memory_space<hbm>> -> memref<8192xf32, #tpu.memory_space<hbm>>
        tpu.wait_dma2 semaphore(%run_scoped3A_73 : memref<!tpu.dma_semaphore, #tpu.memory_space<semaphore_mem>>) src(%arg11 : memref<8192xf32, #tpu.memory_space<vmem>>) dst(%dma_wait3A_79 : memref<8192xf32, #tpu.memory_space<hbm>>)
        tpu.yield
      }) : () -> ()
    } else {
    }
    %add3A_5 = arith.constant 32 : i32
    %add3A_6 = arith.addi %add3A_5, %add3A : i32
    %lt3A_7 = arith.constant 264 : i32
    %lt3A_8 = arith.cmpi slt, %add3A_6, %lt3A_7 : i32
    %convert_element_type3A_9 = arith.extui %lt3A_8 : i1 to i32
    %cond3A_10 = arith.constant 0 : i32
    %cond3A_11 = arith.cmpi ne, %convert_element_type3A_9, %cond3A_10 : i32
    scf.if %cond3A_11 {
      %mul3A_61 = arith.constant 8192 : i32
      %mul3A_62 = arith.muli %add3A_6, %mul3A_61 : i32
      "tpu.region"() ({
        %run_scoped3A_73 = tpu.sem_alloc : memref<!tpu.dma_semaphore, #tpu.memory_space<semaphore_mem>>
        %dma_start3A = tpu.memref_slice %arg2[%mul3A_62] : memref<2162688xi32, #tpu.memory_space<hbm>> -> memref<8192xi32, #tpu.memory_space<hbm>>
        %dma_start3A_74 = tpu.memref_slice %arg2[%mul3A_62] : memref<2162688xi32, #tpu.memory_space<hbm>> -> memref<8192xi32, #tpu.memory_space<hbm>>
        tpu.enqueue_dma source(%dma_start3A_74 : memref<8192xi32, #tpu.memory_space<hbm>>) target(%arg5 : memref<8192xi32, #tpu.memory_space<vmem>>) target_semaphore(%run_scoped3A_73 : memref<!tpu.dma_semaphore, #tpu.memory_space<semaphore_mem>>)
        %dma_wait3A = tpu.memref_slice %arg2[%mul3A_62] : memref<2162688xi32, #tpu.memory_space<hbm>> -> memref<8192xi32, #tpu.memory_space<hbm>>
        %dma_wait3A_75 = tpu.memref_slice %arg2[%mul3A_62] : memref<2162688xi32, #tpu.memory_space<hbm>> -> memref<8192xi32, #tpu.memory_space<hbm>>
        tpu.wait_dma2 semaphore(%run_scoped3A_73 : memref<!tpu.dma_semaphore, #tpu.memory_space<semaphore_mem>>) src(%dma_wait3A_75 : memref<8192xi32, #tpu.memory_space<hbm>>) dst(%arg5 : memref<8192xi32, #tpu.memory_space<vmem>>)
        tpu.yield
      }) : () -> ()
      %scan3A = arith.constant 0 : i32
      %scan3A_63 = arith.constant 0 : i32
      %scan3A_64 = arith.constant 128 : i32
      %scan3A_65 = arith.addi %scan3A_63, %scan3A_64 : i32
      %scan3A_66 = arith.constant 1 : i32
      scf.for %scan3A_73 = %scan3A_63 to %scan3A_65 step %scan3A_66  : i32 {
        %mul3A_74 = arith.constant 64 : i32
        %mul3A_75 = arith.muli %scan3A_73, %mul3A_74 : i32
        %add3A_76 = arith.constant 0 : i32
        %add3A_77 = arith.addi %mul3A_75, %add3A_76 : i32
        %get3A = arith.index_cast %add3A_77 : i32 to index
        %get3A_78 = tpu.vector_load %arg5[%get3A] {strides = array<i32>} : memref<8192xi32, #tpu.memory_space<vmem>>, vector<16xi32>,
        %shift_right_logical3A = arith.constant 12 : i32
        %shift_right_logical3A_79 = vector.broadcast %shift_right_logical3A : i32 to vector<16xi32>
        %shift_right_logical3A_80 = arith.shrui %get3A_78, %shift_right_logical3A_79 : vector<16xi32>
        %and3A = arith.constant 4095 : i32
        %and3A_81 = vector.broadcast %and3A : i32 to vector<16xi32>
        %and3A_82 = arith.andi %get3A_78, %and3A_81 : vector<16xi32>
        %gather3A = tpu.vector_load_idx %arg6[%shift_right_logical3A_80] : memref<2064xf32, #tpu.memory_space<vmem>>[vector<16xi32>], vector<16xf32>,
        %gather3A_83 = tpu.vector_load_idx %arg8[%and3A_82] : memref<2064xf32, #tpu.memory_space<vmem>>[vector<16xi32>], vector<16xf32>,
        %add3A_84 = arith.addf %gather3A, %gather3A_83 : vector<16xf32>
        %swap3A = arith.index_cast %add3A_77 : i32 to index
        %swap3A_85 = tpu.vector_load %arg10[%swap3A] {strides = array<i32>} : memref<8192xf32, #tpu.memory_space<vmem>>, vector<16xf32>,
        tpu.vector_store %arg10[%swap3A], %add3A_84 {strides = array<i32>} : memref<8192xf32, #tpu.memory_space<vmem>>, vector<16xf32>,
        %gather3A_86 = tpu.vector_load_idx %arg7[%shift_right_logical3A_80] : memref<2064xf32, #tpu.memory_space<vmem>>[vector<16xi32>], vector<16xf32>,
        %gather3A_87 = tpu.vector_load_idx %arg9[%and3A_82] : memref<2064xf32, #tpu.memory_space<vmem>>[vector<16xi32>], vector<16xf32>,
        %add3A_88 = arith.addf %gather3A_86, %gather3A_87 : vector<16xf32>
        %swap3A_89 = arith.index_cast %add3A_77 : i32 to index
        %swap3A_90 = tpu.vector_load %arg11[%swap3A_89] {strides = array<i32>} : memref<8192xf32, #tpu.memory_space<vmem>>, vector<16xf32>,
        tpu.vector_store %arg11[%swap3A_89], %add3A_88 {strides = array<i32>} : memref<8192xf32, #tpu.memory_space<vmem>>, vector<16xf32>,
        %mul3A_91 = arith.constant 64 : i32
        %mul3A_92 = arith.muli %scan3A_73, %mul3A_91 : i32
        %add3A_93 = arith.constant 16 : i32
        %add3A_94 = arith.addi %mul3A_92, %add3A_93 : i32
        %get3A_95 = arith.index_cast %add3A_94 : i32 to index
        %get3A_96 = tpu.vector_load %arg5[%get3A_95] {strides = array<i32>} : memref<8192xi32, #tpu.memory_space<vmem>>, vector<16xi32>,
        %shift_right_logical3A_97 = arith.constant 12 : i32
        %shift_right_logical3A_98 = vector.broadcast %shift_right_logical3A_97 : i32 to vector<16xi32>
        %shift_right_logical3A_99 = arith.shrui %get3A_96, %shift_right_logical3A_98 : vector<16xi32>
        %and3A_100 = arith.constant 4095 : i32
        %and3A_101 = vector.broadcast %and3A_100 : i32 to vector<16xi32>
        %and3A_102 = arith.andi %get3A_96, %and3A_101 : vector<16xi32>
        %gather3A_103 = tpu.vector_load_idx %arg6[%shift_right_logical3A_99] : memref<2064xf32, #tpu.memory_space<vmem>>[vector<16xi32>], vector<16xf32>,
        %gather3A_104 = tpu.vector_load_idx %arg8[%and3A_102] : memref<2064xf32, #tpu.memory_space<vmem>>[vector<16xi32>], vector<16xf32>,
        %add3A_105 = arith.addf %gather3A_103, %gather3A_104 : vector<16xf32>
        %swap3A_106 = arith.index_cast %add3A_94 : i32 to index
        %swap3A_107 = tpu.vector_load %arg10[%swap3A_106] {strides = array<i32>} : memref<8192xf32, #tpu.memory_space<vmem>>, vector<16xf32>,
        tpu.vector_store %arg10[%swap3A_106], %add3A_105 {strides = array<i32>} : memref<8192xf32, #tpu.memory_space<vmem>>, vector<16xf32>,
        %gather3A_108 = tpu.vector_load_idx %arg7[%shift_right_logical3A_99] : memref<2064xf32, #tpu.memory_space<vmem>>[vector<16xi32>], vector<16xf32>,
        %gather3A_109 = tpu.vector_load_idx %arg9[%and3A_102] : memref<2064xf32, #tpu.memory_space<vmem>>[vector<16xi32>], vector<16xf32>,
        %add3A_110 = arith.addf %gather3A_108, %gather3A_109 : vector<16xf32>
        %swap3A_111 = arith.index_cast %add3A_94 : i32 to index
        %swap3A_112 = tpu.vector_load %arg11[%swap3A_111] {strides = array<i32>} : memref<8192xf32, #tpu.memory_space<vmem>>, vector<16xf32>,
        tpu.vector_store %arg11[%swap3A_111], %add3A_110 {strides = array<i32>} : memref<8192xf32, #tpu.memory_space<vmem>>, vector<16xf32>,
        %mul3A_113 = arith.constant 64 : i32
        %mul3A_114 = arith.muli %scan3A_73, %mul3A_113 : i32
        %add3A_115 = arith.constant 32 : i32
        %add3A_116 = arith.addi %mul3A_114, %add3A_115 : i32
        %get3A_117 = arith.index_cast %add3A_116 : i32 to index
        %get3A_118 = tpu.vector_load %arg5[%get3A_117] {strides = array<i32>} : memref<8192xi32, #tpu.memory_space<vmem>>, vector<16xi32>,
        %shift_right_logical3A_119 = arith.constant 12 : i32
        %shift_right_logical3A_120 = vector.broadcast %shift_right_logical3A_119 : i32 to vector<16xi32>
        %shift_right_logical3A_121 = arith.shrui %get3A_118, %shift_right_logical3A_120 : vector<16xi32>
        %and3A_122 = arith.constant 4095 : i32
        %and3A_123 = vector.broadcast %and3A_122 : i32 to vector<16xi32>
        %and3A_124 = arith.andi %get3A_118, %and3A_123 : vector<16xi32>
        %gather3A_125 = tpu.vector_load_idx %arg6[%shift_right_logical3A_121] : memref<2064xf32, #tpu.memory_space<vmem>>[vector<16xi32>], vector<16xf32>,
        %gather3A_126 = tpu.vector_load_idx %arg8[%and3A_124] : memref<2064xf32, #tpu.memory_space<vmem>>[vector<16xi32>], vector<16xf32>,
        %add3A_127 = arith.addf %gather3A_125, %gather3A_126 : vector<16xf32>
        %swap3A_128 = arith.index_cast %add3A_116 : i32 to index
        %swap3A_129 = tpu.vector_load %arg10[%swap3A_128] {strides = array<i32>} : memref<8192xf32, #tpu.memory_space<vmem>>, vector<16xf32>,
        tpu.vector_store %arg10[%swap3A_128], %add3A_127 {strides = array<i32>} : memref<8192xf32, #tpu.memory_space<vmem>>, vector<16xf32>,
        %gather3A_130 = tpu.vector_load_idx %arg7[%shift_right_logical3A_121] : memref<2064xf32, #tpu.memory_space<vmem>>[vector<16xi32>], vector<16xf32>,
        %gather3A_131 = tpu.vector_load_idx %arg9[%and3A_124] : memref<2064xf32, #tpu.memory_space<vmem>>[vector<16xi32>], vector<16xf32>,
        %add3A_132 = arith.addf %gather3A_130, %gather3A_131 : vector<16xf32>
        %swap3A_133 = arith.index_cast %add3A_116 : i32 to index
        %swap3A_134 = tpu.vector_load %arg11[%swap3A_133] {strides = array<i32>} : memref<8192xf32, #tpu.memory_space<vmem>>, vector<16xf32>,
        tpu.vector_store %arg11[%swap3A_133], %add3A_132 {strides = array<i32>} : memref<8192xf32, #tpu.memory_space<vmem>>, vector<16xf32>,
        %mul3A_135 = arith.constant 64 : i32
        %mul3A_136 = arith.muli %scan3A_73, %mul3A_135 : i32
        %add3A_137 = arith.constant 48 : i32
        %add3A_138 = arith.addi %mul3A_136, %add3A_137 : i32
        %get3A_139 = arith.index_cast %add3A_138 : i32 to index
        %get3A_140 = tpu.vector_load %arg5[%get3A_139] {strides = array<i32>} : memref<8192xi32, #tpu.memory_space<vmem>>, vector<16xi32>,
        %shift_right_logical3A_141 = arith.constant 12 : i32
        %shift_right_logical3A_142 = vector.broadcast %shift_right_logical3A_141 : i32 to vector<16xi32>
        %shift_right_logical3A_143 = arith.shrui %get3A_140, %shift_right_logical3A_142 : vector<16xi32>
        %and3A_144 = arith.constant 4095 : i32
        %and3A_145 = vector.broadcast %and3A_144 : i32 to vector<16xi32>
        %and3A_146 = arith.andi %get3A_140, %and3A_145 : vector<16xi32>
        %gather3A_147 = tpu.vector_load_idx %arg6[%shift_right_logical3A_143] : memref<2064xf32, #tpu.memory_space<vmem>>[vector<16xi32>], vector<16xf32>,
        %gather3A_148 = tpu.vector_load_idx %arg8[%and3A_146] : memref<2064xf32, #tpu.memory_space<vmem>>[vector<16xi32>], vector<16xf32>,
        %add3A_149 = arith.addf %gather3A_147, %gather3A_148 : vector<16xf32>
        %swap3A_150 = arith.index_cast %add3A_138 : i32 to index
        %swap3A_151 = tpu.vector_load %arg10[%swap3A_150] {strides = array<i32>} : memref<8192xf32, #tpu.memory_space<vmem>>, vector<16xf32>,
        tpu.vector_store %arg10[%swap3A_150], %add3A_149 {strides = array<i32>} : memref<8192xf32, #tpu.memory_space<vmem>>, vector<16xf32>,
        %gather3A_152 = tpu.vector_load_idx %arg7[%shift_right_logical3A_143] : memref<2064xf32, #tpu.memory_space<vmem>>[vector<16xi32>], vector<16xf32>,
        %gather3A_153 = tpu.vector_load_idx %arg9[%and3A_146] : memref<2064xf32, #tpu.memory_space<vmem>>[vector<16xi32>], vector<16xf32>,
        %add3A_154 = arith.addf %gather3A_152, %gather3A_153 : vector<16xf32>
        %swap3A_155 = arith.index_cast %add3A_138 : i32 to index
        %swap3A_156 = tpu.vector_load %arg11[%swap3A_155] {strides = array<i32>} : memref<8192xf32, #tpu.memory_space<vmem>>, vector<16xf32>,
        tpu.vector_store %arg11[%swap3A_155], %add3A_154 {strides = array<i32>} : memref<8192xf32, #tpu.memory_space<vmem>>, vector<16xf32>,
      }
      %scan3A_67 = arith.constant 128 : i32
      %mul3A_68 = arith.constant 8192 : i32
      %mul3A_69 = arith.muli %add3A_6, %mul3A_68 : i32
      %run_scoped3A = arith.constant 0 : i32
      "tpu.region"() ({
        %run_scoped3A_73 = tpu.sem_alloc : memref<!tpu.dma_semaphore, #tpu.memory_space<semaphore_mem>>
        %dma_start3A = tpu.memref_slice %arg4[%run_scoped3A, %mul3A_69] : memref<2x2162688xf32, #tpu.memory_space<hbm>> -> memref<1x8192xf32, #tpu.memory_space<hbm>>
        %dma_start3A_74 = tpu.memref_squeeze %dma_start3A : memref<1x8192xf32, #tpu.memory_space<hbm>> -> memref<8192xf32, #tpu.memory_space<hbm>>
        %dma_start3A_75 = tpu.memref_slice %arg4[%run_scoped3A, %mul3A_69] : memref<2x2162688xf32, #tpu.memory_space<hbm>> -> memref<1x8192xf32, #tpu.memory_space<hbm>>
        %dma_start3A_76 = tpu.memref_squeeze %dma_start3A_75 : memref<1x8192xf32, #tpu.memory_space<hbm>> -> memref<8192xf32, #tpu.memory_space<hbm>>
        tpu.enqueue_dma source(%arg10 : memref<8192xf32, #tpu.memory_space<vmem>>) target(%dma_start3A_76 : memref<8192xf32, #tpu.memory_space<hbm>>) target_semaphore(%run_scoped3A_73 : memref<!tpu.dma_semaphore, #tpu.memory_space<semaphore_mem>>)
        %dma_wait3A = tpu.memref_slice %arg4[%run_scoped3A, %mul3A_69] : memref<2x2162688xf32, #tpu.memory_space<hbm>> -> memref<1x8192xf32, #tpu.memory_space<hbm>>
        %dma_wait3A_77 = tpu.memref_squeeze %dma_wait3A : memref<1x8192xf32, #tpu.memory_space<hbm>> -> memref<8192xf32, #tpu.memory_space<hbm>>
        %dma_wait3A_78 = tpu.memref_slice %arg4[%run_scoped3A, %mul3A_69] : memref<2x2162688xf32, #tpu.memory_space<hbm>> -> memref<1x8192xf32, #tpu.memory_space<hbm>>
        %dma_wait3A_79 = tpu.memref_squeeze %dma_wait3A_78 : memref<1x8192xf32, #tpu.memory_space<hbm>> -> memref<8192xf32, #tpu.memory_space<hbm>>
        tpu.wait_dma2 semaphore(%run_scoped3A_73 : memref<!tpu.dma_semaphore, #tpu.memory_space<semaphore_mem>>) src(%arg10 : memref<8192xf32, #tpu.memory_space<vmem>>) dst(%dma_wait3A_79 : memref<8192xf32, #tpu.memory_space<hbm>>)
        tpu.yield
      }) : () -> ()
      %mul3A_70 = arith.constant 8192 : i32
      %mul3A_71 = arith.muli %add3A_6, %mul3A_70 : i32
      %run_scoped3A_72 = arith.constant 1 : i32
      "tpu.region"() ({
        %run_scoped3A_73 = tpu.sem_alloc : memref<!tpu.dma_semaphore, #tpu.memory_space<semaphore_mem>>
        %dma_start3A = tpu.memref_slice %arg4[%run_scoped3A_72, %mul3A_71] : memref<2x2162688xf32, #tpu.memory_space<hbm>> -> memref<1x8192xf32, #tpu.memory_space<hbm>>
        %dma_start3A_74 = tpu.memref_squeeze %dma_start3A : memref<1x8192xf32, #tpu.memory_space<hbm>> -> memref<8192xf32, #tpu.memory_space<hbm>>
        %dma_start3A_75 = tpu.memref_slice %arg4[%run_scoped3A_72, %mul3A_71] : memref<2x2162688xf32, #tpu.memory_space<hbm>> -> memref<1x8192xf32, #tpu.memory_space<hbm>>
        %dma_start3A_76 = tpu.memref_squeeze %dma_start3A_75 : memref<1x8192xf32, #tpu.memory_space<hbm>> -> memref<8192xf32, #tpu.memory_space<hbm>>
        tpu.enqueue_dma source(%arg11 : memref<8192xf32, #tpu.memory_space<vmem>>) target(%dma_start3A_76 : memref<8192xf32, #tpu.memory_space<hbm>>) target_semaphore(%run_scoped3A_73 : memref<!tpu.dma_semaphore, #tpu.memory_space<semaphore_mem>>)
        %dma_wait3A = tpu.memref_slice %arg4[%run_scoped3A_72, %mul3A_71] : memref<2x2162688xf32, #tpu.memory_space<hbm>> -> memref<1x8192xf32, #tpu.memory_space<hbm>>
        %dma_wait3A_77 = tpu.memref_squeeze %dma_wait3A : memref<1x8192xf32, #tpu.memory_space<hbm>> -> memref<8192xf32, #tpu.memory_space<hbm>>
        %dma_wait3A_78 = tpu.memref_slice %arg4[%run_scoped3A_72, %mul3A_71] : memref<2x2162688xf32, #tpu.memory_space<hbm>> -> memref<1x8192xf32, #tpu.memory_space<hbm>>
        %dma_wait3A_79 = tpu.memref_squeeze %dma_wait3A_78 : memref<1x8192xf32, #tpu.memory_space<hbm>> -> memref<8192xf32, #tpu.memory_space<hbm>>
        tpu.wait_dma2 semaphore(%run_scoped3A_73 : memref<!tpu.dma_semaphore, #tpu.memory_space<semaphore_mem>>) src(%arg11 : memref<8192xf32, #tpu.memory_space<vmem>>) dst(%dma_wait3A_79 : memref<8192xf32, #tpu.memory_space<hbm>>)
        tpu.yield
      }) : () -> ()
    } else {
    }
    %add3A_12 = arith.constant 64 : i32
    %add3A_13 = arith.addi %add3A_12, %add3A : i32
    %lt3A_14 = arith.constant 264 : i32
    %lt3A_15 = arith.cmpi slt, %add3A_13, %lt3A_14 : i32
    %convert_element_type3A_16 = arith.extui %lt3A_15 : i1 to i32
    %cond3A_17 = arith.constant 0 : i32
    %cond3A_18 = arith.cmpi ne, %convert_element_type3A_16, %cond3A_17 : i32
    scf.if %cond3A_18 {
      %mul3A_61 = arith.constant 8192 : i32
      %mul3A_62 = arith.muli %add3A_13, %mul3A_61 : i32
      "tpu.region"() ({
        %run_scoped3A_73 = tpu.sem_alloc : memref<!tpu.dma_semaphore, #tpu.memory_space<semaphore_mem>>
        %dma_start3A = tpu.memref_slice %arg2[%mul3A_62] : memref<2162688xi32, #tpu.memory_space<hbm>> -> memref<8192xi32, #tpu.memory_space<hbm>>
        %dma_start3A_74 = tpu.memref_slice %arg2[%mul3A_62] : memref<2162688xi32, #tpu.memory_space<hbm>> -> memref<8192xi32, #tpu.memory_space<hbm>>
        tpu.enqueue_dma source(%dma_start3A_74 : memref<8192xi32, #tpu.memory_space<hbm>>) target(%arg5 : memref<8192xi32, #tpu.memory_space<vmem>>) target_semaphore(%run_scoped3A_73 : memref<!tpu.dma_semaphore, #tpu.memory_space<semaphore_mem>>)
        %dma_wait3A = tpu.memref_slice %arg2[%mul3A_62] : memref<2162688xi32, #tpu.memory_space<hbm>> -> memref<8192xi32, #tpu.memory_space<hbm>>
        %dma_wait3A_75 = tpu.memref_slice %arg2[%mul3A_62] : memref<2162688xi32, #tpu.memory_space<hbm>> -> memref<8192xi32, #tpu.memory_space<hbm>>
        tpu.wait_dma2 semaphore(%run_scoped3A_73 : memref<!tpu.dma_semaphore, #tpu.memory_space<semaphore_mem>>) src(%dma_wait3A_75 : memref<8192xi32, #tpu.memory_space<hbm>>) dst(%arg5 : memref<8192xi32, #tpu.memory_space<vmem>>)
        tpu.yield
      }) : () -> ()
      %scan3A = arith.constant 0 : i32
      %scan3A_63 = arith.constant 0 : i32
      %scan3A_64 = arith.constant 128 : i32
      %scan3A_65 = arith.addi %scan3A_63, %scan3A_64 : i32
      %scan3A_66 = arith.constant 1 : i32
      scf.for %scan3A_73 = %scan3A_63 to %scan3A_65 step %scan3A_66  : i32 {
        %mul3A_74 = arith.constant 64 : i32
        %mul3A_75 = arith.muli %scan3A_73, %mul3A_74 : i32
        %add3A_76 = arith.constant 0 : i32
        %add3A_77 = arith.addi %mul3A_75, %add3A_76 : i32
        %get3A = arith.index_cast %add3A_77 : i32 to index
        %get3A_78 = tpu.vector_load %arg5[%get3A] {strides = array<i32>} : memref<8192xi32, #tpu.memory_space<vmem>>, vector<16xi32>,
        %shift_right_logical3A = arith.constant 12 : i32
        %shift_right_logical3A_79 = vector.broadcast %shift_right_logical3A : i32 to vector<16xi32>
        %shift_right_logical3A_80 = arith.shrui %get3A_78, %shift_right_logical3A_79 : vector<16xi32>
        %and3A = arith.constant 4095 : i32
        %and3A_81 = vector.broadcast %and3A : i32 to vector<16xi32>
        %and3A_82 = arith.andi %get3A_78, %and3A_81 : vector<16xi32>
        %gather3A = tpu.vector_load_idx %arg6[%shift_right_logical3A_80] : memref<2064xf32, #tpu.memory_space<vmem>>[vector<16xi32>], vector<16xf32>,
        %gather3A_83 = tpu.vector_load_idx %arg8[%and3A_82] : memref<2064xf32, #tpu.memory_space<vmem>>[vector<16xi32>], vector<16xf32>,
        %add3A_84 = arith.addf %gather3A, %gather3A_83 : vector<16xf32>
        %swap3A = arith.index_cast %add3A_77 : i32 to index
        %swap3A_85 = tpu.vector_load %arg10[%swap3A] {strides = array<i32>} : memref<8192xf32, #tpu.memory_space<vmem>>, vector<16xf32>,
        tpu.vector_store %arg10[%swap3A], %add3A_84 {strides = array<i32>} : memref<8192xf32, #tpu.memory_space<vmem>>, vector<16xf32>,
        %gather3A_86 = tpu.vector_load_idx %arg7[%shift_right_logical3A_80] : memref<2064xf32, #tpu.memory_space<vmem>>[vector<16xi32>], vector<16xf32>,
        %gather3A_87 = tpu.vector_load_idx %arg9[%and3A_82] : memref<2064xf32, #tpu.memory_space<vmem>>[vector<16xi32>], vector<16xf32>,
        %add3A_88 = arith.addf %gather3A_86, %gather3A_87 : vector<16xf32>
        %swap3A_89 = arith.index_cast %add3A_77 : i32 to index
        %swap3A_90 = tpu.vector_load %arg11[%swap3A_89] {strides = array<i32>} : memref<8192xf32, #tpu.memory_space<vmem>>, vector<16xf32>,
        tpu.vector_store %arg11[%swap3A_89], %add3A_88 {strides = array<i32>} : memref<8192xf32, #tpu.memory_space<vmem>>, vector<16xf32>,
        %mul3A_91 = arith.constant 64 : i32
        %mul3A_92 = arith.muli %scan3A_73, %mul3A_91 : i32
        %add3A_93 = arith.constant 16 : i32
        %add3A_94 = arith.addi %mul3A_92, %add3A_93 : i32
        %get3A_95 = arith.index_cast %add3A_94 : i32 to index
        %get3A_96 = tpu.vector_load %arg5[%get3A_95] {strides = array<i32>} : memref<8192xi32, #tpu.memory_space<vmem>>, vector<16xi32>,
        %shift_right_logical3A_97 = arith.constant 12 : i32
        %shift_right_logical3A_98 = vector.broadcast %shift_right_logical3A_97 : i32 to vector<16xi32>
        %shift_right_logical3A_99 = arith.shrui %get3A_96, %shift_right_logical3A_98 : vector<16xi32>
        %and3A_100 = arith.constant 4095 : i32
        %and3A_101 = vector.broadcast %and3A_100 : i32 to vector<16xi32>
        %and3A_102 = arith.andi %get3A_96, %and3A_101 : vector<16xi32>
        %gather3A_103 = tpu.vector_load_idx %arg6[%shift_right_logical3A_99] : memref<2064xf32, #tpu.memory_space<vmem>>[vector<16xi32>], vector<16xf32>,
        %gather3A_104 = tpu.vector_load_idx %arg8[%and3A_102] : memref<2064xf32, #tpu.memory_space<vmem>>[vector<16xi32>], vector<16xf32>,
        %add3A_105 = arith.addf %gather3A_103, %gather3A_104 : vector<16xf32>
        %swap3A_106 = arith.index_cast %add3A_94 : i32 to index
        %swap3A_107 = tpu.vector_load %arg10[%swap3A_106] {strides = array<i32>} : memref<8192xf32, #tpu.memory_space<vmem>>, vector<16xf32>,
        tpu.vector_store %arg10[%swap3A_106], %add3A_105 {strides = array<i32>} : memref<8192xf32, #tpu.memory_space<vmem>>, vector<16xf32>,
        %gather3A_108 = tpu.vector_load_idx %arg7[%shift_right_logical3A_99] : memref<2064xf32, #tpu.memory_space<vmem>>[vector<16xi32>], vector<16xf32>,
        %gather3A_109 = tpu.vector_load_idx %arg9[%and3A_102] : memref<2064xf32, #tpu.memory_space<vmem>>[vector<16xi32>], vector<16xf32>,
        %add3A_110 = arith.addf %gather3A_108, %gather3A_109 : vector<16xf32>
        %swap3A_111 = arith.index_cast %add3A_94 : i32 to index
        %swap3A_112 = tpu.vector_load %arg11[%swap3A_111] {strides = array<i32>} : memref<8192xf32, #tpu.memory_space<vmem>>, vector<16xf32>,
        tpu.vector_store %arg11[%swap3A_111], %add3A_110 {strides = array<i32>} : memref<8192xf32, #tpu.memory_space<vmem>>, vector<16xf32>,
        %mul3A_113 = arith.constant 64 : i32
        %mul3A_114 = arith.muli %scan3A_73, %mul3A_113 : i32
        %add3A_115 = arith.constant 32 : i32
        %add3A_116 = arith.addi %mul3A_114, %add3A_115 : i32
        %get3A_117 = arith.index_cast %add3A_116 : i32 to index
        %get3A_118 = tpu.vector_load %arg5[%get3A_117] {strides = array<i32>} : memref<8192xi32, #tpu.memory_space<vmem>>, vector<16xi32>,
        %shift_right_logical3A_119 = arith.constant 12 : i32
        %shift_right_logical3A_120 = vector.broadcast %shift_right_logical3A_119 : i32 to vector<16xi32>
        %shift_right_logical3A_121 = arith.shrui %get3A_118, %shift_right_logical3A_120 : vector<16xi32>
        %and3A_122 = arith.constant 4095 : i32
        %and3A_123 = vector.broadcast %and3A_122 : i32 to vector<16xi32>
        %and3A_124 = arith.andi %get3A_118, %and3A_123 : vector<16xi32>
        %gather3A_125 = tpu.vector_load_idx %arg6[%shift_right_logical3A_121] : memref<2064xf32, #tpu.memory_space<vmem>>[vector<16xi32>], vector<16xf32>,
        %gather3A_126 = tpu.vector_load_idx %arg8[%and3A_124] : memref<2064xf32, #tpu.memory_space<vmem>>[vector<16xi32>], vector<16xf32>,
        %add3A_127 = arith.addf %gather3A_125, %gather3A_126 : vector<16xf32>
        %swap3A_128 = arith.index_cast %add3A_116 : i32 to index
        %swap3A_129 = tpu.vector_load %arg10[%swap3A_128] {strides = array<i32>} : memref<8192xf32, #tpu.memory_space<vmem>>, vector<16xf32>,
        tpu.vector_store %arg10[%swap3A_128], %add3A_127 {strides = array<i32>} : memref<8192xf32, #tpu.memory_space<vmem>>, vector<16xf32>,
        %gather3A_130 = tpu.vector_load_idx %arg7[%shift_right_logical3A_121] : memref<2064xf32, #tpu.memory_space<vmem>>[vector<16xi32>], vector<16xf32>,
        %gather3A_131 = tpu.vector_load_idx %arg9[%and3A_124] : memref<2064xf32, #tpu.memory_space<vmem>>[vector<16xi32>], vector<16xf32>,
        %add3A_132 = arith.addf %gather3A_130, %gather3A_131 : vector<16xf32>
        %swap3A_133 = arith.index_cast %add3A_116 : i32 to index
        %swap3A_134 = tpu.vector_load %arg11[%swap3A_133] {strides = array<i32>} : memref<8192xf32, #tpu.memory_space<vmem>>, vector<16xf32>,
        tpu.vector_store %arg11[%swap3A_133], %add3A_132 {strides = array<i32>} : memref<8192xf32, #tpu.memory_space<vmem>>, vector<16xf32>,
        %mul3A_135 = arith.constant 64 : i32
        %mul3A_136 = arith.muli %scan3A_73, %mul3A_135 : i32
        %add3A_137 = arith.constant 48 : i32
        %add3A_138 = arith.addi %mul3A_136, %add3A_137 : i32
        %get3A_139 = arith.index_cast %add3A_138 : i32 to index
        %get3A_140 = tpu.vector_load %arg5[%get3A_139] {strides = array<i32>} : memref<8192xi32, #tpu.memory_space<vmem>>, vector<16xi32>,
        %shift_right_logical3A_141 = arith.constant 12 : i32
        %shift_right_logical3A_142 = vector.broadcast %shift_right_logical3A_141 : i32 to vector<16xi32>
        %shift_right_logical3A_143 = arith.shrui %get3A_140, %shift_right_logical3A_142 : vector<16xi32>
        %and3A_144 = arith.constant 4095 : i32
        %and3A_145 = vector.broadcast %and3A_144 : i32 to vector<16xi32>
        %and3A_146 = arith.andi %get3A_140, %and3A_145 : vector<16xi32>
        %gather3A_147 = tpu.vector_load_idx %arg6[%shift_right_logical3A_143] : memref<2064xf32, #tpu.memory_space<vmem>>[vector<16xi32>], vector<16xf32>,
        %gather3A_148 = tpu.vector_load_idx %arg8[%and3A_146] : memref<2064xf32, #tpu.memory_space<vmem>>[vector<16xi32>], vector<16xf32>,
        %add3A_149 = arith.addf %gather3A_147, %gather3A_148 : vector<16xf32>
        %swap3A_150 = arith.index_cast %add3A_138 : i32 to index
        %swap3A_151 = tpu.vector_load %arg10[%swap3A_150] {strides = array<i32>} : memref<8192xf32, #tpu.memory_space<vmem>>, vector<16xf32>,
        tpu.vector_store %arg10[%swap3A_150], %add3A_149 {strides = array<i32>} : memref<8192xf32, #tpu.memory_space<vmem>>, vector<16xf32>,
        %gather3A_152 = tpu.vector_load_idx %arg7[%shift_right_logical3A_143] : memref<2064xf32, #tpu.memory_space<vmem>>[vector<16xi32>], vector<16xf32>,
        %gather3A_153 = tpu.vector_load_idx %arg9[%and3A_146] : memref<2064xf32, #tpu.memory_space<vmem>>[vector<16xi32>], vector<16xf32>,
        %add3A_154 = arith.addf %gather3A_152, %gather3A_153 : vector<16xf32>
        %swap3A_155 = arith.index_cast %add3A_138 : i32 to index
        %swap3A_156 = tpu.vector_load %arg11[%swap3A_155] {strides = array<i32>} : memref<8192xf32, #tpu.memory_space<vmem>>, vector<16xf32>,
        tpu.vector_store %arg11[%swap3A_155], %add3A_154 {strides = array<i32>} : memref<8192xf32, #tpu.memory_space<vmem>>, vector<16xf32>,
      }
      %scan3A_67 = arith.constant 128 : i32
      %mul3A_68 = arith.constant 8192 : i32
      %mul3A_69 = arith.muli %add3A_13, %mul3A_68 : i32
      %run_scoped3A = arith.constant 0 : i32
      "tpu.region"() ({
        %run_scoped3A_73 = tpu.sem_alloc : memref<!tpu.dma_semaphore, #tpu.memory_space<semaphore_mem>>
        %dma_start3A = tpu.memref_slice %arg4[%run_scoped3A, %mul3A_69] : memref<2x2162688xf32, #tpu.memory_space<hbm>> -> memref<1x8192xf32, #tpu.memory_space<hbm>>
        %dma_start3A_74 = tpu.memref_squeeze %dma_start3A : memref<1x8192xf32, #tpu.memory_space<hbm>> -> memref<8192xf32, #tpu.memory_space<hbm>>
        %dma_start3A_75 = tpu.memref_slice %arg4[%run_scoped3A, %mul3A_69] : memref<2x2162688xf32, #tpu.memory_space<hbm>> -> memref<1x8192xf32, #tpu.memory_space<hbm>>
        %dma_start3A_76 = tpu.memref_squeeze %dma_start3A_75 : memref<1x8192xf32, #tpu.memory_space<hbm>> -> memref<8192xf32, #tpu.memory_space<hbm>>
        tpu.enqueue_dma source(%arg10 : memref<8192xf32, #tpu.memory_space<vmem>>) target(%dma_start3A_76 : memref<8192xf32, #tpu.memory_space<hbm>>) target_semaphore(%run_scoped3A_73 : memref<!tpu.dma_semaphore, #tpu.memory_space<semaphore_mem>>)
        %dma_wait3A = tpu.memref_slice %arg4[%run_scoped3A, %mul3A_69] : memref<2x2162688xf32, #tpu.memory_space<hbm>> -> memref<1x8192xf32, #tpu.memory_space<hbm>>
        %dma_wait3A_77 = tpu.memref_squeeze %dma_wait3A : memref<1x8192xf32, #tpu.memory_space<hbm>> -> memref<8192xf32, #tpu.memory_space<hbm>>
        %dma_wait3A_78 = tpu.memref_slice %arg4[%run_scoped3A, %mul3A_69] : memref<2x2162688xf32, #tpu.memory_space<hbm>> -> memref<1x8192xf32, #tpu.memory_space<hbm>>
        %dma_wait3A_79 = tpu.memref_squeeze %dma_wait3A_78 : memref<1x8192xf32, #tpu.memory_space<hbm>> -> memref<8192xf32, #tpu.memory_space<hbm>>
        tpu.wait_dma2 semaphore(%run_scoped3A_73 : memref<!tpu.dma_semaphore, #tpu.memory_space<semaphore_mem>>) src(%arg10 : memref<8192xf32, #tpu.memory_space<vmem>>) dst(%dma_wait3A_79 : memref<8192xf32, #tpu.memory_space<hbm>>)
        tpu.yield
      }) : () -> ()
      %mul3A_70 = arith.constant 8192 : i32
      %mul3A_71 = arith.muli %add3A_13, %mul3A_70 : i32
      %run_scoped3A_72 = arith.constant 1 : i32
      "tpu.region"() ({
        %run_scoped3A_73 = tpu.sem_alloc : memref<!tpu.dma_semaphore, #tpu.memory_space<semaphore_mem>>
        %dma_start3A = tpu.memref_slice %arg4[%run_scoped3A_72, %mul3A_71] : memref<2x2162688xf32, #tpu.memory_space<hbm>> -> memref<1x8192xf32, #tpu.memory_space<hbm>>
        %dma_start3A_74 = tpu.memref_squeeze %dma_start3A : memref<1x8192xf32, #tpu.memory_space<hbm>> -> memref<8192xf32, #tpu.memory_space<hbm>>
        %dma_start3A_75 = tpu.memref_slice %arg4[%run_scoped3A_72, %mul3A_71] : memref<2x2162688xf32, #tpu.memory_space<hbm>> -> memref<1x8192xf32, #tpu.memory_space<hbm>>
        %dma_start3A_76 = tpu.memref_squeeze %dma_start3A_75 : memref<1x8192xf32, #tpu.memory_space<hbm>> -> memref<8192xf32, #tpu.memory_space<hbm>>
        tpu.enqueue_dma source(%arg11 : memref<8192xf32, #tpu.memory_space<vmem>>) target(%dma_start3A_76 : memref<8192xf32, #tpu.memory_space<hbm>>) target_semaphore(%run_scoped3A_73 : memref<!tpu.dma_semaphore, #tpu.memory_space<semaphore_mem>>)
        %dma_wait3A = tpu.memref_slice %arg4[%run_scoped3A_72, %mul3A_71] : memref<2x2162688xf32, #tpu.memory_space<hbm>> -> memref<1x8192xf32, #tpu.memory_space<hbm>>
        %dma_wait3A_77 = tpu.memref_squeeze %dma_wait3A : memref<1x8192xf32, #tpu.memory_space<hbm>> -> memref<8192xf32, #tpu.memory_space<hbm>>
        %dma_wait3A_78 = tpu.memref_slice %arg4[%run_scoped3A_72, %mul3A_71] : memref<2x2162688xf32, #tpu.memory_space<hbm>> -> memref<1x8192xf32, #tpu.memory_space<hbm>>
        %dma_wait3A_79 = tpu.memref_squeeze %dma_wait3A_78 : memref<1x8192xf32, #tpu.memory_space<hbm>> -> memref<8192xf32, #tpu.memory_space<hbm>>
        tpu.wait_dma2 semaphore(%run_scoped3A_73 : memref<!tpu.dma_semaphore, #tpu.memory_space<semaphore_mem>>) src(%arg11 : memref<8192xf32, #tpu.memory_space<vmem>>) dst(%dma_wait3A_79 : memref<8192xf32, #tpu.memory_space<hbm>>)
        tpu.yield
      }) : () -> ()
    } else {
    }
    %add3A_19 = arith.constant 96 : i32
    %add3A_20 = arith.addi %add3A_19, %add3A : i32
    %lt3A_21 = arith.constant 264 : i32
    %lt3A_22 = arith.cmpi slt, %add3A_20, %lt3A_21 : i32
    %convert_element_type3A_23 = arith.extui %lt3A_22 : i1 to i32
    %cond3A_24 = arith.constant 0 : i32
    %cond3A_25 = arith.cmpi ne, %convert_element_type3A_23, %cond3A_24 : i32
    scf.if %cond3A_25 {
      %mul3A_61 = arith.constant 8192 : i32
      %mul3A_62 = arith.muli %add3A_20, %mul3A_61 : i32
      "tpu.region"() ({
        %run_scoped3A_73 = tpu.sem_alloc : memref<!tpu.dma_semaphore, #tpu.memory_space<semaphore_mem>>
        %dma_start3A = tpu.memref_slice %arg2[%mul3A_62] : memref<2162688xi32, #tpu.memory_space<hbm>> -> memref<8192xi32, #tpu.memory_space<hbm>>
        %dma_start3A_74 = tpu.memref_slice %arg2[%mul3A_62] : memref<2162688xi32, #tpu.memory_space<hbm>> -> memref<8192xi32, #tpu.memory_space<hbm>>
        tpu.enqueue_dma source(%dma_start3A_74 : memref<8192xi32, #tpu.memory_space<hbm>>) target(%arg5 : memref<8192xi32, #tpu.memory_space<vmem>>) target_semaphore(%run_scoped3A_73 : memref<!tpu.dma_semaphore, #tpu.memory_space<semaphore_mem>>)
        %dma_wait3A = tpu.memref_slice %arg2[%mul3A_62] : memref<2162688xi32, #tpu.memory_space<hbm>> -> memref<8192xi32, #tpu.memory_space<hbm>>
        %dma_wait3A_75 = tpu.memref_slice %arg2[%mul3A_62] : memref<2162688xi32, #tpu.memory_space<hbm>> -> memref<8192xi32, #tpu.memory_space<hbm>>
        tpu.wait_dma2 semaphore(%run_scoped3A_73 : memref<!tpu.dma_semaphore, #tpu.memory_space<semaphore_mem>>) src(%dma_wait3A_75 : memref<8192xi32, #tpu.memory_space<hbm>>) dst(%arg5 : memref<8192xi32, #tpu.memory_space<vmem>>)
        tpu.yield
      }) : () -> ()
      %scan3A = arith.constant 0 : i32
      %scan3A_63 = arith.constant 0 : i32
      %scan3A_64 = arith.constant 128 : i32
      %scan3A_65 = arith.addi %scan3A_63, %scan3A_64 : i32
      %scan3A_66 = arith.constant 1 : i32
      scf.for %scan3A_73 = %scan3A_63 to %scan3A_65 step %scan3A_66  : i32 {
        %mul3A_74 = arith.constant 64 : i32
        %mul3A_75 = arith.muli %scan3A_73, %mul3A_74 : i32
        %add3A_76 = arith.constant 0 : i32
        %add3A_77 = arith.addi %mul3A_75, %add3A_76 : i32
        %get3A = arith.index_cast %add3A_77 : i32 to index
        %get3A_78 = tpu.vector_load %arg5[%get3A] {strides = array<i32>} : memref<8192xi32, #tpu.memory_space<vmem>>, vector<16xi32>,
        %shift_right_logical3A = arith.constant 12 : i32
        %shift_right_logical3A_79 = vector.broadcast %shift_right_logical3A : i32 to vector<16xi32>
        %shift_right_logical3A_80 = arith.shrui %get3A_78, %shift_right_logical3A_79 : vector<16xi32>
        %and3A = arith.constant 4095 : i32
        %and3A_81 = vector.broadcast %and3A : i32 to vector<16xi32>
        %and3A_82 = arith.andi %get3A_78, %and3A_81 : vector<16xi32>
        %gather3A = tpu.vector_load_idx %arg6[%shift_right_logical3A_80] : memref<2064xf32, #tpu.memory_space<vmem>>[vector<16xi32>], vector<16xf32>,
        %gather3A_83 = tpu.vector_load_idx %arg8[%and3A_82] : memref<2064xf32, #tpu.memory_space<vmem>>[vector<16xi32>], vector<16xf32>,
        %add3A_84 = arith.addf %gather3A, %gather3A_83 : vector<16xf32>
        %swap3A = arith.index_cast %add3A_77 : i32 to index
        %swap3A_85 = tpu.vector_load %arg10[%swap3A] {strides = array<i32>} : memref<8192xf32, #tpu.memory_space<vmem>>, vector<16xf32>,
        tpu.vector_store %arg10[%swap3A], %add3A_84 {strides = array<i32>} : memref<8192xf32, #tpu.memory_space<vmem>>, vector<16xf32>,
        %gather3A_86 = tpu.vector_load_idx %arg7[%shift_right_logical3A_80] : memref<2064xf32, #tpu.memory_space<vmem>>[vector<16xi32>], vector<16xf32>,
        %gather3A_87 = tpu.vector_load_idx %arg9[%and3A_82] : memref<2064xf32, #tpu.memory_space<vmem>>[vector<16xi32>], vector<16xf32>,
        %add3A_88 = arith.addf %gather3A_86, %gather3A_87 : vector<16xf32>
        %swap3A_89 = arith.index_cast %add3A_77 : i32 to index
        %swap3A_90 = tpu.vector_load %arg11[%swap3A_89] {strides = array<i32>} : memref<8192xf32, #tpu.memory_space<vmem>>, vector<16xf32>,
        tpu.vector_store %arg11[%swap3A_89], %add3A_88 {strides = array<i32>} : memref<8192xf32, #tpu.memory_space<vmem>>, vector<16xf32>,
        %mul3A_91 = arith.constant 64 : i32
        %mul3A_92 = arith.muli %scan3A_73, %mul3A_91 : i32
        %add3A_93 = arith.constant 16 : i32
        %add3A_94 = arith.addi %mul3A_92, %add3A_93 : i32
        %get3A_95 = arith.index_cast %add3A_94 : i32 to index
        %get3A_96 = tpu.vector_load %arg5[%get3A_95] {strides = array<i32>} : memref<8192xi32, #tpu.memory_space<vmem>>, vector<16xi32>,
        %shift_right_logical3A_97 = arith.constant 12 : i32
        %shift_right_logical3A_98 = vector.broadcast %shift_right_logical3A_97 : i32 to vector<16xi32>
        %shift_right_logical3A_99 = arith.shrui %get3A_96, %shift_right_logical3A_98 : vector<16xi32>
        %and3A_100 = arith.constant 4095 : i32
        %and3A_101 = vector.broadcast %and3A_100 : i32 to vector<16xi32>
        %and3A_102 = arith.andi %get3A_96, %and3A_101 : vector<16xi32>
        %gather3A_103 = tpu.vector_load_idx %arg6[%shift_right_logical3A_99] : memref<2064xf32, #tpu.memory_space<vmem>>[vector<16xi32>], vector<16xf32>,
        %gather3A_104 = tpu.vector_load_idx %arg8[%and3A_102] : memref<2064xf32, #tpu.memory_space<vmem>>[vector<16xi32>], vector<16xf32>,
        %add3A_105 = arith.addf %gather3A_103, %gather3A_104 : vector<16xf32>
        %swap3A_106 = arith.index_cast %add3A_94 : i32 to index
        %swap3A_107 = tpu.vector_load %arg10[%swap3A_106] {strides = array<i32>} : memref<8192xf32, #tpu.memory_space<vmem>>, vector<16xf32>,
        tpu.vector_store %arg10[%swap3A_106], %add3A_105 {strides = array<i32>} : memref<8192xf32, #tpu.memory_space<vmem>>, vector<16xf32>,
        %gather3A_108 = tpu.vector_load_idx %arg7[%shift_right_logical3A_99] : memref<2064xf32, #tpu.memory_space<vmem>>[vector<16xi32>], vector<16xf32>,
        %gather3A_109 = tpu.vector_load_idx %arg9[%and3A_102] : memref<2064xf32, #tpu.memory_space<vmem>>[vector<16xi32>], vector<16xf32>,
        %add3A_110 = arith.addf %gather3A_108, %gather3A_109 : vector<16xf32>
        %swap3A_111 = arith.index_cast %add3A_94 : i32 to index
        %swap3A_112 = tpu.vector_load %arg11[%swap3A_111] {strides = array<i32>} : memref<8192xf32, #tpu.memory_space<vmem>>, vector<16xf32>,
        tpu.vector_store %arg11[%swap3A_111], %add3A_110 {strides = array<i32>} : memref<8192xf32, #tpu.memory_space<vmem>>, vector<16xf32>,
        %mul3A_113 = arith.constant 64 : i32
        %mul3A_114 = arith.muli %scan3A_73, %mul3A_113 : i32
        %add3A_115 = arith.constant 32 : i32
        %add3A_116 = arith.addi %mul3A_114, %add3A_115 : i32
        %get3A_117 = arith.index_cast %add3A_116 : i32 to index
        %get3A_118 = tpu.vector_load %arg5[%get3A_117] {strides = array<i32>} : memref<8192xi32, #tpu.memory_space<vmem>>, vector<16xi32>,
        %shift_right_logical3A_119 = arith.constant 12 : i32
        %shift_right_logical3A_120 = vector.broadcast %shift_right_logical3A_119 : i32 to vector<16xi32>
        %shift_right_logical3A_121 = arith.shrui %get3A_118, %shift_right_logical3A_120 : vector<16xi32>
        %and3A_122 = arith.constant 4095 : i32
        %and3A_123 = vector.broadcast %and3A_122 : i32 to vector<16xi32>
        %and3A_124 = arith.andi %get3A_118, %and3A_123 : vector<16xi32>
        %gather3A_125 = tpu.vector_load_idx %arg6[%shift_right_logical3A_121] : memref<2064xf32, #tpu.memory_space<vmem>>[vector<16xi32>], vector<16xf32>,
        %gather3A_126 = tpu.vector_load_idx %arg8[%and3A_124] : memref<2064xf32, #tpu.memory_space<vmem>>[vector<16xi32>], vector<16xf32>,
        %add3A_127 = arith.addf %gather3A_125, %gather3A_126 : vector<16xf32>
        %swap3A_128 = arith.index_cast %add3A_116 : i32 to index
        %swap3A_129 = tpu.vector_load %arg10[%swap3A_128] {strides = array<i32>} : memref<8192xf32, #tpu.memory_space<vmem>>, vector<16xf32>,
        tpu.vector_store %arg10[%swap3A_128], %add3A_127 {strides = array<i32>} : memref<8192xf32, #tpu.memory_space<vmem>>, vector<16xf32>,
        %gather3A_130 = tpu.vector_load_idx %arg7[%shift_right_logical3A_121] : memref<2064xf32, #tpu.memory_space<vmem>>[vector<16xi32>], vector<16xf32>,
        %gather3A_131 = tpu.vector_load_idx %arg9[%and3A_124] : memref<2064xf32, #tpu.memory_space<vmem>>[vector<16xi32>], vector<16xf32>,
        %add3A_132 = arith.addf %gather3A_130, %gather3A_131 : vector<16xf32>
        %swap3A_133 = arith.index_cast %add3A_116 : i32 to index
        %swap3A_134 = tpu.vector_load %arg11[%swap3A_133] {strides = array<i32>} : memref<8192xf32, #tpu.memory_space<vmem>>, vector<16xf32>,
        tpu.vector_store %arg11[%swap3A_133], %add3A_132 {strides = array<i32>} : memref<8192xf32, #tpu.memory_space<vmem>>, vector<16xf32>,
        %mul3A_135 = arith.constant 64 : i32
        %mul3A_136 = arith.muli %scan3A_73, %mul3A_135 : i32
        %add3A_137 = arith.constant 48 : i32
        %add3A_138 = arith.addi %mul3A_136, %add3A_137 : i32
        %get3A_139 = arith.index_cast %add3A_138 : i32 to index
        %get3A_140 = tpu.vector_load %arg5[%get3A_139] {strides = array<i32>} : memref<8192xi32, #tpu.memory_space<vmem>>, vector<16xi32>,
        %shift_right_logical3A_141 = arith.constant 12 : i32
        %shift_right_logical3A_142 = vector.broadcast %shift_right_logical3A_141 : i32 to vector<16xi32>
        %shift_right_logical3A_143 = arith.shrui %get3A_140, %shift_right_logical3A_142 : vector<16xi32>
        %and3A_144 = arith.constant 4095 : i32
        %and3A_145 = vector.broadcast %and3A_144 : i32 to vector<16xi32>
        %and3A_146 = arith.andi %get3A_140, %and3A_145 : vector<16xi32>
        %gather3A_147 = tpu.vector_load_idx %arg6[%shift_right_logical3A_143] : memref<2064xf32, #tpu.memory_space<vmem>>[vector<16xi32>], vector<16xf32>,
        %gather3A_148 = tpu.vector_load_idx %arg8[%and3A_146] : memref<2064xf32, #tpu.memory_space<vmem>>[vector<16xi32>], vector<16xf32>,
        %add3A_149 = arith.addf %gather3A_147, %gather3A_148 : vector<16xf32>
        %swap3A_150 = arith.index_cast %add3A_138 : i32 to index
        %swap3A_151 = tpu.vector_load %arg10[%swap3A_150] {strides = array<i32>} : memref<8192xf32, #tpu.memory_space<vmem>>, vector<16xf32>,
        tpu.vector_store %arg10[%swap3A_150], %add3A_149 {strides = array<i32>} : memref<8192xf32, #tpu.memory_space<vmem>>, vector<16xf32>,
        %gather3A_152 = tpu.vector_load_idx %arg7[%shift_right_logical3A_143] : memref<2064xf32, #tpu.memory_space<vmem>>[vector<16xi32>], vector<16xf32>,
        %gather3A_153 = tpu.vector_load_idx %arg9[%and3A_146] : memref<2064xf32, #tpu.memory_space<vmem>>[vector<16xi32>], vector<16xf32>,
        %add3A_154 = arith.addf %gather3A_152, %gather3A_153 : vector<16xf32>
        %swap3A_155 = arith.index_cast %add3A_138 : i32 to index
        %swap3A_156 = tpu.vector_load %arg11[%swap3A_155] {strides = array<i32>} : memref<8192xf32, #tpu.memory_space<vmem>>, vector<16xf32>,
        tpu.vector_store %arg11[%swap3A_155], %add3A_154 {strides = array<i32>} : memref<8192xf32, #tpu.memory_space<vmem>>, vector<16xf32>,
      }
      %scan3A_67 = arith.constant 128 : i32
      %mul3A_68 = arith.constant 8192 : i32
      %mul3A_69 = arith.muli %add3A_20, %mul3A_68 : i32
      %run_scoped3A = arith.constant 0 : i32
      "tpu.region"() ({
        %run_scoped3A_73 = tpu.sem_alloc : memref<!tpu.dma_semaphore, #tpu.memory_space<semaphore_mem>>
        %dma_start3A = tpu.memref_slice %arg4[%run_scoped3A, %mul3A_69] : memref<2x2162688xf32, #tpu.memory_space<hbm>> -> memref<1x8192xf32, #tpu.memory_space<hbm>>
        %dma_start3A_74 = tpu.memref_squeeze %dma_start3A : memref<1x8192xf32, #tpu.memory_space<hbm>> -> memref<8192xf32, #tpu.memory_space<hbm>>
        %dma_start3A_75 = tpu.memref_slice %arg4[%run_scoped3A, %mul3A_69] : memref<2x2162688xf32, #tpu.memory_space<hbm>> -> memref<1x8192xf32, #tpu.memory_space<hbm>>
        %dma_start3A_76 = tpu.memref_squeeze %dma_start3A_75 : memref<1x8192xf32, #tpu.memory_space<hbm>> -> memref<8192xf32, #tpu.memory_space<hbm>>
        tpu.enqueue_dma source(%arg10 : memref<8192xf32, #tpu.memory_space<vmem>>) target(%dma_start3A_76 : memref<8192xf32, #tpu.memory_space<hbm>>) target_semaphore(%run_scoped3A_73 : memref<!tpu.dma_semaphore, #tpu.memory_space<semaphore_mem>>)
        %dma_wait3A = tpu.memref_slice %arg4[%run_scoped3A, %mul3A_69] : memref<2x2162688xf32, #tpu.memory_space<hbm>> -> memref<1x8192xf32, #tpu.memory_space<hbm>>
        %dma_wait3A_77 = tpu.memref_squeeze %dma_wait3A : memref<1x8192xf32, #tpu.memory_space<hbm>> -> memref<8192xf32, #tpu.memory_space<hbm>>
        %dma_wait3A_78 = tpu.memref_slice %arg4[%run_scoped3A, %mul3A_69] : memref<2x2162688xf32, #tpu.memory_space<hbm>> -> memref<1x8192xf32, #tpu.memory_space<hbm>>
        %dma_wait3A_79 = tpu.memref_squeeze %dma_wait3A_78 : memref<1x8192xf32, #tpu.memory_space<hbm>> -> memref<8192xf32, #tpu.memory_space<hbm>>
        tpu.wait_dma2 semaphore(%run_scoped3A_73 : memref<!tpu.dma_semaphore, #tpu.memory_space<semaphore_mem>>) src(%arg10 : memref<8192xf32, #tpu.memory_space<vmem>>) dst(%dma_wait3A_79 : memref<8192xf32, #tpu.memory_space<hbm>>)
        tpu.yield
      }) : () -> ()
      %mul3A_70 = arith.constant 8192 : i32
      %mul3A_71 = arith.muli %add3A_20, %mul3A_70 : i32
      %run_scoped3A_72 = arith.constant 1 : i32
      "tpu.region"() ({
        %run_scoped3A_73 = tpu.sem_alloc : memref<!tpu.dma_semaphore, #tpu.memory_space<semaphore_mem>>
        %dma_start3A = tpu.memref_slice %arg4[%run_scoped3A_72, %mul3A_71] : memref<2x2162688xf32, #tpu.memory_space<hbm>> -> memref<1x8192xf32, #tpu.memory_space<hbm>>
        %dma_start3A_74 = tpu.memref_squeeze %dma_start3A : memref<1x8192xf32, #tpu.memory_space<hbm>> -> memref<8192xf32, #tpu.memory_space<hbm>>
        %dma_start3A_75 = tpu.memref_slice %arg4[%run_scoped3A_72, %mul3A_71] : memref<2x2162688xf32, #tpu.memory_space<hbm>> -> memref<1x8192xf32, #tpu.memory_space<hbm>>
        %dma_start3A_76 = tpu.memref_squeeze %dma_start3A_75 : memref<1x8192xf32, #tpu.memory_space<hbm>> -> memref<8192xf32, #tpu.memory_space<hbm>>
        tpu.enqueue_dma source(%arg11 : memref<8192xf32, #tpu.memory_space<vmem>>) target(%dma_start3A_76 : memref<8192xf32, #tpu.memory_space<hbm>>) target_semaphore(%run_scoped3A_73 : memref<!tpu.dma_semaphore, #tpu.memory_space<semaphore_mem>>)
        %dma_wait3A = tpu.memref_slice %arg4[%run_scoped3A_72, %mul3A_71] : memref<2x2162688xf32, #tpu.memory_space<hbm>> -> memref<1x8192xf32, #tpu.memory_space<hbm>>
        %dma_wait3A_77 = tpu.memref_squeeze %dma_wait3A : memref<1x8192xf32, #tpu.memory_space<hbm>> -> memref<8192xf32, #tpu.memory_space<hbm>>
        %dma_wait3A_78 = tpu.memref_slice %arg4[%run_scoped3A_72, %mul3A_71] : memref<2x2162688xf32, #tpu.memory_space<hbm>> -> memref<1x8192xf32, #tpu.memory_space<hbm>>
        %dma_wait3A_79 = tpu.memref_squeeze %dma_wait3A_78 : memref<1x8192xf32, #tpu.memory_space<hbm>> -> memref<8192xf32, #tpu.memory_space<hbm>>
        tpu.wait_dma2 semaphore(%run_scoped3A_73 : memref<!tpu.dma_semaphore, #tpu.memory_space<semaphore_mem>>) src(%arg11 : memref<8192xf32, #tpu.memory_space<vmem>>) dst(%dma_wait3A_79 : memref<8192xf32, #tpu.memory_space<hbm>>)
        tpu.yield
      }) : () -> ()
    } else {
    }
    %add3A_26 = arith.constant 128 : i32
    %add3A_27 = arith.addi %add3A_26, %add3A : i32
    %lt3A_28 = arith.constant 264 : i32
    %lt3A_29 = arith.cmpi slt, %add3A_27, %lt3A_28 : i32
    %convert_element_type3A_30 = arith.extui %lt3A_29 : i1 to i32
    %cond3A_31 = arith.constant 0 : i32
    %cond3A_32 = arith.cmpi ne, %convert_element_type3A_30, %cond3A_31 : i32
    scf.if %cond3A_32 {
      %mul3A_61 = arith.constant 8192 : i32
      %mul3A_62 = arith.muli %add3A_27, %mul3A_61 : i32
      "tpu.region"() ({
        %run_scoped3A_73 = tpu.sem_alloc : memref<!tpu.dma_semaphore, #tpu.memory_space<semaphore_mem>>
        %dma_start3A = tpu.memref_slice %arg2[%mul3A_62] : memref<2162688xi32, #tpu.memory_space<hbm>> -> memref<8192xi32, #tpu.memory_space<hbm>>
        %dma_start3A_74 = tpu.memref_slice %arg2[%mul3A_62] : memref<2162688xi32, #tpu.memory_space<hbm>> -> memref<8192xi32, #tpu.memory_space<hbm>>
        tpu.enqueue_dma source(%dma_start3A_74 : memref<8192xi32, #tpu.memory_space<hbm>>) target(%arg5 : memref<8192xi32, #tpu.memory_space<vmem>>) target_semaphore(%run_scoped3A_73 : memref<!tpu.dma_semaphore, #tpu.memory_space<semaphore_mem>>)
        %dma_wait3A = tpu.memref_slice %arg2[%mul3A_62] : memref<2162688xi32, #tpu.memory_space<hbm>> -> memref<8192xi32, #tpu.memory_space<hbm>>
        %dma_wait3A_75 = tpu.memref_slice %arg2[%mul3A_62] : memref<2162688xi32, #tpu.memory_space<hbm>> -> memref<8192xi32, #tpu.memory_space<hbm>>
        tpu.wait_dma2 semaphore(%run_scoped3A_73 : memref<!tpu.dma_semaphore, #tpu.memory_space<semaphore_mem>>) src(%dma_wait3A_75 : memref<8192xi32, #tpu.memory_space<hbm>>) dst(%arg5 : memref<8192xi32, #tpu.memory_space<vmem>>)
        tpu.yield
      }) : () -> ()
      %scan3A = arith.constant 0 : i32
      %scan3A_63 = arith.constant 0 : i32
      %scan3A_64 = arith.constant 128 : i32
      %scan3A_65 = arith.addi %scan3A_63, %scan3A_64 : i32
      %scan3A_66 = arith.constant 1 : i32
      scf.for %scan3A_73 = %scan3A_63 to %scan3A_65 step %scan3A_66  : i32 {
        %mul3A_74 = arith.constant 64 : i32
        %mul3A_75 = arith.muli %scan3A_73, %mul3A_74 : i32
        %add3A_76 = arith.constant 0 : i32
        %add3A_77 = arith.addi %mul3A_75, %add3A_76 : i32
        %get3A = arith.index_cast %add3A_77 : i32 to index
        %get3A_78 = tpu.vector_load %arg5[%get3A] {strides = array<i32>} : memref<8192xi32, #tpu.memory_space<vmem>>, vector<16xi32>,
        %shift_right_logical3A = arith.constant 12 : i32
        %shift_right_logical3A_79 = vector.broadcast %shift_right_logical3A : i32 to vector<16xi32>
        %shift_right_logical3A_80 = arith.shrui %get3A_78, %shift_right_logical3A_79 : vector<16xi32>
        %and3A = arith.constant 4095 : i32
        %and3A_81 = vector.broadcast %and3A : i32 to vector<16xi32>
        %and3A_82 = arith.andi %get3A_78, %and3A_81 : vector<16xi32>
        %gather3A = tpu.vector_load_idx %arg6[%shift_right_logical3A_80] : memref<2064xf32, #tpu.memory_space<vmem>>[vector<16xi32>], vector<16xf32>,
        %gather3A_83 = tpu.vector_load_idx %arg8[%and3A_82] : memref<2064xf32, #tpu.memory_space<vmem>>[vector<16xi32>], vector<16xf32>,
        %add3A_84 = arith.addf %gather3A, %gather3A_83 : vector<16xf32>
        %swap3A = arith.index_cast %add3A_77 : i32 to index
        %swap3A_85 = tpu.vector_load %arg10[%swap3A] {strides = array<i32>} : memref<8192xf32, #tpu.memory_space<vmem>>, vector<16xf32>,
        tpu.vector_store %arg10[%swap3A], %add3A_84 {strides = array<i32>} : memref<8192xf32, #tpu.memory_space<vmem>>, vector<16xf32>,
        %gather3A_86 = tpu.vector_load_idx %arg7[%shift_right_logical3A_80] : memref<2064xf32, #tpu.memory_space<vmem>>[vector<16xi32>], vector<16xf32>,
        %gather3A_87 = tpu.vector_load_idx %arg9[%and3A_82] : memref<2064xf32, #tpu.memory_space<vmem>>[vector<16xi32>], vector<16xf32>,
        %add3A_88 = arith.addf %gather3A_86, %gather3A_87 : vector<16xf32>
        %swap3A_89 = arith.index_cast %add3A_77 : i32 to index
        %swap3A_90 = tpu.vector_load %arg11[%swap3A_89] {strides = array<i32>} : memref<8192xf32, #tpu.memory_space<vmem>>, vector<16xf32>,
        tpu.vector_store %arg11[%swap3A_89], %add3A_88 {strides = array<i32>} : memref<8192xf32, #tpu.memory_space<vmem>>, vector<16xf32>,
        %mul3A_91 = arith.constant 64 : i32
        %mul3A_92 = arith.muli %scan3A_73, %mul3A_91 : i32
        %add3A_93 = arith.constant 16 : i32
        %add3A_94 = arith.addi %mul3A_92, %add3A_93 : i32
        %get3A_95 = arith.index_cast %add3A_94 : i32 to index
        %get3A_96 = tpu.vector_load %arg5[%get3A_95] {strides = array<i32>} : memref<8192xi32, #tpu.memory_space<vmem>>, vector<16xi32>,
        %shift_right_logical3A_97 = arith.constant 12 : i32
        %shift_right_logical3A_98 = vector.broadcast %shift_right_logical3A_97 : i32 to vector<16xi32>
        %shift_right_logical3A_99 = arith.shrui %get3A_96, %shift_right_logical3A_98 : vector<16xi32>
        %and3A_100 = arith.constant 4095 : i32
        %and3A_101 = vector.broadcast %and3A_100 : i32 to vector<16xi32>
        %and3A_102 = arith.andi %get3A_96, %and3A_101 : vector<16xi32>
        %gather3A_103 = tpu.vector_load_idx %arg6[%shift_right_logical3A_99] : memref<2064xf32, #tpu.memory_space<vmem>>[vector<16xi32>], vector<16xf32>,
        %gather3A_104 = tpu.vector_load_idx %arg8[%and3A_102] : memref<2064xf32, #tpu.memory_space<vmem>>[vector<16xi32>], vector<16xf32>,
        %add3A_105 = arith.addf %gather3A_103, %gather3A_104 : vector<16xf32>
        %swap3A_106 = arith.index_cast %add3A_94 : i32 to index
        %swap3A_107 = tpu.vector_load %arg10[%swap3A_106] {strides = array<i32>} : memref<8192xf32, #tpu.memory_space<vmem>>, vector<16xf32>,
        tpu.vector_store %arg10[%swap3A_106], %add3A_105 {strides = array<i32>} : memref<8192xf32, #tpu.memory_space<vmem>>, vector<16xf32>,
        %gather3A_108 = tpu.vector_load_idx %arg7[%shift_right_logical3A_99] : memref<2064xf32, #tpu.memory_space<vmem>>[vector<16xi32>], vector<16xf32>,
        %gather3A_109 = tpu.vector_load_idx %arg9[%and3A_102] : memref<2064xf32, #tpu.memory_space<vmem>>[vector<16xi32>], vector<16xf32>,
        %add3A_110 = arith.addf %gather3A_108, %gather3A_109 : vector<16xf32>
        %swap3A_111 = arith.index_cast %add3A_94 : i32 to index
        %swap3A_112 = tpu.vector_load %arg11[%swap3A_111] {strides = array<i32>} : memref<8192xf32, #tpu.memory_space<vmem>>, vector<16xf32>,
        tpu.vector_store %arg11[%swap3A_111], %add3A_110 {strides = array<i32>} : memref<8192xf32, #tpu.memory_space<vmem>>, vector<16xf32>,
        %mul3A_113 = arith.constant 64 : i32
        %mul3A_114 = arith.muli %scan3A_73, %mul3A_113 : i32
        %add3A_115 = arith.constant 32 : i32
        %add3A_116 = arith.addi %mul3A_114, %add3A_115 : i32
        %get3A_117 = arith.index_cast %add3A_116 : i32 to index
        %get3A_118 = tpu.vector_load %arg5[%get3A_117] {strides = array<i32>} : memref<8192xi32, #tpu.memory_space<vmem>>, vector<16xi32>,
        %shift_right_logical3A_119 = arith.constant 12 : i32
        %shift_right_logical3A_120 = vector.broadcast %shift_right_logical3A_119 : i32 to vector<16xi32>
        %shift_right_logical3A_121 = arith.shrui %get3A_118, %shift_right_logical3A_120 : vector<16xi32>
        %and3A_122 = arith.constant 4095 : i32
        %and3A_123 = vector.broadcast %and3A_122 : i32 to vector<16xi32>
        %and3A_124 = arith.andi %get3A_118, %and3A_123 : vector<16xi32>
        %gather3A_125 = tpu.vector_load_idx %arg6[%shift_right_logical3A_121] : memref<2064xf32, #tpu.memory_space<vmem>>[vector<16xi32>], vector<16xf32>,
        %gather3A_126 = tpu.vector_load_idx %arg8[%and3A_124] : memref<2064xf32, #tpu.memory_space<vmem>>[vector<16xi32>], vector<16xf32>,
        %add3A_127 = arith.addf %gather3A_125, %gather3A_126 : vector<16xf32>
        %swap3A_128 = arith.index_cast %add3A_116 : i32 to index
        %swap3A_129 = tpu.vector_load %arg10[%swap3A_128] {strides = array<i32>} : memref<8192xf32, #tpu.memory_space<vmem>>, vector<16xf32>,
        tpu.vector_store %arg10[%swap3A_128], %add3A_127 {strides = array<i32>} : memref<8192xf32, #tpu.memory_space<vmem>>, vector<16xf32>,
        %gather3A_130 = tpu.vector_load_idx %arg7[%shift_right_logical3A_121] : memref<2064xf32, #tpu.memory_space<vmem>>[vector<16xi32>], vector<16xf32>,
        %gather3A_131 = tpu.vector_load_idx %arg9[%and3A_124] : memref<2064xf32, #tpu.memory_space<vmem>>[vector<16xi32>], vector<16xf32>,
        %add3A_132 = arith.addf %gather3A_130, %gather3A_131 : vector<16xf32>
        %swap3A_133 = arith.index_cast %add3A_116 : i32 to index
        %swap3A_134 = tpu.vector_load %arg11[%swap3A_133] {strides = array<i32>} : memref<8192xf32, #tpu.memory_space<vmem>>, vector<16xf32>,
        tpu.vector_store %arg11[%swap3A_133], %add3A_132 {strides = array<i32>} : memref<8192xf32, #tpu.memory_space<vmem>>, vector<16xf32>,
        %mul3A_135 = arith.constant 64 : i32
        %mul3A_136 = arith.muli %scan3A_73, %mul3A_135 : i32
        %add3A_137 = arith.constant 48 : i32
        %add3A_138 = arith.addi %mul3A_136, %add3A_137 : i32
        %get3A_139 = arith.index_cast %add3A_138 : i32 to index
        %get3A_140 = tpu.vector_load %arg5[%get3A_139] {strides = array<i32>} : memref<8192xi32, #tpu.memory_space<vmem>>, vector<16xi32>,
        %shift_right_logical3A_141 = arith.constant 12 : i32
        %shift_right_logical3A_142 = vector.broadcast %shift_right_logical3A_141 : i32 to vector<16xi32>
        %shift_right_logical3A_143 = arith.shrui %get3A_140, %shift_right_logical3A_142 : vector<16xi32>
        %and3A_144 = arith.constant 4095 : i32
        %and3A_145 = vector.broadcast %and3A_144 : i32 to vector<16xi32>
        %and3A_146 = arith.andi %get3A_140, %and3A_145 : vector<16xi32>
        %gather3A_147 = tpu.vector_load_idx %arg6[%shift_right_logical3A_143] : memref<2064xf32, #tpu.memory_space<vmem>>[vector<16xi32>], vector<16xf32>,
        %gather3A_148 = tpu.vector_load_idx %arg8[%and3A_146] : memref<2064xf32, #tpu.memory_space<vmem>>[vector<16xi32>], vector<16xf32>,
        %add3A_149 = arith.addf %gather3A_147, %gather3A_148 : vector<16xf32>
        %swap3A_150 = arith.index_cast %add3A_138 : i32 to index
        %swap3A_151 = tpu.vector_load %arg10[%swap3A_150] {strides = array<i32>} : memref<8192xf32, #tpu.memory_space<vmem>>, vector<16xf32>,
        tpu.vector_store %arg10[%swap3A_150], %add3A_149 {strides = array<i32>} : memref<8192xf32, #tpu.memory_space<vmem>>, vector<16xf32>,
        %gather3A_152 = tpu.vector_load_idx %arg7[%shift_right_logical3A_143] : memref<2064xf32, #tpu.memory_space<vmem>>[vector<16xi32>], vector<16xf32>,
        %gather3A_153 = tpu.vector_load_idx %arg9[%and3A_146] : memref<2064xf32, #tpu.memory_space<vmem>>[vector<16xi32>], vector<16xf32>,
        %add3A_154 = arith.addf %gather3A_152, %gather3A_153 : vector<16xf32>
        %swap3A_155 = arith.index_cast %add3A_138 : i32 to index
        %swap3A_156 = tpu.vector_load %arg11[%swap3A_155] {strides = array<i32>} : memref<8192xf32, #tpu.memory_space<vmem>>, vector<16xf32>,
        tpu.vector_store %arg11[%swap3A_155], %add3A_154 {strides = array<i32>} : memref<8192xf32, #tpu.memory_space<vmem>>, vector<16xf32>,
      }
      %scan3A_67 = arith.constant 128 : i32
      %mul3A_68 = arith.constant 8192 : i32
      %mul3A_69 = arith.muli %add3A_27, %mul3A_68 : i32
      %run_scoped3A = arith.constant 0 : i32
      "tpu.region"() ({
        %run_scoped3A_73 = tpu.sem_alloc : memref<!tpu.dma_semaphore, #tpu.memory_space<semaphore_mem>>
        %dma_start3A = tpu.memref_slice %arg4[%run_scoped3A, %mul3A_69] : memref<2x2162688xf32, #tpu.memory_space<hbm>> -> memref<1x8192xf32, #tpu.memory_space<hbm>>
        %dma_start3A_74 = tpu.memref_squeeze %dma_start3A : memref<1x8192xf32, #tpu.memory_space<hbm>> -> memref<8192xf32, #tpu.memory_space<hbm>>
        %dma_start3A_75 = tpu.memref_slice %arg4[%run_scoped3A, %mul3A_69] : memref<2x2162688xf32, #tpu.memory_space<hbm>> -> memref<1x8192xf32, #tpu.memory_space<hbm>>
        %dma_start3A_76 = tpu.memref_squeeze %dma_start3A_75 : memref<1x8192xf32, #tpu.memory_space<hbm>> -> memref<8192xf32, #tpu.memory_space<hbm>>
        tpu.enqueue_dma source(%arg10 : memref<8192xf32, #tpu.memory_space<vmem>>) target(%dma_start3A_76 : memref<8192xf32, #tpu.memory_space<hbm>>) target_semaphore(%run_scoped3A_73 : memref<!tpu.dma_semaphore, #tpu.memory_space<semaphore_mem>>)
        %dma_wait3A = tpu.memref_slice %arg4[%run_scoped3A, %mul3A_69] : memref<2x2162688xf32, #tpu.memory_space<hbm>> -> memref<1x8192xf32, #tpu.memory_space<hbm>>
        %dma_wait3A_77 = tpu.memref_squeeze %dma_wait3A : memref<1x8192xf32, #tpu.memory_space<hbm>> -> memref<8192xf32, #tpu.memory_space<hbm>>
        %dma_wait3A_78 = tpu.memref_slice %arg4[%run_scoped3A, %mul3A_69] : memref<2x2162688xf32, #tpu.memory_space<hbm>> -> memref<1x8192xf32, #tpu.memory_space<hbm>>
        %dma_wait3A_79 = tpu.memref_squeeze %dma_wait3A_78 : memref<1x8192xf32, #tpu.memory_space<hbm>> -> memref<8192xf32, #tpu.memory_space<hbm>>
        tpu.wait_dma2 semaphore(%run_scoped3A_73 : memref<!tpu.dma_semaphore, #tpu.memory_space<semaphore_mem>>) src(%arg10 : memref<8192xf32, #tpu.memory_space<vmem>>) dst(%dma_wait3A_79 : memref<8192xf32, #tpu.memory_space<hbm>>)
        tpu.yield
      }) : () -> ()
      %mul3A_70 = arith.constant 8192 : i32
      %mul3A_71 = arith.muli %add3A_27, %mul3A_70 : i32
      %run_scoped3A_72 = arith.constant 1 : i32
      "tpu.region"() ({
        %run_scoped3A_73 = tpu.sem_alloc : memref<!tpu.dma_semaphore, #tpu.memory_space<semaphore_mem>>
        %dma_start3A = tpu.memref_slice %arg4[%run_scoped3A_72, %mul3A_71] : memref<2x2162688xf32, #tpu.memory_space<hbm>> -> memref<1x8192xf32, #tpu.memory_space<hbm>>
        %dma_start3A_74 = tpu.memref_squeeze %dma_start3A : memref<1x8192xf32, #tpu.memory_space<hbm>> -> memref<8192xf32, #tpu.memory_space<hbm>>
        %dma_start3A_75 = tpu.memref_slice %arg4[%run_scoped3A_72, %mul3A_71] : memref<2x2162688xf32, #tpu.memory_space<hbm>> -> memref<1x8192xf32, #tpu.memory_space<hbm>>
        %dma_start3A_76 = tpu.memref_squeeze %dma_start3A_75 : memref<1x8192xf32, #tpu.memory_space<hbm>> -> memref<8192xf32, #tpu.memory_space<hbm>>
        tpu.enqueue_dma source(%arg11 : memref<8192xf32, #tpu.memory_space<vmem>>) target(%dma_start3A_76 : memref<8192xf32, #tpu.memory_space<hbm>>) target_semaphore(%run_scoped3A_73 : memref<!tpu.dma_semaphore, #tpu.memory_space<semaphore_mem>>)
        %dma_wait3A = tpu.memref_slice %arg4[%run_scoped3A_72, %mul3A_71] : memref<2x2162688xf32, #tpu.memory_space<hbm>> -> memref<1x8192xf32, #tpu.memory_space<hbm>>
        %dma_wait3A_77 = tpu.memref_squeeze %dma_wait3A : memref<1x8192xf32, #tpu.memory_space<hbm>> -> memref<8192xf32, #tpu.memory_space<hbm>>
        %dma_wait3A_78 = tpu.memref_slice %arg4[%run_scoped3A_72, %mul3A_71] : memref<2x2162688xf32, #tpu.memory_space<hbm>> -> memref<1x8192xf32, #tpu.memory_space<hbm>>
        %dma_wait3A_79 = tpu.memref_squeeze %dma_wait3A_78 : memref<1x8192xf32, #tpu.memory_space<hbm>> -> memref<8192xf32, #tpu.memory_space<hbm>>
        tpu.wait_dma2 semaphore(%run_scoped3A_73 : memref<!tpu.dma_semaphore, #tpu.memory_space<semaphore_mem>>) src(%arg11 : memref<8192xf32, #tpu.memory_space<vmem>>) dst(%dma_wait3A_79 : memref<8192xf32, #tpu.memory_space<hbm>>)
        tpu.yield
      }) : () -> ()
    } else {
    }
    %add3A_33 = arith.constant 160 : i32
    %add3A_34 = arith.addi %add3A_33, %add3A : i32
    %lt3A_35 = arith.constant 264 : i32
    %lt3A_36 = arith.cmpi slt, %add3A_34, %lt3A_35 : i32
    %convert_element_type3A_37 = arith.extui %lt3A_36 : i1 to i32
    %cond3A_38 = arith.constant 0 : i32
    %cond3A_39 = arith.cmpi ne, %convert_element_type3A_37, %cond3A_38 : i32
    scf.if %cond3A_39 {
      %mul3A_61 = arith.constant 8192 : i32
      %mul3A_62 = arith.muli %add3A_34, %mul3A_61 : i32
      "tpu.region"() ({
        %run_scoped3A_73 = tpu.sem_alloc : memref<!tpu.dma_semaphore, #tpu.memory_space<semaphore_mem>>
        %dma_start3A = tpu.memref_slice %arg2[%mul3A_62] : memref<2162688xi32, #tpu.memory_space<hbm>> -> memref<8192xi32, #tpu.memory_space<hbm>>
        %dma_start3A_74 = tpu.memref_slice %arg2[%mul3A_62] : memref<2162688xi32, #tpu.memory_space<hbm>> -> memref<8192xi32, #tpu.memory_space<hbm>>
        tpu.enqueue_dma source(%dma_start3A_74 : memref<8192xi32, #tpu.memory_space<hbm>>) target(%arg5 : memref<8192xi32, #tpu.memory_space<vmem>>) target_semaphore(%run_scoped3A_73 : memref<!tpu.dma_semaphore, #tpu.memory_space<semaphore_mem>>)
        %dma_wait3A = tpu.memref_slice %arg2[%mul3A_62] : memref<2162688xi32, #tpu.memory_space<hbm>> -> memref<8192xi32, #tpu.memory_space<hbm>>
        %dma_wait3A_75 = tpu.memref_slice %arg2[%mul3A_62] : memref<2162688xi32, #tpu.memory_space<hbm>> -> memref<8192xi32, #tpu.memory_space<hbm>>
        tpu.wait_dma2 semaphore(%run_scoped3A_73 : memref<!tpu.dma_semaphore, #tpu.memory_space<semaphore_mem>>) src(%dma_wait3A_75 : memref<8192xi32, #tpu.memory_space<hbm>>) dst(%arg5 : memref<8192xi32, #tpu.memory_space<vmem>>)
        tpu.yield
      }) : () -> ()
      %scan3A = arith.constant 0 : i32
      %scan3A_63 = arith.constant 0 : i32
      %scan3A_64 = arith.constant 128 : i32
      %scan3A_65 = arith.addi %scan3A_63, %scan3A_64 : i32
      %scan3A_66 = arith.constant 1 : i32
      scf.for %scan3A_73 = %scan3A_63 to %scan3A_65 step %scan3A_66  : i32 {
        %mul3A_74 = arith.constant 64 : i32
        %mul3A_75 = arith.muli %scan3A_73, %mul3A_74 : i32
        %add3A_76 = arith.constant 0 : i32
        %add3A_77 = arith.addi %mul3A_75, %add3A_76 : i32
        %get3A = arith.index_cast %add3A_77 : i32 to index
        %get3A_78 = tpu.vector_load %arg5[%get3A] {strides = array<i32>} : memref<8192xi32, #tpu.memory_space<vmem>>, vector<16xi32>,
        %shift_right_logical3A = arith.constant 12 : i32
        %shift_right_logical3A_79 = vector.broadcast %shift_right_logical3A : i32 to vector<16xi32>
        %shift_right_logical3A_80 = arith.shrui %get3A_78, %shift_right_logical3A_79 : vector<16xi32>
        %and3A = arith.constant 4095 : i32
        %and3A_81 = vector.broadcast %and3A : i32 to vector<16xi32>
        %and3A_82 = arith.andi %get3A_78, %and3A_81 : vector<16xi32>
        %gather3A = tpu.vector_load_idx %arg6[%shift_right_logical3A_80] : memref<2064xf32, #tpu.memory_space<vmem>>[vector<16xi32>], vector<16xf32>,
        %gather3A_83 = tpu.vector_load_idx %arg8[%and3A_82] : memref<2064xf32, #tpu.memory_space<vmem>>[vector<16xi32>], vector<16xf32>,
        %add3A_84 = arith.addf %gather3A, %gather3A_83 : vector<16xf32>
        %swap3A = arith.index_cast %add3A_77 : i32 to index
        %swap3A_85 = tpu.vector_load %arg10[%swap3A] {strides = array<i32>} : memref<8192xf32, #tpu.memory_space<vmem>>, vector<16xf32>,
        tpu.vector_store %arg10[%swap3A], %add3A_84 {strides = array<i32>} : memref<8192xf32, #tpu.memory_space<vmem>>, vector<16xf32>,
        %gather3A_86 = tpu.vector_load_idx %arg7[%shift_right_logical3A_80] : memref<2064xf32, #tpu.memory_space<vmem>>[vector<16xi32>], vector<16xf32>,
        %gather3A_87 = tpu.vector_load_idx %arg9[%and3A_82] : memref<2064xf32, #tpu.memory_space<vmem>>[vector<16xi32>], vector<16xf32>,
        %add3A_88 = arith.addf %gather3A_86, %gather3A_87 : vector<16xf32>
        %swap3A_89 = arith.index_cast %add3A_77 : i32 to index
        %swap3A_90 = tpu.vector_load %arg11[%swap3A_89] {strides = array<i32>} : memref<8192xf32, #tpu.memory_space<vmem>>, vector<16xf32>,
        tpu.vector_store %arg11[%swap3A_89], %add3A_88 {strides = array<i32>} : memref<8192xf32, #tpu.memory_space<vmem>>, vector<16xf32>,
        %mul3A_91 = arith.constant 64 : i32
        %mul3A_92 = arith.muli %scan3A_73, %mul3A_91 : i32
        %add3A_93 = arith.constant 16 : i32
        %add3A_94 = arith.addi %mul3A_92, %add3A_93 : i32
        %get3A_95 = arith.index_cast %add3A_94 : i32 to index
        %get3A_96 = tpu.vector_load %arg5[%get3A_95] {strides = array<i32>} : memref<8192xi32, #tpu.memory_space<vmem>>, vector<16xi32>,
        %shift_right_logical3A_97 = arith.constant 12 : i32
        %shift_right_logical3A_98 = vector.broadcast %shift_right_logical3A_97 : i32 to vector<16xi32>
        %shift_right_logical3A_99 = arith.shrui %get3A_96, %shift_right_logical3A_98 : vector<16xi32>
        %and3A_100 = arith.constant 4095 : i32
        %and3A_101 = vector.broadcast %and3A_100 : i32 to vector<16xi32>
        %and3A_102 = arith.andi %get3A_96, %and3A_101 : vector<16xi32>
        %gather3A_103 = tpu.vector_load_idx %arg6[%shift_right_logical3A_99] : memref<2064xf32, #tpu.memory_space<vmem>>[vector<16xi32>], vector<16xf32>,
        %gather3A_104 = tpu.vector_load_idx %arg8[%and3A_102] : memref<2064xf32, #tpu.memory_space<vmem>>[vector<16xi32>], vector<16xf32>,
        %add3A_105 = arith.addf %gather3A_103, %gather3A_104 : vector<16xf32>
        %swap3A_106 = arith.index_cast %add3A_94 : i32 to index
        %swap3A_107 = tpu.vector_load %arg10[%swap3A_106] {strides = array<i32>} : memref<8192xf32, #tpu.memory_space<vmem>>, vector<16xf32>,
        tpu.vector_store %arg10[%swap3A_106], %add3A_105 {strides = array<i32>} : memref<8192xf32, #tpu.memory_space<vmem>>, vector<16xf32>,
        %gather3A_108 = tpu.vector_load_idx %arg7[%shift_right_logical3A_99] : memref<2064xf32, #tpu.memory_space<vmem>>[vector<16xi32>], vector<16xf32>,
        %gather3A_109 = tpu.vector_load_idx %arg9[%and3A_102] : memref<2064xf32, #tpu.memory_space<vmem>>[vector<16xi32>], vector<16xf32>,
        %add3A_110 = arith.addf %gather3A_108, %gather3A_109 : vector<16xf32>
        %swap3A_111 = arith.index_cast %add3A_94 : i32 to index
        %swap3A_112 = tpu.vector_load %arg11[%swap3A_111] {strides = array<i32>} : memref<8192xf32, #tpu.memory_space<vmem>>, vector<16xf32>,
        tpu.vector_store %arg11[%swap3A_111], %add3A_110 {strides = array<i32>} : memref<8192xf32, #tpu.memory_space<vmem>>, vector<16xf32>,
        %mul3A_113 = arith.constant 64 : i32
        %mul3A_114 = arith.muli %scan3A_73, %mul3A_113 : i32
        %add3A_115 = arith.constant 32 : i32
        %add3A_116 = arith.addi %mul3A_114, %add3A_115 : i32
        %get3A_117 = arith.index_cast %add3A_116 : i32 to index
        %get3A_118 = tpu.vector_load %arg5[%get3A_117] {strides = array<i32>} : memref<8192xi32, #tpu.memory_space<vmem>>, vector<16xi32>,
        %shift_right_logical3A_119 = arith.constant 12 : i32
        %shift_right_logical3A_120 = vector.broadcast %shift_right_logical3A_119 : i32 to vector<16xi32>
        %shift_right_logical3A_121 = arith.shrui %get3A_118, %shift_right_logical3A_120 : vector<16xi32>
        %and3A_122 = arith.constant 4095 : i32
        %and3A_123 = vector.broadcast %and3A_122 : i32 to vector<16xi32>
        %and3A_124 = arith.andi %get3A_118, %and3A_123 : vector<16xi32>
        %gather3A_125 = tpu.vector_load_idx %arg6[%shift_right_logical3A_121] : memref<2064xf32, #tpu.memory_space<vmem>>[vector<16xi32>], vector<16xf32>,
        %gather3A_126 = tpu.vector_load_idx %arg8[%and3A_124] : memref<2064xf32, #tpu.memory_space<vmem>>[vector<16xi32>], vector<16xf32>,
        %add3A_127 = arith.addf %gather3A_125, %gather3A_126 : vector<16xf32>
        %swap3A_128 = arith.index_cast %add3A_116 : i32 to index
        %swap3A_129 = tpu.vector_load %arg10[%swap3A_128] {strides = array<i32>} : memref<8192xf32, #tpu.memory_space<vmem>>, vector<16xf32>,
        tpu.vector_store %arg10[%swap3A_128], %add3A_127 {strides = array<i32>} : memref<8192xf32, #tpu.memory_space<vmem>>, vector<16xf32>,
        %gather3A_130 = tpu.vector_load_idx %arg7[%shift_right_logical3A_121] : memref<2064xf32, #tpu.memory_space<vmem>>[vector<16xi32>], vector<16xf32>,
        %gather3A_131 = tpu.vector_load_idx %arg9[%and3A_124] : memref<2064xf32, #tpu.memory_space<vmem>>[vector<16xi32>], vector<16xf32>,
        %add3A_132 = arith.addf %gather3A_130, %gather3A_131 : vector<16xf32>
        %swap3A_133 = arith.index_cast %add3A_116 : i32 to index
        %swap3A_134 = tpu.vector_load %arg11[%swap3A_133] {strides = array<i32>} : memref<8192xf32, #tpu.memory_space<vmem>>, vector<16xf32>,
        tpu.vector_store %arg11[%swap3A_133], %add3A_132 {strides = array<i32>} : memref<8192xf32, #tpu.memory_space<vmem>>, vector<16xf32>,
        %mul3A_135 = arith.constant 64 : i32
        %mul3A_136 = arith.muli %scan3A_73, %mul3A_135 : i32
        %add3A_137 = arith.constant 48 : i32
        %add3A_138 = arith.addi %mul3A_136, %add3A_137 : i32
        %get3A_139 = arith.index_cast %add3A_138 : i32 to index
        %get3A_140 = tpu.vector_load %arg5[%get3A_139] {strides = array<i32>} : memref<8192xi32, #tpu.memory_space<vmem>>, vector<16xi32>,
        %shift_right_logical3A_141 = arith.constant 12 : i32
        %shift_right_logical3A_142 = vector.broadcast %shift_right_logical3A_141 : i32 to vector<16xi32>
        %shift_right_logical3A_143 = arith.shrui %get3A_140, %shift_right_logical3A_142 : vector<16xi32>
        %and3A_144 = arith.constant 4095 : i32
        %and3A_145 = vector.broadcast %and3A_144 : i32 to vector<16xi32>
        %and3A_146 = arith.andi %get3A_140, %and3A_145 : vector<16xi32>
        %gather3A_147 = tpu.vector_load_idx %arg6[%shift_right_logical3A_143] : memref<2064xf32, #tpu.memory_space<vmem>>[vector<16xi32>], vector<16xf32>,
        %gather3A_148 = tpu.vector_load_idx %arg8[%and3A_146] : memref<2064xf32, #tpu.memory_space<vmem>>[vector<16xi32>], vector<16xf32>,
        %add3A_149 = arith.addf %gather3A_147, %gather3A_148 : vector<16xf32>
        %swap3A_150 = arith.index_cast %add3A_138 : i32 to index
        %swap3A_151 = tpu.vector_load %arg10[%swap3A_150] {strides = array<i32>} : memref<8192xf32, #tpu.memory_space<vmem>>, vector<16xf32>,
        tpu.vector_store %arg10[%swap3A_150], %add3A_149 {strides = array<i32>} : memref<8192xf32, #tpu.memory_space<vmem>>, vector<16xf32>,
        %gather3A_152 = tpu.vector_load_idx %arg7[%shift_right_logical3A_143] : memref<2064xf32, #tpu.memory_space<vmem>>[vector<16xi32>], vector<16xf32>,
        %gather3A_153 = tpu.vector_load_idx %arg9[%and3A_146] : memref<2064xf32, #tpu.memory_space<vmem>>[vector<16xi32>], vector<16xf32>,
        %add3A_154 = arith.addf %gather3A_152, %gather3A_153 : vector<16xf32>
        %swap3A_155 = arith.index_cast %add3A_138 : i32 to index
        %swap3A_156 = tpu.vector_load %arg11[%swap3A_155] {strides = array<i32>} : memref<8192xf32, #tpu.memory_space<vmem>>, vector<16xf32>,
        tpu.vector_store %arg11[%swap3A_155], %add3A_154 {strides = array<i32>} : memref<8192xf32, #tpu.memory_space<vmem>>, vector<16xf32>,
      }
      %scan3A_67 = arith.constant 128 : i32
      %mul3A_68 = arith.constant 8192 : i32
      %mul3A_69 = arith.muli %add3A_34, %mul3A_68 : i32
      %run_scoped3A = arith.constant 0 : i32
      "tpu.region"() ({
        %run_scoped3A_73 = tpu.sem_alloc : memref<!tpu.dma_semaphore, #tpu.memory_space<semaphore_mem>>
        %dma_start3A = tpu.memref_slice %arg4[%run_scoped3A, %mul3A_69] : memref<2x2162688xf32, #tpu.memory_space<hbm>> -> memref<1x8192xf32, #tpu.memory_space<hbm>>
        %dma_start3A_74 = tpu.memref_squeeze %dma_start3A : memref<1x8192xf32, #tpu.memory_space<hbm>> -> memref<8192xf32, #tpu.memory_space<hbm>>
        %dma_start3A_75 = tpu.memref_slice %arg4[%run_scoped3A, %mul3A_69] : memref<2x2162688xf32, #tpu.memory_space<hbm>> -> memref<1x8192xf32, #tpu.memory_space<hbm>>
        %dma_start3A_76 = tpu.memref_squeeze %dma_start3A_75 : memref<1x8192xf32, #tpu.memory_space<hbm>> -> memref<8192xf32, #tpu.memory_space<hbm>>
        tpu.enqueue_dma source(%arg10 : memref<8192xf32, #tpu.memory_space<vmem>>) target(%dma_start3A_76 : memref<8192xf32, #tpu.memory_space<hbm>>) target_semaphore(%run_scoped3A_73 : memref<!tpu.dma_semaphore, #tpu.memory_space<semaphore_mem>>)
        %dma_wait3A = tpu.memref_slice %arg4[%run_scoped3A, %mul3A_69] : memref<2x2162688xf32, #tpu.memory_space<hbm>> -> memref<1x8192xf32, #tpu.memory_space<hbm>>
        %dma_wait3A_77 = tpu.memref_squeeze %dma_wait3A : memref<1x8192xf32, #tpu.memory_space<hbm>> -> memref<8192xf32, #tpu.memory_space<hbm>>
        %dma_wait3A_78 = tpu.memref_slice %arg4[%run_scoped3A, %mul3A_69] : memref<2x2162688xf32, #tpu.memory_space<hbm>> -> memref<1x8192xf32, #tpu.memory_space<hbm>>
        %dma_wait3A_79 = tpu.memref_squeeze %dma_wait3A_78 : memref<1x8192xf32, #tpu.memory_space<hbm>> -> memref<8192xf32, #tpu.memory_space<hbm>>
        tpu.wait_dma2 semaphore(%run_scoped3A_73 : memref<!tpu.dma_semaphore, #tpu.memory_space<semaphore_mem>>) src(%arg10 : memref<8192xf32, #tpu.memory_space<vmem>>) dst(%dma_wait3A_79 : memref<8192xf32, #tpu.memory_space<hbm>>)
        tpu.yield
      }) : () -> ()
      %mul3A_70 = arith.constant 8192 : i32
      %mul3A_71 = arith.muli %add3A_34, %mul3A_70 : i32
      %run_scoped3A_72 = arith.constant 1 : i32
      "tpu.region"() ({
        %run_scoped3A_73 = tpu.sem_alloc : memref<!tpu.dma_semaphore, #tpu.memory_space<semaphore_mem>>
        %dma_start3A = tpu.memref_slice %arg4[%run_scoped3A_72, %mul3A_71] : memref<2x2162688xf32, #tpu.memory_space<hbm>> -> memref<1x8192xf32, #tpu.memory_space<hbm>>
        %dma_start3A_74 = tpu.memref_squeeze %dma_start3A : memref<1x8192xf32, #tpu.memory_space<hbm>> -> memref<8192xf32, #tpu.memory_space<hbm>>
        %dma_start3A_75 = tpu.memref_slice %arg4[%run_scoped3A_72, %mul3A_71] : memref<2x2162688xf32, #tpu.memory_space<hbm>> -> memref<1x8192xf32, #tpu.memory_space<hbm>>
        %dma_start3A_76 = tpu.memref_squeeze %dma_start3A_75 : memref<1x8192xf32, #tpu.memory_space<hbm>> -> memref<8192xf32, #tpu.memory_space<hbm>>
        tpu.enqueue_dma source(%arg11 : memref<8192xf32, #tpu.memory_space<vmem>>) target(%dma_start3A_76 : memref<8192xf32, #tpu.memory_space<hbm>>) target_semaphore(%run_scoped3A_73 : memref<!tpu.dma_semaphore, #tpu.memory_space<semaphore_mem>>)
        %dma_wait3A = tpu.memref_slice %arg4[%run_scoped3A_72, %mul3A_71] : memref<2x2162688xf32, #tpu.memory_space<hbm>> -> memref<1x8192xf32, #tpu.memory_space<hbm>>
        %dma_wait3A_77 = tpu.memref_squeeze %dma_wait3A : memref<1x8192xf32, #tpu.memory_space<hbm>> -> memref<8192xf32, #tpu.memory_space<hbm>>
        %dma_wait3A_78 = tpu.memref_slice %arg4[%run_scoped3A_72, %mul3A_71] : memref<2x2162688xf32, #tpu.memory_space<hbm>> -> memref<1x8192xf32, #tpu.memory_space<hbm>>
        %dma_wait3A_79 = tpu.memref_squeeze %dma_wait3A_78 : memref<1x8192xf32, #tpu.memory_space<hbm>> -> memref<8192xf32, #tpu.memory_space<hbm>>
        tpu.wait_dma2 semaphore(%run_scoped3A_73 : memref<!tpu.dma_semaphore, #tpu.memory_space<semaphore_mem>>) src(%arg11 : memref<8192xf32, #tpu.memory_space<vmem>>) dst(%dma_wait3A_79 : memref<8192xf32, #tpu.memory_space<hbm>>)
        tpu.yield
      }) : () -> ()
    } else {
    }
    %add3A_40 = arith.constant 192 : i32
    %add3A_41 = arith.addi %add3A_40, %add3A : i32
    %lt3A_42 = arith.constant 264 : i32
    %lt3A_43 = arith.cmpi slt, %add3A_41, %lt3A_42 : i32
    %convert_element_type3A_44 = arith.extui %lt3A_43 : i1 to i32
    %cond3A_45 = arith.constant 0 : i32
    %cond3A_46 = arith.cmpi ne, %convert_element_type3A_44, %cond3A_45 : i32
    scf.if %cond3A_46 {
      %mul3A_61 = arith.constant 8192 : i32
      %mul3A_62 = arith.muli %add3A_41, %mul3A_61 : i32
      "tpu.region"() ({
        %run_scoped3A_73 = tpu.sem_alloc : memref<!tpu.dma_semaphore, #tpu.memory_space<semaphore_mem>>
        %dma_start3A = tpu.memref_slice %arg2[%mul3A_62] : memref<2162688xi32, #tpu.memory_space<hbm>> -> memref<8192xi32, #tpu.memory_space<hbm>>
        %dma_start3A_74 = tpu.memref_slice %arg2[%mul3A_62] : memref<2162688xi32, #tpu.memory_space<hbm>> -> memref<8192xi32, #tpu.memory_space<hbm>>
        tpu.enqueue_dma source(%dma_start3A_74 : memref<8192xi32, #tpu.memory_space<hbm>>) target(%arg5 : memref<8192xi32, #tpu.memory_space<vmem>>) target_semaphore(%run_scoped3A_73 : memref<!tpu.dma_semaphore, #tpu.memory_space<semaphore_mem>>)
        %dma_wait3A = tpu.memref_slice %arg2[%mul3A_62] : memref<2162688xi32, #tpu.memory_space<hbm>> -> memref<8192xi32, #tpu.memory_space<hbm>>
        %dma_wait3A_75 = tpu.memref_slice %arg2[%mul3A_62] : memref<2162688xi32, #tpu.memory_space<hbm>> -> memref<8192xi32, #tpu.memory_space<hbm>>
        tpu.wait_dma2 semaphore(%run_scoped3A_73 : memref<!tpu.dma_semaphore, #tpu.memory_space<semaphore_mem>>) src(%dma_wait3A_75 : memref<8192xi32, #tpu.memory_space<hbm>>) dst(%arg5 : memref<8192xi32, #tpu.memory_space<vmem>>)
        tpu.yield
      }) : () -> ()
      %scan3A = arith.constant 0 : i32
      %scan3A_63 = arith.constant 0 : i32
      %scan3A_64 = arith.constant 128 : i32
      %scan3A_65 = arith.addi %scan3A_63, %scan3A_64 : i32
      %scan3A_66 = arith.constant 1 : i32
      scf.for %scan3A_73 = %scan3A_63 to %scan3A_65 step %scan3A_66  : i32 {
        %mul3A_74 = arith.constant 64 : i32
        %mul3A_75 = arith.muli %scan3A_73, %mul3A_74 : i32
        %add3A_76 = arith.constant 0 : i32
        %add3A_77 = arith.addi %mul3A_75, %add3A_76 : i32
        %get3A = arith.index_cast %add3A_77 : i32 to index
        %get3A_78 = tpu.vector_load %arg5[%get3A] {strides = array<i32>} : memref<8192xi32, #tpu.memory_space<vmem>>, vector<16xi32>,
        %shift_right_logical3A = arith.constant 12 : i32
        %shift_right_logical3A_79 = vector.broadcast %shift_right_logical3A : i32 to vector<16xi32>
        %shift_right_logical3A_80 = arith.shrui %get3A_78, %shift_right_logical3A_79 : vector<16xi32>
        %and3A = arith.constant 4095 : i32
        %and3A_81 = vector.broadcast %and3A : i32 to vector<16xi32>
        %and3A_82 = arith.andi %get3A_78, %and3A_81 : vector<16xi32>
        %gather3A = tpu.vector_load_idx %arg6[%shift_right_logical3A_80] : memref<2064xf32, #tpu.memory_space<vmem>>[vector<16xi32>], vector<16xf32>,
        %gather3A_83 = tpu.vector_load_idx %arg8[%and3A_82] : memref<2064xf32, #tpu.memory_space<vmem>>[vector<16xi32>], vector<16xf32>,
        %add3A_84 = arith.addf %gather3A, %gather3A_83 : vector<16xf32>
        %swap3A = arith.index_cast %add3A_77 : i32 to index
        %swap3A_85 = tpu.vector_load %arg10[%swap3A] {strides = array<i32>} : memref<8192xf32, #tpu.memory_space<vmem>>, vector<16xf32>,
        tpu.vector_store %arg10[%swap3A], %add3A_84 {strides = array<i32>} : memref<8192xf32, #tpu.memory_space<vmem>>, vector<16xf32>,
        %gather3A_86 = tpu.vector_load_idx %arg7[%shift_right_logical3A_80] : memref<2064xf32, #tpu.memory_space<vmem>>[vector<16xi32>], vector<16xf32>,
        %gather3A_87 = tpu.vector_load_idx %arg9[%and3A_82] : memref<2064xf32, #tpu.memory_space<vmem>>[vector<16xi32>], vector<16xf32>,
        %add3A_88 = arith.addf %gather3A_86, %gather3A_87 : vector<16xf32>
        %swap3A_89 = arith.index_cast %add3A_77 : i32 to index
        %swap3A_90 = tpu.vector_load %arg11[%swap3A_89] {strides = array<i32>} : memref<8192xf32, #tpu.memory_space<vmem>>, vector<16xf32>,
        tpu.vector_store %arg11[%swap3A_89], %add3A_88 {strides = array<i32>} : memref<8192xf32, #tpu.memory_space<vmem>>, vector<16xf32>,
        %mul3A_91 = arith.constant 64 : i32
        %mul3A_92 = arith.muli %scan3A_73, %mul3A_91 : i32
        %add3A_93 = arith.constant 16 : i32
        %add3A_94 = arith.addi %mul3A_92, %add3A_93 : i32
        %get3A_95 = arith.index_cast %add3A_94 : i32 to index
        %get3A_96 = tpu.vector_load %arg5[%get3A_95] {strides = array<i32>} : memref<8192xi32, #tpu.memory_space<vmem>>, vector<16xi32>,
        %shift_right_logical3A_97 = arith.constant 12 : i32
        %shift_right_logical3A_98 = vector.broadcast %shift_right_logical3A_97 : i32 to vector<16xi32>
        %shift_right_logical3A_99 = arith.shrui %get3A_96, %shift_right_logical3A_98 : vector<16xi32>
        %and3A_100 = arith.constant 4095 : i32
        %and3A_101 = vector.broadcast %and3A_100 : i32 to vector<16xi32>
        %and3A_102 = arith.andi %get3A_96, %and3A_101 : vector<16xi32>
        %gather3A_103 = tpu.vector_load_idx %arg6[%shift_right_logical3A_99] : memref<2064xf32, #tpu.memory_space<vmem>>[vector<16xi32>], vector<16xf32>,
        %gather3A_104 = tpu.vector_load_idx %arg8[%and3A_102] : memref<2064xf32, #tpu.memory_space<vmem>>[vector<16xi32>], vector<16xf32>,
        %add3A_105 = arith.addf %gather3A_103, %gather3A_104 : vector<16xf32>
        %swap3A_106 = arith.index_cast %add3A_94 : i32 to index
        %swap3A_107 = tpu.vector_load %arg10[%swap3A_106] {strides = array<i32>} : memref<8192xf32, #tpu.memory_space<vmem>>, vector<16xf32>,
        tpu.vector_store %arg10[%swap3A_106], %add3A_105 {strides = array<i32>} : memref<8192xf32, #tpu.memory_space<vmem>>, vector<16xf32>,
        %gather3A_108 = tpu.vector_load_idx %arg7[%shift_right_logical3A_99] : memref<2064xf32, #tpu.memory_space<vmem>>[vector<16xi32>], vector<16xf32>,
        %gather3A_109 = tpu.vector_load_idx %arg9[%and3A_102] : memref<2064xf32, #tpu.memory_space<vmem>>[vector<16xi32>], vector<16xf32>,
        %add3A_110 = arith.addf %gather3A_108, %gather3A_109 : vector<16xf32>
        %swap3A_111 = arith.index_cast %add3A_94 : i32 to index
        %swap3A_112 = tpu.vector_load %arg11[%swap3A_111] {strides = array<i32>} : memref<8192xf32, #tpu.memory_space<vmem>>, vector<16xf32>,
        tpu.vector_store %arg11[%swap3A_111], %add3A_110 {strides = array<i32>} : memref<8192xf32, #tpu.memory_space<vmem>>, vector<16xf32>,
        %mul3A_113 = arith.constant 64 : i32
        %mul3A_114 = arith.muli %scan3A_73, %mul3A_113 : i32
        %add3A_115 = arith.constant 32 : i32
        %add3A_116 = arith.addi %mul3A_114, %add3A_115 : i32
        %get3A_117 = arith.index_cast %add3A_116 : i32 to index
        %get3A_118 = tpu.vector_load %arg5[%get3A_117] {strides = array<i32>} : memref<8192xi32, #tpu.memory_space<vmem>>, vector<16xi32>,
        %shift_right_logical3A_119 = arith.constant 12 : i32
        %shift_right_logical3A_120 = vector.broadcast %shift_right_logical3A_119 : i32 to vector<16xi32>
        %shift_right_logical3A_121 = arith.shrui %get3A_118, %shift_right_logical3A_120 : vector<16xi32>
        %and3A_122 = arith.constant 4095 : i32
        %and3A_123 = vector.broadcast %and3A_122 : i32 to vector<16xi32>
        %and3A_124 = arith.andi %get3A_118, %and3A_123 : vector<16xi32>
        %gather3A_125 = tpu.vector_load_idx %arg6[%shift_right_logical3A_121] : memref<2064xf32, #tpu.memory_space<vmem>>[vector<16xi32>], vector<16xf32>,
        %gather3A_126 = tpu.vector_load_idx %arg8[%and3A_124] : memref<2064xf32, #tpu.memory_space<vmem>>[vector<16xi32>], vector<16xf32>,
        %add3A_127 = arith.addf %gather3A_125, %gather3A_126 : vector<16xf32>
        %swap3A_128 = arith.index_cast %add3A_116 : i32 to index
        %swap3A_129 = tpu.vector_load %arg10[%swap3A_128] {strides = array<i32>} : memref<8192xf32, #tpu.memory_space<vmem>>, vector<16xf32>,
        tpu.vector_store %arg10[%swap3A_128], %add3A_127 {strides = array<i32>} : memref<8192xf32, #tpu.memory_space<vmem>>, vector<16xf32>,
        %gather3A_130 = tpu.vector_load_idx %arg7[%shift_right_logical3A_121] : memref<2064xf32, #tpu.memory_space<vmem>>[vector<16xi32>], vector<16xf32>,
        %gather3A_131 = tpu.vector_load_idx %arg9[%and3A_124] : memref<2064xf32, #tpu.memory_space<vmem>>[vector<16xi32>], vector<16xf32>,
        %add3A_132 = arith.addf %gather3A_130, %gather3A_131 : vector<16xf32>
        %swap3A_133 = arith.index_cast %add3A_116 : i32 to index
        %swap3A_134 = tpu.vector_load %arg11[%swap3A_133] {strides = array<i32>} : memref<8192xf32, #tpu.memory_space<vmem>>, vector<16xf32>,
        tpu.vector_store %arg11[%swap3A_133], %add3A_132 {strides = array<i32>} : memref<8192xf32, #tpu.memory_space<vmem>>, vector<16xf32>,
        %mul3A_135 = arith.constant 64 : i32
        %mul3A_136 = arith.muli %scan3A_73, %mul3A_135 : i32
        %add3A_137 = arith.constant 48 : i32
        %add3A_138 = arith.addi %mul3A_136, %add3A_137 : i32
        %get3A_139 = arith.index_cast %add3A_138 : i32 to index
        %get3A_140 = tpu.vector_load %arg5[%get3A_139] {strides = array<i32>} : memref<8192xi32, #tpu.memory_space<vmem>>, vector<16xi32>,
        %shift_right_logical3A_141 = arith.constant 12 : i32
        %shift_right_logical3A_142 = vector.broadcast %shift_right_logical3A_141 : i32 to vector<16xi32>
        %shift_right_logical3A_143 = arith.shrui %get3A_140, %shift_right_logical3A_142 : vector<16xi32>
        %and3A_144 = arith.constant 4095 : i32
        %and3A_145 = vector.broadcast %and3A_144 : i32 to vector<16xi32>
        %and3A_146 = arith.andi %get3A_140, %and3A_145 : vector<16xi32>
        %gather3A_147 = tpu.vector_load_idx %arg6[%shift_right_logical3A_143] : memref<2064xf32, #tpu.memory_space<vmem>>[vector<16xi32>], vector<16xf32>,
        %gather3A_148 = tpu.vector_load_idx %arg8[%and3A_146] : memref<2064xf32, #tpu.memory_space<vmem>>[vector<16xi32>], vector<16xf32>,
        %add3A_149 = arith.addf %gather3A_147, %gather3A_148 : vector<16xf32>
        %swap3A_150 = arith.index_cast %add3A_138 : i32 to index
        %swap3A_151 = tpu.vector_load %arg10[%swap3A_150] {strides = array<i32>} : memref<8192xf32, #tpu.memory_space<vmem>>, vector<16xf32>,
        tpu.vector_store %arg10[%swap3A_150], %add3A_149 {strides = array<i32>} : memref<8192xf32, #tpu.memory_space<vmem>>, vector<16xf32>,
        %gather3A_152 = tpu.vector_load_idx %arg7[%shift_right_logical3A_143] : memref<2064xf32, #tpu.memory_space<vmem>>[vector<16xi32>], vector<16xf32>,
        %gather3A_153 = tpu.vector_load_idx %arg9[%and3A_146] : memref<2064xf32, #tpu.memory_space<vmem>>[vector<16xi32>], vector<16xf32>,
        %add3A_154 = arith.addf %gather3A_152, %gather3A_153 : vector<16xf32>
        %swap3A_155 = arith.index_cast %add3A_138 : i32 to index
        %swap3A_156 = tpu.vector_load %arg11[%swap3A_155] {strides = array<i32>} : memref<8192xf32, #tpu.memory_space<vmem>>, vector<16xf32>,
        tpu.vector_store %arg11[%swap3A_155], %add3A_154 {strides = array<i32>} : memref<8192xf32, #tpu.memory_space<vmem>>, vector<16xf32>,
      }
      %scan3A_67 = arith.constant 128 : i32
      %mul3A_68 = arith.constant 8192 : i32
      %mul3A_69 = arith.muli %add3A_41, %mul3A_68 : i32
      %run_scoped3A = arith.constant 0 : i32
      "tpu.region"() ({
        %run_scoped3A_73 = tpu.sem_alloc : memref<!tpu.dma_semaphore, #tpu.memory_space<semaphore_mem>>
        %dma_start3A = tpu.memref_slice %arg4[%run_scoped3A, %mul3A_69] : memref<2x2162688xf32, #tpu.memory_space<hbm>> -> memref<1x8192xf32, #tpu.memory_space<hbm>>
        %dma_start3A_74 = tpu.memref_squeeze %dma_start3A : memref<1x8192xf32, #tpu.memory_space<hbm>> -> memref<8192xf32, #tpu.memory_space<hbm>>
        %dma_start3A_75 = tpu.memref_slice %arg4[%run_scoped3A, %mul3A_69] : memref<2x2162688xf32, #tpu.memory_space<hbm>> -> memref<1x8192xf32, #tpu.memory_space<hbm>>
        %dma_start3A_76 = tpu.memref_squeeze %dma_start3A_75 : memref<1x8192xf32, #tpu.memory_space<hbm>> -> memref<8192xf32, #tpu.memory_space<hbm>>
        tpu.enqueue_dma source(%arg10 : memref<8192xf32, #tpu.memory_space<vmem>>) target(%dma_start3A_76 : memref<8192xf32, #tpu.memory_space<hbm>>) target_semaphore(%run_scoped3A_73 : memref<!tpu.dma_semaphore, #tpu.memory_space<semaphore_mem>>)
        %dma_wait3A = tpu.memref_slice %arg4[%run_scoped3A, %mul3A_69] : memref<2x2162688xf32, #tpu.memory_space<hbm>> -> memref<1x8192xf32, #tpu.memory_space<hbm>>
        %dma_wait3A_77 = tpu.memref_squeeze %dma_wait3A : memref<1x8192xf32, #tpu.memory_space<hbm>> -> memref<8192xf32, #tpu.memory_space<hbm>>
        %dma_wait3A_78 = tpu.memref_slice %arg4[%run_scoped3A, %mul3A_69] : memref<2x2162688xf32, #tpu.memory_space<hbm>> -> memref<1x8192xf32, #tpu.memory_space<hbm>>
        %dma_wait3A_79 = tpu.memref_squeeze %dma_wait3A_78 : memref<1x8192xf32, #tpu.memory_space<hbm>> -> memref<8192xf32, #tpu.memory_space<hbm>>
        tpu.wait_dma2 semaphore(%run_scoped3A_73 : memref<!tpu.dma_semaphore, #tpu.memory_space<semaphore_mem>>) src(%arg10 : memref<8192xf32, #tpu.memory_space<vmem>>) dst(%dma_wait3A_79 : memref<8192xf32, #tpu.memory_space<hbm>>)
        tpu.yield
      }) : () -> ()
      %mul3A_70 = arith.constant 8192 : i32
      %mul3A_71 = arith.muli %add3A_41, %mul3A_70 : i32
      %run_scoped3A_72 = arith.constant 1 : i32
      "tpu.region"() ({
        %run_scoped3A_73 = tpu.sem_alloc : memref<!tpu.dma_semaphore, #tpu.memory_space<semaphore_mem>>
        %dma_start3A = tpu.memref_slice %arg4[%run_scoped3A_72, %mul3A_71] : memref<2x2162688xf32, #tpu.memory_space<hbm>> -> memref<1x8192xf32, #tpu.memory_space<hbm>>
        %dma_start3A_74 = tpu.memref_squeeze %dma_start3A : memref<1x8192xf32, #tpu.memory_space<hbm>> -> memref<8192xf32, #tpu.memory_space<hbm>>
        %dma_start3A_75 = tpu.memref_slice %arg4[%run_scoped3A_72, %mul3A_71] : memref<2x2162688xf32, #tpu.memory_space<hbm>> -> memref<1x8192xf32, #tpu.memory_space<hbm>>
        %dma_start3A_76 = tpu.memref_squeeze %dma_start3A_75 : memref<1x8192xf32, #tpu.memory_space<hbm>> -> memref<8192xf32, #tpu.memory_space<hbm>>
        tpu.enqueue_dma source(%arg11 : memref<8192xf32, #tpu.memory_space<vmem>>) target(%dma_start3A_76 : memref<8192xf32, #tpu.memory_space<hbm>>) target_semaphore(%run_scoped3A_73 : memref<!tpu.dma_semaphore, #tpu.memory_space<semaphore_mem>>)
        %dma_wait3A = tpu.memref_slice %arg4[%run_scoped3A_72, %mul3A_71] : memref<2x2162688xf32, #tpu.memory_space<hbm>> -> memref<1x8192xf32, #tpu.memory_space<hbm>>
        %dma_wait3A_77 = tpu.memref_squeeze %dma_wait3A : memref<1x8192xf32, #tpu.memory_space<hbm>> -> memref<8192xf32, #tpu.memory_space<hbm>>
        %dma_wait3A_78 = tpu.memref_slice %arg4[%run_scoped3A_72, %mul3A_71] : memref<2x2162688xf32, #tpu.memory_space<hbm>> -> memref<1x8192xf32, #tpu.memory_space<hbm>>
        %dma_wait3A_79 = tpu.memref_squeeze %dma_wait3A_78 : memref<1x8192xf32, #tpu.memory_space<hbm>> -> memref<8192xf32, #tpu.memory_space<hbm>>
        tpu.wait_dma2 semaphore(%run_scoped3A_73 : memref<!tpu.dma_semaphore, #tpu.memory_space<semaphore_mem>>) src(%arg11 : memref<8192xf32, #tpu.memory_space<vmem>>) dst(%dma_wait3A_79 : memref<8192xf32, #tpu.memory_space<hbm>>)
        tpu.yield
      }) : () -> ()
    } else {
    }
    %add3A_47 = arith.constant 224 : i32
    %add3A_48 = arith.addi %add3A_47, %add3A : i32
    %lt3A_49 = arith.constant 264 : i32
    %lt3A_50 = arith.cmpi slt, %add3A_48, %lt3A_49 : i32
    %convert_element_type3A_51 = arith.extui %lt3A_50 : i1 to i32
    %cond3A_52 = arith.constant 0 : i32
    %cond3A_53 = arith.cmpi ne, %convert_element_type3A_51, %cond3A_52 : i32
    scf.if %cond3A_53 {
      %mul3A_61 = arith.constant 8192 : i32
      %mul3A_62 = arith.muli %add3A_48, %mul3A_61 : i32
      "tpu.region"() ({
        %run_scoped3A_73 = tpu.sem_alloc : memref<!tpu.dma_semaphore, #tpu.memory_space<semaphore_mem>>
        %dma_start3A = tpu.memref_slice %arg2[%mul3A_62] : memref<2162688xi32, #tpu.memory_space<hbm>> -> memref<8192xi32, #tpu.memory_space<hbm>>
        %dma_start3A_74 = tpu.memref_slice %arg2[%mul3A_62] : memref<2162688xi32, #tpu.memory_space<hbm>> -> memref<8192xi32, #tpu.memory_space<hbm>>
        tpu.enqueue_dma source(%dma_start3A_74 : memref<8192xi32, #tpu.memory_space<hbm>>) target(%arg5 : memref<8192xi32, #tpu.memory_space<vmem>>) target_semaphore(%run_scoped3A_73 : memref<!tpu.dma_semaphore, #tpu.memory_space<semaphore_mem>>)
        %dma_wait3A = tpu.memref_slice %arg2[%mul3A_62] : memref<2162688xi32, #tpu.memory_space<hbm>> -> memref<8192xi32, #tpu.memory_space<hbm>>
        %dma_wait3A_75 = tpu.memref_slice %arg2[%mul3A_62] : memref<2162688xi32, #tpu.memory_space<hbm>> -> memref<8192xi32, #tpu.memory_space<hbm>>
        tpu.wait_dma2 semaphore(%run_scoped3A_73 : memref<!tpu.dma_semaphore, #tpu.memory_space<semaphore_mem>>) src(%dma_wait3A_75 : memref<8192xi32, #tpu.memory_space<hbm>>) dst(%arg5 : memref<8192xi32, #tpu.memory_space<vmem>>)
        tpu.yield
      }) : () -> ()
      %scan3A = arith.constant 0 : i32
      %scan3A_63 = arith.constant 0 : i32
      %scan3A_64 = arith.constant 128 : i32
      %scan3A_65 = arith.addi %scan3A_63, %scan3A_64 : i32
      %scan3A_66 = arith.constant 1 : i32
      scf.for %scan3A_73 = %scan3A_63 to %scan3A_65 step %scan3A_66  : i32 {
        %mul3A_74 = arith.constant 64 : i32
        %mul3A_75 = arith.muli %scan3A_73, %mul3A_74 : i32
        %add3A_76 = arith.constant 0 : i32
        %add3A_77 = arith.addi %mul3A_75, %add3A_76 : i32
        %get3A = arith.index_cast %add3A_77 : i32 to index
        %get3A_78 = tpu.vector_load %arg5[%get3A] {strides = array<i32>} : memref<8192xi32, #tpu.memory_space<vmem>>, vector<16xi32>,
        %shift_right_logical3A = arith.constant 12 : i32
        %shift_right_logical3A_79 = vector.broadcast %shift_right_logical3A : i32 to vector<16xi32>
        %shift_right_logical3A_80 = arith.shrui %get3A_78, %shift_right_logical3A_79 : vector<16xi32>
        %and3A = arith.constant 4095 : i32
        %and3A_81 = vector.broadcast %and3A : i32 to vector<16xi32>
        %and3A_82 = arith.andi %get3A_78, %and3A_81 : vector<16xi32>
        %gather3A = tpu.vector_load_idx %arg6[%shift_right_logical3A_80] : memref<2064xf32, #tpu.memory_space<vmem>>[vector<16xi32>], vector<16xf32>,
        %gather3A_83 = tpu.vector_load_idx %arg8[%and3A_82] : memref<2064xf32, #tpu.memory_space<vmem>>[vector<16xi32>], vector<16xf32>,
        %add3A_84 = arith.addf %gather3A, %gather3A_83 : vector<16xf32>
        %swap3A = arith.index_cast %add3A_77 : i32 to index
        %swap3A_85 = tpu.vector_load %arg10[%swap3A] {strides = array<i32>} : memref<8192xf32, #tpu.memory_space<vmem>>, vector<16xf32>,
        tpu.vector_store %arg10[%swap3A], %add3A_84 {strides = array<i32>} : memref<8192xf32, #tpu.memory_space<vmem>>, vector<16xf32>,
        %gather3A_86 = tpu.vector_load_idx %arg7[%shift_right_logical3A_80] : memref<2064xf32, #tpu.memory_space<vmem>>[vector<16xi32>], vector<16xf32>,
        %gather3A_87 = tpu.vector_load_idx %arg9[%and3A_82] : memref<2064xf32, #tpu.memory_space<vmem>>[vector<16xi32>], vector<16xf32>,
        %add3A_88 = arith.addf %gather3A_86, %gather3A_87 : vector<16xf32>
        %swap3A_89 = arith.index_cast %add3A_77 : i32 to index
        %swap3A_90 = tpu.vector_load %arg11[%swap3A_89] {strides = array<i32>} : memref<8192xf32, #tpu.memory_space<vmem>>, vector<16xf32>,
        tpu.vector_store %arg11[%swap3A_89], %add3A_88 {strides = array<i32>} : memref<8192xf32, #tpu.memory_space<vmem>>, vector<16xf32>,
        %mul3A_91 = arith.constant 64 : i32
        %mul3A_92 = arith.muli %scan3A_73, %mul3A_91 : i32
        %add3A_93 = arith.constant 16 : i32
        %add3A_94 = arith.addi %mul3A_92, %add3A_93 : i32
        %get3A_95 = arith.index_cast %add3A_94 : i32 to index
        %get3A_96 = tpu.vector_load %arg5[%get3A_95] {strides = array<i32>} : memref<8192xi32, #tpu.memory_space<vmem>>, vector<16xi32>,
        %shift_right_logical3A_97 = arith.constant 12 : i32
        %shift_right_logical3A_98 = vector.broadcast %shift_right_logical3A_97 : i32 to vector<16xi32>
        %shift_right_logical3A_99 = arith.shrui %get3A_96, %shift_right_logical3A_98 : vector<16xi32>
        %and3A_100 = arith.constant 4095 : i32
        %and3A_101 = vector.broadcast %and3A_100 : i32 to vector<16xi32>
        %and3A_102 = arith.andi %get3A_96, %and3A_101 : vector<16xi32>
        %gather3A_103 = tpu.vector_load_idx %arg6[%shift_right_logical3A_99] : memref<2064xf32, #tpu.memory_space<vmem>>[vector<16xi32>], vector<16xf32>,
        %gather3A_104 = tpu.vector_load_idx %arg8[%and3A_102] : memref<2064xf32, #tpu.memory_space<vmem>>[vector<16xi32>], vector<16xf32>,
        %add3A_105 = arith.addf %gather3A_103, %gather3A_104 : vector<16xf32>
        %swap3A_106 = arith.index_cast %add3A_94 : i32 to index
        %swap3A_107 = tpu.vector_load %arg10[%swap3A_106] {strides = array<i32>} : memref<8192xf32, #tpu.memory_space<vmem>>, vector<16xf32>,
        tpu.vector_store %arg10[%swap3A_106], %add3A_105 {strides = array<i32>} : memref<8192xf32, #tpu.memory_space<vmem>>, vector<16xf32>,
        %gather3A_108 = tpu.vector_load_idx %arg7[%shift_right_logical3A_99] : memref<2064xf32, #tpu.memory_space<vmem>>[vector<16xi32>], vector<16xf32>,
        %gather3A_109 = tpu.vector_load_idx %arg9[%and3A_102] : memref<2064xf32, #tpu.memory_space<vmem>>[vector<16xi32>], vector<16xf32>,
        %add3A_110 = arith.addf %gather3A_108, %gather3A_109 : vector<16xf32>
        %swap3A_111 = arith.index_cast %add3A_94 : i32 to index
        %swap3A_112 = tpu.vector_load %arg11[%swap3A_111] {strides = array<i32>} : memref<8192xf32, #tpu.memory_space<vmem>>, vector<16xf32>,
        tpu.vector_store %arg11[%swap3A_111], %add3A_110 {strides = array<i32>} : memref<8192xf32, #tpu.memory_space<vmem>>, vector<16xf32>,
        %mul3A_113 = arith.constant 64 : i32
        %mul3A_114 = arith.muli %scan3A_73, %mul3A_113 : i32
        %add3A_115 = arith.constant 32 : i32
        %add3A_116 = arith.addi %mul3A_114, %add3A_115 : i32
        %get3A_117 = arith.index_cast %add3A_116 : i32 to index
        %get3A_118 = tpu.vector_load %arg5[%get3A_117] {strides = array<i32>} : memref<8192xi32, #tpu.memory_space<vmem>>, vector<16xi32>,
        %shift_right_logical3A_119 = arith.constant 12 : i32
        %shift_right_logical3A_120 = vector.broadcast %shift_right_logical3A_119 : i32 to vector<16xi32>
        %shift_right_logical3A_121 = arith.shrui %get3A_118, %shift_right_logical3A_120 : vector<16xi32>
        %and3A_122 = arith.constant 4095 : i32
        %and3A_123 = vector.broadcast %and3A_122 : i32 to vector<16xi32>
        %and3A_124 = arith.andi %get3A_118, %and3A_123 : vector<16xi32>
        %gather3A_125 = tpu.vector_load_idx %arg6[%shift_right_logical3A_121] : memref<2064xf32, #tpu.memory_space<vmem>>[vector<16xi32>], vector<16xf32>,
        %gather3A_126 = tpu.vector_load_idx %arg8[%and3A_124] : memref<2064xf32, #tpu.memory_space<vmem>>[vector<16xi32>], vector<16xf32>,
        %add3A_127 = arith.addf %gather3A_125, %gather3A_126 : vector<16xf32>
        %swap3A_128 = arith.index_cast %add3A_116 : i32 to index
        %swap3A_129 = tpu.vector_load %arg10[%swap3A_128] {strides = array<i32>} : memref<8192xf32, #tpu.memory_space<vmem>>, vector<16xf32>,
        tpu.vector_store %arg10[%swap3A_128], %add3A_127 {strides = array<i32>} : memref<8192xf32, #tpu.memory_space<vmem>>, vector<16xf32>,
        %gather3A_130 = tpu.vector_load_idx %arg7[%shift_right_logical3A_121] : memref<2064xf32, #tpu.memory_space<vmem>>[vector<16xi32>], vector<16xf32>,
        %gather3A_131 = tpu.vector_load_idx %arg9[%and3A_124] : memref<2064xf32, #tpu.memory_space<vmem>>[vector<16xi32>], vector<16xf32>,
        %add3A_132 = arith.addf %gather3A_130, %gather3A_131 : vector<16xf32>
        %swap3A_133 = arith.index_cast %add3A_116 : i32 to index
        %swap3A_134 = tpu.vector_load %arg11[%swap3A_133] {strides = array<i32>} : memref<8192xf32, #tpu.memory_space<vmem>>, vector<16xf32>,
        tpu.vector_store %arg11[%swap3A_133], %add3A_132 {strides = array<i32>} : memref<8192xf32, #tpu.memory_space<vmem>>, vector<16xf32>,
        %mul3A_135 = arith.constant 64 : i32
        %mul3A_136 = arith.muli %scan3A_73, %mul3A_135 : i32
        %add3A_137 = arith.constant 48 : i32
        %add3A_138 = arith.addi %mul3A_136, %add3A_137 : i32
        %get3A_139 = arith.index_cast %add3A_138 : i32 to index
        %get3A_140 = tpu.vector_load %arg5[%get3A_139] {strides = array<i32>} : memref<8192xi32, #tpu.memory_space<vmem>>, vector<16xi32>,
        %shift_right_logical3A_141 = arith.constant 12 : i32
        %shift_right_logical3A_142 = vector.broadcast %shift_right_logical3A_141 : i32 to vector<16xi32>
        %shift_right_logical3A_143 = arith.shrui %get3A_140, %shift_right_logical3A_142 : vector<16xi32>
        %and3A_144 = arith.constant 4095 : i32
        %and3A_145 = vector.broadcast %and3A_144 : i32 to vector<16xi32>
        %and3A_146 = arith.andi %get3A_140, %and3A_145 : vector<16xi32>
        %gather3A_147 = tpu.vector_load_idx %arg6[%shift_right_logical3A_143] : memref<2064xf32, #tpu.memory_space<vmem>>[vector<16xi32>], vector<16xf32>,
        %gather3A_148 = tpu.vector_load_idx %arg8[%and3A_146] : memref<2064xf32, #tpu.memory_space<vmem>>[vector<16xi32>], vector<16xf32>,
        %add3A_149 = arith.addf %gather3A_147, %gather3A_148 : vector<16xf32>
        %swap3A_150 = arith.index_cast %add3A_138 : i32 to index
        %swap3A_151 = tpu.vector_load %arg10[%swap3A_150] {strides = array<i32>} : memref<8192xf32, #tpu.memory_space<vmem>>, vector<16xf32>,
        tpu.vector_store %arg10[%swap3A_150], %add3A_149 {strides = array<i32>} : memref<8192xf32, #tpu.memory_space<vmem>>, vector<16xf32>,
        %gather3A_152 = tpu.vector_load_idx %arg7[%shift_right_logical3A_143] : memref<2064xf32, #tpu.memory_space<vmem>>[vector<16xi32>], vector<16xf32>,
        %gather3A_153 = tpu.vector_load_idx %arg9[%and3A_146] : memref<2064xf32, #tpu.memory_space<vmem>>[vector<16xi32>], vector<16xf32>,
        %add3A_154 = arith.addf %gather3A_152, %gather3A_153 : vector<16xf32>
        %swap3A_155 = arith.index_cast %add3A_138 : i32 to index
        %swap3A_156 = tpu.vector_load %arg11[%swap3A_155] {strides = array<i32>} : memref<8192xf32, #tpu.memory_space<vmem>>, vector<16xf32>,
        tpu.vector_store %arg11[%swap3A_155], %add3A_154 {strides = array<i32>} : memref<8192xf32, #tpu.memory_space<vmem>>, vector<16xf32>,
      }
      %scan3A_67 = arith.constant 128 : i32
      %mul3A_68 = arith.constant 8192 : i32
      %mul3A_69 = arith.muli %add3A_48, %mul3A_68 : i32
      %run_scoped3A = arith.constant 0 : i32
      "tpu.region"() ({
        %run_scoped3A_73 = tpu.sem_alloc : memref<!tpu.dma_semaphore, #tpu.memory_space<semaphore_mem>>
        %dma_start3A = tpu.memref_slice %arg4[%run_scoped3A, %mul3A_69] : memref<2x2162688xf32, #tpu.memory_space<hbm>> -> memref<1x8192xf32, #tpu.memory_space<hbm>>
        %dma_start3A_74 = tpu.memref_squeeze %dma_start3A : memref<1x8192xf32, #tpu.memory_space<hbm>> -> memref<8192xf32, #tpu.memory_space<hbm>>
        %dma_start3A_75 = tpu.memref_slice %arg4[%run_scoped3A, %mul3A_69] : memref<2x2162688xf32, #tpu.memory_space<hbm>> -> memref<1x8192xf32, #tpu.memory_space<hbm>>
        %dma_start3A_76 = tpu.memref_squeeze %dma_start3A_75 : memref<1x8192xf32, #tpu.memory_space<hbm>> -> memref<8192xf32, #tpu.memory_space<hbm>>
        tpu.enqueue_dma source(%arg10 : memref<8192xf32, #tpu.memory_space<vmem>>) target(%dma_start3A_76 : memref<8192xf32, #tpu.memory_space<hbm>>) target_semaphore(%run_scoped3A_73 : memref<!tpu.dma_semaphore, #tpu.memory_space<semaphore_mem>>)
        %dma_wait3A = tpu.memref_slice %arg4[%run_scoped3A, %mul3A_69] : memref<2x2162688xf32, #tpu.memory_space<hbm>> -> memref<1x8192xf32, #tpu.memory_space<hbm>>
        %dma_wait3A_77 = tpu.memref_squeeze %dma_wait3A : memref<1x8192xf32, #tpu.memory_space<hbm>> -> memref<8192xf32, #tpu.memory_space<hbm>>
        %dma_wait3A_78 = tpu.memref_slice %arg4[%run_scoped3A, %mul3A_69] : memref<2x2162688xf32, #tpu.memory_space<hbm>> -> memref<1x8192xf32, #tpu.memory_space<hbm>>
        %dma_wait3A_79 = tpu.memref_squeeze %dma_wait3A_78 : memref<1x8192xf32, #tpu.memory_space<hbm>> -> memref<8192xf32, #tpu.memory_space<hbm>>
        tpu.wait_dma2 semaphore(%run_scoped3A_73 : memref<!tpu.dma_semaphore, #tpu.memory_space<semaphore_mem>>) src(%arg10 : memref<8192xf32, #tpu.memory_space<vmem>>) dst(%dma_wait3A_79 : memref<8192xf32, #tpu.memory_space<hbm>>)
        tpu.yield
      }) : () -> ()
      %mul3A_70 = arith.constant 8192 : i32
      %mul3A_71 = arith.muli %add3A_48, %mul3A_70 : i32
      %run_scoped3A_72 = arith.constant 1 : i32
      "tpu.region"() ({
        %run_scoped3A_73 = tpu.sem_alloc : memref<!tpu.dma_semaphore, #tpu.memory_space<semaphore_mem>>
        %dma_start3A = tpu.memref_slice %arg4[%run_scoped3A_72, %mul3A_71] : memref<2x2162688xf32, #tpu.memory_space<hbm>> -> memref<1x8192xf32, #tpu.memory_space<hbm>>
        %dma_start3A_74 = tpu.memref_squeeze %dma_start3A : memref<1x8192xf32, #tpu.memory_space<hbm>> -> memref<8192xf32, #tpu.memory_space<hbm>>
        %dma_start3A_75 = tpu.memref_slice %arg4[%run_scoped3A_72, %mul3A_71] : memref<2x2162688xf32, #tpu.memory_space<hbm>> -> memref<1x8192xf32, #tpu.memory_space<hbm>>
        %dma_start3A_76 = tpu.memref_squeeze %dma_start3A_75 : memref<1x8192xf32, #tpu.memory_space<hbm>> -> memref<8192xf32, #tpu.memory_space<hbm>>
        tpu.enqueue_dma source(%arg11 : memref<8192xf32, #tpu.memory_space<vmem>>) target(%dma_start3A_76 : memref<8192xf32, #tpu.memory_space<hbm>>) target_semaphore(%run_scoped3A_73 : memref<!tpu.dma_semaphore, #tpu.memory_space<semaphore_mem>>)
        %dma_wait3A = tpu.memref_slice %arg4[%run_scoped3A_72, %mul3A_71] : memref<2x2162688xf32, #tpu.memory_space<hbm>> -> memref<1x8192xf32, #tpu.memory_space<hbm>>
        %dma_wait3A_77 = tpu.memref_squeeze %dma_wait3A : memref<1x8192xf32, #tpu.memory_space<hbm>> -> memref<8192xf32, #tpu.memory_space<hbm>>
        %dma_wait3A_78 = tpu.memref_slice %arg4[%run_scoped3A_72, %mul3A_71] : memref<2x2162688xf32, #tpu.memory_space<hbm>> -> memref<1x8192xf32, #tpu.memory_space<hbm>>
        %dma_wait3A_79 = tpu.memref_squeeze %dma_wait3A_78 : memref<1x8192xf32, #tpu.memory_space<hbm>> -> memref<8192xf32, #tpu.memory_space<hbm>>
        tpu.wait_dma2 semaphore(%run_scoped3A_73 : memref<!tpu.dma_semaphore, #tpu.memory_space<semaphore_mem>>) src(%arg11 : memref<8192xf32, #tpu.memory_space<vmem>>) dst(%dma_wait3A_79 : memref<8192xf32, #tpu.memory_space<hbm>>)
        tpu.yield
      }) : () -> ()
    } else {
    }
    %add3A_54 = arith.constant 256 : i32
    %add3A_55 = arith.addi %add3A_54, %add3A : i32
    %lt3A_56 = arith.constant 264 : i32
    %lt3A_57 = arith.cmpi slt, %add3A_55, %lt3A_56 : i32
    %convert_element_type3A_58 = arith.extui %lt3A_57 : i1 to i32
    %cond3A_59 = arith.constant 0 : i32
    %cond3A_60 = arith.cmpi ne, %convert_element_type3A_58, %cond3A_59 : i32
    scf.if %cond3A_60 {
      %mul3A_61 = arith.constant 8192 : i32
      %mul3A_62 = arith.muli %add3A_55, %mul3A_61 : i32
      "tpu.region"() ({
        %run_scoped3A_73 = tpu.sem_alloc : memref<!tpu.dma_semaphore, #tpu.memory_space<semaphore_mem>>
        %dma_start3A = tpu.memref_slice %arg2[%mul3A_62] : memref<2162688xi32, #tpu.memory_space<hbm>> -> memref<8192xi32, #tpu.memory_space<hbm>>
        %dma_start3A_74 = tpu.memref_slice %arg2[%mul3A_62] : memref<2162688xi32, #tpu.memory_space<hbm>> -> memref<8192xi32, #tpu.memory_space<hbm>>
        tpu.enqueue_dma source(%dma_start3A_74 : memref<8192xi32, #tpu.memory_space<hbm>>) target(%arg5 : memref<8192xi32, #tpu.memory_space<vmem>>) target_semaphore(%run_scoped3A_73 : memref<!tpu.dma_semaphore, #tpu.memory_space<semaphore_mem>>)
        %dma_wait3A = tpu.memref_slice %arg2[%mul3A_62] : memref<2162688xi32, #tpu.memory_space<hbm>> -> memref<8192xi32, #tpu.memory_space<hbm>>
        %dma_wait3A_75 = tpu.memref_slice %arg2[%mul3A_62] : memref<2162688xi32, #tpu.memory_space<hbm>> -> memref<8192xi32, #tpu.memory_space<hbm>>
        tpu.wait_dma2 semaphore(%run_scoped3A_73 : memref<!tpu.dma_semaphore, #tpu.memory_space<semaphore_mem>>) src(%dma_wait3A_75 : memref<8192xi32, #tpu.memory_space<hbm>>) dst(%arg5 : memref<8192xi32, #tpu.memory_space<vmem>>)
        tpu.yield
      }) : () -> ()
      %scan3A = arith.constant 0 : i32
      %scan3A_63 = arith.constant 0 : i32
      %scan3A_64 = arith.constant 128 : i32
      %scan3A_65 = arith.addi %scan3A_63, %scan3A_64 : i32
      %scan3A_66 = arith.constant 1 : i32
      scf.for %scan3A_73 = %scan3A_63 to %scan3A_65 step %scan3A_66  : i32 {
        %mul3A_74 = arith.constant 64 : i32
        %mul3A_75 = arith.muli %scan3A_73, %mul3A_74 : i32
        %add3A_76 = arith.constant 0 : i32
        %add3A_77 = arith.addi %mul3A_75, %add3A_76 : i32
        %get3A = arith.index_cast %add3A_77 : i32 to index
        %get3A_78 = tpu.vector_load %arg5[%get3A] {strides = array<i32>} : memref<8192xi32, #tpu.memory_space<vmem>>, vector<16xi32>,
        %shift_right_logical3A = arith.constant 12 : i32
        %shift_right_logical3A_79 = vector.broadcast %shift_right_logical3A : i32 to vector<16xi32>
        %shift_right_logical3A_80 = arith.shrui %get3A_78, %shift_right_logical3A_79 : vector<16xi32>
        %and3A = arith.constant 4095 : i32
        %and3A_81 = vector.broadcast %and3A : i32 to vector<16xi32>
        %and3A_82 = arith.andi %get3A_78, %and3A_81 : vector<16xi32>
        %gather3A = tpu.vector_load_idx %arg6[%shift_right_logical3A_80] : memref<2064xf32, #tpu.memory_space<vmem>>[vector<16xi32>], vector<16xf32>,
        %gather3A_83 = tpu.vector_load_idx %arg8[%and3A_82] : memref<2064xf32, #tpu.memory_space<vmem>>[vector<16xi32>], vector<16xf32>,
        %add3A_84 = arith.addf %gather3A, %gather3A_83 : vector<16xf32>
        %swap3A = arith.index_cast %add3A_77 : i32 to index
        %swap3A_85 = tpu.vector_load %arg10[%swap3A] {strides = array<i32>} : memref<8192xf32, #tpu.memory_space<vmem>>, vector<16xf32>,
        tpu.vector_store %arg10[%swap3A], %add3A_84 {strides = array<i32>} : memref<8192xf32, #tpu.memory_space<vmem>>, vector<16xf32>,
        %gather3A_86 = tpu.vector_load_idx %arg7[%shift_right_logical3A_80] : memref<2064xf32, #tpu.memory_space<vmem>>[vector<16xi32>], vector<16xf32>,
        %gather3A_87 = tpu.vector_load_idx %arg9[%and3A_82] : memref<2064xf32, #tpu.memory_space<vmem>>[vector<16xi32>], vector<16xf32>,
        %add3A_88 = arith.addf %gather3A_86, %gather3A_87 : vector<16xf32>
        %swap3A_89 = arith.index_cast %add3A_77 : i32 to index
        %swap3A_90 = tpu.vector_load %arg11[%swap3A_89] {strides = array<i32>} : memref<8192xf32, #tpu.memory_space<vmem>>, vector<16xf32>,
        tpu.vector_store %arg11[%swap3A_89], %add3A_88 {strides = array<i32>} : memref<8192xf32, #tpu.memory_space<vmem>>, vector<16xf32>,
        %mul3A_91 = arith.constant 64 : i32
        %mul3A_92 = arith.muli %scan3A_73, %mul3A_91 : i32
        %add3A_93 = arith.constant 16 : i32
        %add3A_94 = arith.addi %mul3A_92, %add3A_93 : i32
        %get3A_95 = arith.index_cast %add3A_94 : i32 to index
        %get3A_96 = tpu.vector_load %arg5[%get3A_95] {strides = array<i32>} : memref<8192xi32, #tpu.memory_space<vmem>>, vector<16xi32>,
        %shift_right_logical3A_97 = arith.constant 12 : i32
        %shift_right_logical3A_98 = vector.broadcast %shift_right_logical3A_97 : i32 to vector<16xi32>
        %shift_right_logical3A_99 = arith.shrui %get3A_96, %shift_right_logical3A_98 : vector<16xi32>
        %and3A_100 = arith.constant 4095 : i32
        %and3A_101 = vector.broadcast %and3A_100 : i32 to vector<16xi32>
        %and3A_102 = arith.andi %get3A_96, %and3A_101 : vector<16xi32>
        %gather3A_103 = tpu.vector_load_idx %arg6[%shift_right_logical3A_99] : memref<2064xf32, #tpu.memory_space<vmem>>[vector<16xi32>], vector<16xf32>,
        %gather3A_104 = tpu.vector_load_idx %arg8[%and3A_102] : memref<2064xf32, #tpu.memory_space<vmem>>[vector<16xi32>], vector<16xf32>,
        %add3A_105 = arith.addf %gather3A_103, %gather3A_104 : vector<16xf32>
        %swap3A_106 = arith.index_cast %add3A_94 : i32 to index
        %swap3A_107 = tpu.vector_load %arg10[%swap3A_106] {strides = array<i32>} : memref<8192xf32, #tpu.memory_space<vmem>>, vector<16xf32>,
        tpu.vector_store %arg10[%swap3A_106], %add3A_105 {strides = array<i32>} : memref<8192xf32, #tpu.memory_space<vmem>>, vector<16xf32>,
        %gather3A_108 = tpu.vector_load_idx %arg7[%shift_right_logical3A_99] : memref<2064xf32, #tpu.memory_space<vmem>>[vector<16xi32>], vector<16xf32>,
        %gather3A_109 = tpu.vector_load_idx %arg9[%and3A_102] : memref<2064xf32, #tpu.memory_space<vmem>>[vector<16xi32>], vector<16xf32>,
        %add3A_110 = arith.addf %gather3A_108, %gather3A_109 : vector<16xf32>
        %swap3A_111 = arith.index_cast %add3A_94 : i32 to index
        %swap3A_112 = tpu.vector_load %arg11[%swap3A_111] {strides = array<i32>} : memref<8192xf32, #tpu.memory_space<vmem>>, vector<16xf32>,
        tpu.vector_store %arg11[%swap3A_111], %add3A_110 {strides = array<i32>} : memref<8192xf32, #tpu.memory_space<vmem>>, vector<16xf32>,
        %mul3A_113 = arith.constant 64 : i32
        %mul3A_114 = arith.muli %scan3A_73, %mul3A_113 : i32
        %add3A_115 = arith.constant 32 : i32
        %add3A_116 = arith.addi %mul3A_114, %add3A_115 : i32
        %get3A_117 = arith.index_cast %add3A_116 : i32 to index
        %get3A_118 = tpu.vector_load %arg5[%get3A_117] {strides = array<i32>} : memref<8192xi32, #tpu.memory_space<vmem>>, vector<16xi32>,
        %shift_right_logical3A_119 = arith.constant 12 : i32
        %shift_right_logical3A_120 = vector.broadcast %shift_right_logical3A_119 : i32 to vector<16xi32>
        %shift_right_logical3A_121 = arith.shrui %get3A_118, %shift_right_logical3A_120 : vector<16xi32>
        %and3A_122 = arith.constant 4095 : i32
        %and3A_123 = vector.broadcast %and3A_122 : i32 to vector<16xi32>
        %and3A_124 = arith.andi %get3A_118, %and3A_123 : vector<16xi32>
        %gather3A_125 = tpu.vector_load_idx %arg6[%shift_right_logical3A_121] : memref<2064xf32, #tpu.memory_space<vmem>>[vector<16xi32>], vector<16xf32>,
        %gather3A_126 = tpu.vector_load_idx %arg8[%and3A_124] : memref<2064xf32, #tpu.memory_space<vmem>>[vector<16xi32>], vector<16xf32>,
        %add3A_127 = arith.addf %gather3A_125, %gather3A_126 : vector<16xf32>
        %swap3A_128 = arith.index_cast %add3A_116 : i32 to index
        %swap3A_129 = tpu.vector_load %arg10[%swap3A_128] {strides = array<i32>} : memref<8192xf32, #tpu.memory_space<vmem>>, vector<16xf32>,
        tpu.vector_store %arg10[%swap3A_128], %add3A_127 {strides = array<i32>} : memref<8192xf32, #tpu.memory_space<vmem>>, vector<16xf32>,
        %gather3A_130 = tpu.vector_load_idx %arg7[%shift_right_logical3A_121] : memref<2064xf32, #tpu.memory_space<vmem>>[vector<16xi32>], vector<16xf32>,
        %gather3A_131 = tpu.vector_load_idx %arg9[%and3A_124] : memref<2064xf32, #tpu.memory_space<vmem>>[vector<16xi32>], vector<16xf32>,
        %add3A_132 = arith.addf %gather3A_130, %gather3A_131 : vector<16xf32>
        %swap3A_133 = arith.index_cast %add3A_116 : i32 to index
        %swap3A_134 = tpu.vector_load %arg11[%swap3A_133] {strides = array<i32>} : memref<8192xf32, #tpu.memory_space<vmem>>, vector<16xf32>,
        tpu.vector_store %arg11[%swap3A_133], %add3A_132 {strides = array<i32>} : memref<8192xf32, #tpu.memory_space<vmem>>, vector<16xf32>,
        %mul3A_135 = arith.constant 64 : i32
        %mul3A_136 = arith.muli %scan3A_73, %mul3A_135 : i32
        %add3A_137 = arith.constant 48 : i32
        %add3A_138 = arith.addi %mul3A_136, %add3A_137 : i32
        %get3A_139 = arith.index_cast %add3A_138 : i32 to index
        %get3A_140 = tpu.vector_load %arg5[%get3A_139] {strides = array<i32>} : memref<8192xi32, #tpu.memory_space<vmem>>, vector<16xi32>,
        %shift_right_logical3A_141 = arith.constant 12 : i32
        %shift_right_logical3A_142 = vector.broadcast %shift_right_logical3A_141 : i32 to vector<16xi32>
        %shift_right_logical3A_143 = arith.shrui %get3A_140, %shift_right_logical3A_142 : vector<16xi32>
        %and3A_144 = arith.constant 4095 : i32
        %and3A_145 = vector.broadcast %and3A_144 : i32 to vector<16xi32>
        %and3A_146 = arith.andi %get3A_140, %and3A_145 : vector<16xi32>
        %gather3A_147 = tpu.vector_load_idx %arg6[%shift_right_logical3A_143] : memref<2064xf32, #tpu.memory_space<vmem>>[vector<16xi32>], vector<16xf32>,
        %gather3A_148 = tpu.vector_load_idx %arg8[%and3A_146] : memref<2064xf32, #tpu.memory_space<vmem>>[vector<16xi32>], vector<16xf32>,
        %add3A_149 = arith.addf %gather3A_147, %gather3A_148 : vector<16xf32>
        %swap3A_150 = arith.index_cast %add3A_138 : i32 to index
        %swap3A_151 = tpu.vector_load %arg10[%swap3A_150] {strides = array<i32>} : memref<8192xf32, #tpu.memory_space<vmem>>, vector<16xf32>,
        tpu.vector_store %arg10[%swap3A_150], %add3A_149 {strides = array<i32>} : memref<8192xf32, #tpu.memory_space<vmem>>, vector<16xf32>,
        %gather3A_152 = tpu.vector_load_idx %arg7[%shift_right_logical3A_143] : memref<2064xf32, #tpu.memory_space<vmem>>[vector<16xi32>], vector<16xf32>,
        %gather3A_153 = tpu.vector_load_idx %arg9[%and3A_146] : memref<2064xf32, #tpu.memory_space<vmem>>[vector<16xi32>], vector<16xf32>,
        %add3A_154 = arith.addf %gather3A_152, %gather3A_153 : vector<16xf32>
        %swap3A_155 = arith.index_cast %add3A_138 : i32 to index
        %swap3A_156 = tpu.vector_load %arg11[%swap3A_155] {strides = array<i32>} : memref<8192xf32, #tpu.memory_space<vmem>>, vector<16xf32>,
        tpu.vector_store %arg11[%swap3A_155], %add3A_154 {strides = array<i32>} : memref<8192xf32, #tpu.memory_space<vmem>>, vector<16xf32>,
      }
      %scan3A_67 = arith.constant 128 : i32
      %mul3A_68 = arith.constant 8192 : i32
      %mul3A_69 = arith.muli %add3A_55, %mul3A_68 : i32
      %run_scoped3A = arith.constant 0 : i32
      "tpu.region"() ({
        %run_scoped3A_73 = tpu.sem_alloc : memref<!tpu.dma_semaphore, #tpu.memory_space<semaphore_mem>>
        %dma_start3A = tpu.memref_slice %arg4[%run_scoped3A, %mul3A_69] : memref<2x2162688xf32, #tpu.memory_space<hbm>> -> memref<1x8192xf32, #tpu.memory_space<hbm>>
        %dma_start3A_74 = tpu.memref_squeeze %dma_start3A : memref<1x8192xf32, #tpu.memory_space<hbm>> -> memref<8192xf32, #tpu.memory_space<hbm>>
        %dma_start3A_75 = tpu.memref_slice %arg4[%run_scoped3A, %mul3A_69] : memref<2x2162688xf32, #tpu.memory_space<hbm>> -> memref<1x8192xf32, #tpu.memory_space<hbm>>
        %dma_start3A_76 = tpu.memref_squeeze %dma_start3A_75 : memref<1x8192xf32, #tpu.memory_space<hbm>> -> memref<8192xf32, #tpu.memory_space<hbm>>
        tpu.enqueue_dma source(%arg10 : memref<8192xf32, #tpu.memory_space<vmem>>) target(%dma_start3A_76 : memref<8192xf32, #tpu.memory_space<hbm>>) target_semaphore(%run_scoped3A_73 : memref<!tpu.dma_semaphore, #tpu.memory_space<semaphore_mem>>)
        %dma_wait3A = tpu.memref_slice %arg4[%run_scoped3A, %mul3A_69] : memref<2x2162688xf32, #tpu.memory_space<hbm>> -> memref<1x8192xf32, #tpu.memory_space<hbm>>
        %dma_wait3A_77 = tpu.memref_squeeze %dma_wait3A : memref<1x8192xf32, #tpu.memory_space<hbm>> -> memref<8192xf32, #tpu.memory_space<hbm>>
        %dma_wait3A_78 = tpu.memref_slice %arg4[%run_scoped3A, %mul3A_69] : memref<2x2162688xf32, #tpu.memory_space<hbm>> -> memref<1x8192xf32, #tpu.memory_space<hbm>>
        %dma_wait3A_79 = tpu.memref_squeeze %dma_wait3A_78 : memref<1x8192xf32, #tpu.memory_space<hbm>> -> memref<8192xf32, #tpu.memory_space<hbm>>
        tpu.wait_dma2 semaphore(%run_scoped3A_73 : memref<!tpu.dma_semaphore, #tpu.memory_space<semaphore_mem>>) src(%arg10 : memref<8192xf32, #tpu.memory_space<vmem>>) dst(%dma_wait3A_79 : memref<8192xf32, #tpu.memory_space<hbm>>)
        tpu.yield
      }) : () -> ()
      %mul3A_70 = arith.constant 8192 : i32
      %mul3A_71 = arith.muli %add3A_55, %mul3A_70 : i32
      %run_scoped3A_72 = arith.constant 1 : i32
      "tpu.region"() ({
        %run_scoped3A_73 = tpu.sem_alloc : memref<!tpu.dma_semaphore, #tpu.memory_space<semaphore_mem>>
        %dma_start3A = tpu.memref_slice %arg4[%run_scoped3A_72, %mul3A_71] : memref<2x2162688xf32, #tpu.memory_space<hbm>> -> memref<1x8192xf32, #tpu.memory_space<hbm>>
        %dma_start3A_74 = tpu.memref_squeeze %dma_start3A : memref<1x8192xf32, #tpu.memory_space<hbm>> -> memref<8192xf32, #tpu.memory_space<hbm>>
        %dma_start3A_75 = tpu.memref_slice %arg4[%run_scoped3A_72, %mul3A_71] : memref<2x2162688xf32, #tpu.memory_space<hbm>> -> memref<1x8192xf32, #tpu.memory_space<hbm>>
        %dma_start3A_76 = tpu.memref_squeeze %dma_start3A_75 : memref<1x8192xf32, #tpu.memory_space<hbm>> -> memref<8192xf32, #tpu.memory_space<hbm>>
        tpu.enqueue_dma source(%arg11 : memref<8192xf32, #tpu.memory_space<vmem>>) target(%dma_start3A_76 : memref<8192xf32, #tpu.memory_space<hbm>>) target_semaphore(%run_scoped3A_73 : memref<!tpu.dma_semaphore, #tpu.memory_space<semaphore_mem>>)
        %dma_wait3A = tpu.memref_slice %arg4[%run_scoped3A_72, %mul3A_71] : memref<2x2162688xf32, #tpu.memory_space<hbm>> -> memref<1x8192xf32, #tpu.memory_space<hbm>>
        %dma_wait3A_77 = tpu.memref_squeeze %dma_wait3A : memref<1x8192xf32, #tpu.memory_space<hbm>> -> memref<8192xf32, #tpu.memory_space<hbm>>
        %dma_wait3A_78 = tpu.memref_slice %arg4[%run_scoped3A_72, %mul3A_71] : memref<2x2162688xf32, #tpu.memory_space<hbm>> -> memref<1x8192xf32, #tpu.memory_space<hbm>>
        %dma_wait3A_79 = tpu.memref_squeeze %dma_wait3A_78 : memref<1x8192xf32, #tpu.memory_space<hbm>> -> memref<8192xf32, #tpu.memory_space<hbm>>
        tpu.wait_dma2 semaphore(%run_scoped3A_73 : memref<!tpu.dma_semaphore, #tpu.memory_space<semaphore_mem>>) src(%arg11 : memref<8192xf32, #tpu.memory_space<vmem>>) dst(%dma_wait3A_79 : memref<8192xf32, #tpu.memory_space<hbm>>)
        tpu.yield
      }) : () -> ()
    } else {
    }
    return
  }
}

module attributes {stable_mosaic.version = 14 : i64} {
  func.func @_prep_body(%arg0: i32, %arg1: memref<1x2048x1024xf32, #tpu.memory_space<vmem>>, %arg2: memref<1024x128xf32, #tpu.memory_space<vmem>>, %arg3: memref<1x128xf32, #tpu.memory_space<vmem>>, %arg4: memref<1x2048x1xi32, #tpu.memory_space<vmem>>, %arg5: memref<1x1x1024xi32, #tpu.memory_space<vmem>>, %arg6: memref<1x1x1024xi32, #tpu.memory_space<vmem>>, %arg7: memref<1x2048x1xf32, #tpu.memory_space<vmem>>, %arg8: memref<1x2048x1xf32, #tpu.memory_space<vmem>>) attributes {dimension_semantics = [#tpu.dimension_semantics<arbitrary>], iteration_bounds = array<i64: 2>, scalar_prefetch = 0 : i64, scratch_operands = 0 : i64, tpu.core_type = #tpu.core_type<tc>, window_params = [{transform_indices = @transform_0, window_bounds = array<i64: 1, 2048, 1024>}, {pipeline_mode = #tpu.pipeline_mode<synchronous>, transform_indices = @transform_1, window_bounds = array<i64: 1024, 128>}, {pipeline_mode = #tpu.pipeline_mode<synchronous>, transform_indices = @transform_2, window_bounds = array<i64: 1, 128>}, {transform_indices = @transform_3, window_bounds = array<i64: 1, 2048, 1>}, {transform_indices = @transform_4, window_bounds = array<i64: 1, 1, 1024>}, {transform_indices = @transform_5, window_bounds = array<i64: 1, 1, 1024>}, {transform_indices = @transform_6, window_bounds = array<i64: 1, 2048, 1>}, {transform_indices = @transform_7, window_bounds = array<i64: 1, 2048, 1>}]} {
    %get3A = arith.constant 0 : index
    %get3A_0 = arith.constant 0 : index
    %get3A_1 = arith.constant 0 : index
    %get3A_2 = vector.load %arg1[%get3A, %get3A_0, %get3A_1] : memref<1x2048x1024xf32, #tpu.memory_space<vmem>>, vector<1x2048x1024xf32>
    %get3A_3 = vector.shape_cast %get3A_2 : vector<1x2048x1024xf32> to vector<2048x1024xf32>
    %get3A_4 = arith.constant 0 : index
    %get3A_5 = arith.constant 0 : index
    %get3A_6 = vector.load %arg2[%get3A_4, %get3A_5] : memref<1024x128xf32, #tpu.memory_space<vmem>>, vector<1024x128xf32>
    %dot_general3A = arith.constant dense<0.000000e+00> : vector<2048x128xf32>
    %dot_general3A_7 = tpu.matmul %get3A_3, %get3A_6, %dot_general3A {dimension_numbers = #tpu.dot_dimension_numbers<[1], [0], [0], [1], [0, 0, 1, 1], [], []>, transpose_lhs_hint = false} : vector<2048x1024xf32>, vector<1024x128xf32>, vector<2048x128xf32> -> vector<2048x128xf32>
    %get3A_8 = arith.constant 0 : index
    %get3A_9 = arith.constant 0 : index
    %get3A_10 = vector.load %arg3[%get3A_8, %get3A_9] : memref<1x128xf32, #tpu.memory_space<vmem>>, vector<1x128xf32>
    %add3A = vector.broadcast %get3A_10 : vector<1x128xf32> to vector<2048x128xf32>
    %add3A_11 = arith.addf %dot_general3A_7, %add3A : vector<2048x128xf32>
    %get3A_12 = arith.constant 0 : index
    %get3A_13 = arith.constant 0 : index
    %get3A_14 = arith.constant 0 : index
    %get3A_15 = vector.load %arg4[%get3A_12, %get3A_13, %get3A_14] : memref<1x2048x1xi32, #tpu.memory_space<vmem>>, vector<1x2048x1xi32>
    %get3A_16 = vector.shape_cast %get3A_15 : vector<1x2048x1xi32> to vector<2048x1xi32>
    %eq3A = arith.constant 1 : i32
    %eq3A_17 = vector.broadcast %eq3A : i32 to vector<2048x1xi32>
    %eq3A_18 = arith.cmpi eq, %get3A_16, %eq3A_17 : vector<2048x1xi32>
    %slice3A = vector.extract_strided_slice %add3A_11 {offsets = [0, 0], sizes = [2048, 1], strides = [1, 1]} : vector<2048x128xf32> to vector<2048x1xf32>
    %jit3A = arith.constant 0xFF800000 : f32
    %broadcast_in_dim3A = vector.broadcast %jit3A : f32 to vector<2048x1xf32>
    %select_n3A = arith.select %eq3A_18, %slice3A, %broadcast_in_dim3A : vector<2048x1xi1>, vector<2048x1xf32>
    %slice3A_19 = vector.extract_strided_slice %add3A_11 {offsets = [0, 1], sizes = [2048, 1], strides = [1, 1]} : vector<2048x128xf32> to vector<2048x1xf32>
    %jit3A_20 = arith.constant 0xFF800000 : f32
    %broadcast_in_dim3A_21 = vector.broadcast %jit3A_20 : f32 to vector<2048x1xf32>
    %select_n3A_22 = arith.select %eq3A_18, %slice3A_19, %broadcast_in_dim3A_21 : vector<2048x1xi1>, vector<2048x1xf32>
    %slice3A_23 = vector.extract_strided_slice %add3A_11 {offsets = [0, 2], sizes = [2048, 1], strides = [1, 1]} : vector<2048x128xf32> to vector<2048x1xf32>
    %jit3A_24 = arith.constant 0xFF800000 : f32
    %broadcast_in_dim3A_25 = vector.broadcast %jit3A_24 : f32 to vector<2048x1xf32>
    %select_n3A_26 = arith.select %eq3A_18, %slice3A_23, %broadcast_in_dim3A_25 : vector<2048x1xi1>, vector<2048x1xf32>
    %broadcast_in_dim3A_27 = arith.constant 0.000000e+00 : f32
    %broadcast_in_dim3A_28 = vector.broadcast %broadcast_in_dim3A_27 : f32 to vector<1x1xf32>
    %slice3A_29 = vector.extract_strided_slice %select_n3A_26 {offsets = [0, 0], sizes = [2047, 1], strides = [1, 1]} : vector<2048x1xf32> to vector<2047x1xf32>
    %concatenate3A = tpu.concatenate %broadcast_in_dim3A_28, %slice3A_29 in 0 : vector<1x1xf32>, vector<2047x1xf32> -> vector<2048x1xf32>
    %add3A_30 = arith.addf %select_n3A_26, %concatenate3A : vector<2048x1xf32>
    %broadcast_in_dim3A_31 = arith.constant 0.000000e+00 : f32
    %broadcast_in_dim3A_32 = vector.broadcast %broadcast_in_dim3A_31 : f32 to vector<2x1xf32>
    %slice3A_33 = vector.extract_strided_slice %add3A_30 {offsets = [0, 0], sizes = [2046, 1], strides = [1, 1]} : vector<2048x1xf32> to vector<2046x1xf32>
    %concatenate3A_34 = tpu.concatenate %broadcast_in_dim3A_32, %slice3A_33 in 0 : vector<2x1xf32>, vector<2046x1xf32> -> vector<2048x1xf32>
    %add3A_35 = arith.addf %add3A_30, %concatenate3A_34 : vector<2048x1xf32>
    %broadcast_in_dim3A_36 = arith.constant 0.000000e+00 : f32
    %broadcast_in_dim3A_37 = vector.broadcast %broadcast_in_dim3A_36 : f32 to vector<4x1xf32>
    %slice3A_38 = vector.extract_strided_slice %add3A_35 {offsets = [0, 0], sizes = [2044, 1], strides = [1, 1]} : vector<2048x1xf32> to vector<2044x1xf32>
    %concatenate3A_39 = tpu.concatenate %broadcast_in_dim3A_37, %slice3A_38 in 0 : vector<4x1xf32>, vector<2044x1xf32> -> vector<2048x1xf32>
    %add3A_40 = arith.addf %add3A_35, %concatenate3A_39 : vector<2048x1xf32>
    %broadcast_in_dim3A_41 = arith.constant 0.000000e+00 : f32
    %broadcast_in_dim3A_42 = vector.broadcast %broadcast_in_dim3A_41 : f32 to vector<8x1xf32>
    %slice3A_43 = vector.extract_strided_slice %add3A_40 {offsets = [0, 0], sizes = [2040, 1], strides = [1, 1]} : vector<2048x1xf32> to vector<2040x1xf32>
    %concatenate3A_44 = tpu.concatenate %broadcast_in_dim3A_42, %slice3A_43 in 0 : vector<8x1xf32>, vector<2040x1xf32> -> vector<2048x1xf32>
    %add3A_45 = arith.addf %add3A_40, %concatenate3A_44 : vector<2048x1xf32>
    %broadcast_in_dim3A_46 = arith.constant 0.000000e+00 : f32
    %broadcast_in_dim3A_47 = vector.broadcast %broadcast_in_dim3A_46 : f32 to vector<16x1xf32>
    %slice3A_48 = vector.extract_strided_slice %add3A_45 {offsets = [0, 0], sizes = [2032, 1], strides = [1, 1]} : vector<2048x1xf32> to vector<2032x1xf32>
    %concatenate3A_49 = tpu.concatenate %broadcast_in_dim3A_47, %slice3A_48 in 0 : vector<16x1xf32>, vector<2032x1xf32> -> vector<2048x1xf32>
    %add3A_50 = arith.addf %add3A_45, %concatenate3A_49 : vector<2048x1xf32>
    %broadcast_in_dim3A_51 = arith.constant 0.000000e+00 : f32
    %broadcast_in_dim3A_52 = vector.broadcast %broadcast_in_dim3A_51 : f32 to vector<32x1xf32>
    %slice3A_53 = vector.extract_strided_slice %add3A_50 {offsets = [0, 0], sizes = [2016, 1], strides = [1, 1]} : vector<2048x1xf32> to vector<2016x1xf32>
    %concatenate3A_54 = tpu.concatenate %broadcast_in_dim3A_52, %slice3A_53 in 0 : vector<32x1xf32>, vector<2016x1xf32> -> vector<2048x1xf32>
    %add3A_55 = arith.addf %add3A_50, %concatenate3A_54 : vector<2048x1xf32>
    %broadcast_in_dim3A_56 = arith.constant 0.000000e+00 : f32
    %broadcast_in_dim3A_57 = vector.broadcast %broadcast_in_dim3A_56 : f32 to vector<64x1xf32>
    %slice3A_58 = vector.extract_strided_slice %add3A_55 {offsets = [0, 0], sizes = [1984, 1], strides = [1, 1]} : vector<2048x1xf32> to vector<1984x1xf32>
    %concatenate3A_59 = tpu.concatenate %broadcast_in_dim3A_57, %slice3A_58 in 0 : vector<64x1xf32>, vector<1984x1xf32> -> vector<2048x1xf32>
    %add3A_60 = arith.addf %add3A_55, %concatenate3A_59 : vector<2048x1xf32>
    %broadcast_in_dim3A_61 = arith.constant 0.000000e+00 : f32
    %broadcast_in_dim3A_62 = vector.broadcast %broadcast_in_dim3A_61 : f32 to vector<128x1xf32>
    %slice3A_63 = vector.extract_strided_slice %add3A_60 {offsets = [0, 0], sizes = [1920, 1], strides = [1, 1]} : vector<2048x1xf32> to vector<1920x1xf32>
    %concatenate3A_64 = tpu.concatenate %broadcast_in_dim3A_62, %slice3A_63 in 0 : vector<128x1xf32>, vector<1920x1xf32> -> vector<2048x1xf32>
    %add3A_65 = arith.addf %add3A_60, %concatenate3A_64 : vector<2048x1xf32>
    %broadcast_in_dim3A_66 = arith.constant 0.000000e+00 : f32
    %broadcast_in_dim3A_67 = vector.broadcast %broadcast_in_dim3A_66 : f32 to vector<256x1xf32>
    %slice3A_68 = vector.extract_strided_slice %add3A_65 {offsets = [0, 0], sizes = [1792, 1], strides = [1, 1]} : vector<2048x1xf32> to vector<1792x1xf32>
    %concatenate3A_69 = tpu.concatenate %broadcast_in_dim3A_67, %slice3A_68 in 0 : vector<256x1xf32>, vector<1792x1xf32> -> vector<2048x1xf32>
    %add3A_70 = arith.addf %add3A_65, %concatenate3A_69 : vector<2048x1xf32>
    %broadcast_in_dim3A_71 = arith.constant 0.000000e+00 : f32
    %broadcast_in_dim3A_72 = vector.broadcast %broadcast_in_dim3A_71 : f32 to vector<512x1xf32>
    %slice3A_73 = vector.extract_strided_slice %add3A_70 {offsets = [0, 0], sizes = [1536, 1], strides = [1, 1]} : vector<2048x1xf32> to vector<1536x1xf32>
    %concatenate3A_74 = tpu.concatenate %broadcast_in_dim3A_72, %slice3A_73 in 0 : vector<512x1xf32>, vector<1536x1xf32> -> vector<2048x1xf32>
    %add3A_75 = arith.addf %add3A_70, %concatenate3A_74 : vector<2048x1xf32>
    %broadcast_in_dim3A_76 = arith.constant 0.000000e+00 : f32
    %broadcast_in_dim3A_77 = vector.broadcast %broadcast_in_dim3A_76 : f32 to vector<1024x1xf32>
    %slice3A_78 = vector.extract_strided_slice %add3A_75 {offsets = [0, 0], sizes = [1024, 1], strides = [1, 1]} : vector<2048x1xf32> to vector<1024x1xf32>
    %concatenate3A_79 = tpu.concatenate %broadcast_in_dim3A_77, %slice3A_78 in 0 : vector<1024x1xf32>, vector<1024x1xf32> -> vector<2048x1xf32>
    %add3A_80 = arith.addf %add3A_75, %concatenate3A_79 : vector<2048x1xf32>
    %sub3A = arith.subf %add3A_80, %select_n3A_26 : vector<2048x1xf32>
    %sub3A_81 = arith.subf %select_n3A, %sub3A : vector<2048x1xf32>
    %add3A_82 = arith.addf %select_n3A_22, %add3A_80 : vector<2048x1xf32>
    %iota3A = tpu.iota {dimensions = array<i32: 0>} : vector<2048x1xi32>
    %get3A_83 = arith.constant 0 : index
    %get3A_84 = arith.constant 0 : index
    %get3A_85 = arith.constant 0 : index
    %get3A_86 = vector.load %arg5[%get3A_83, %get3A_84, %get3A_85] : memref<1x1x1024xi32, #tpu.memory_space<vmem>>, vector<1x1x1024xi32>
    %get3A_87 = vector.shape_cast %get3A_86 : vector<1x1x1024xi32> to vector<1x1024xi32>
    %get3A_88 = arith.constant 0 : index
    %get3A_89 = arith.constant 0 : index
    %get3A_90 = arith.constant 0 : index
    %get3A_91 = vector.load %arg6[%get3A_88, %get3A_89, %get3A_90] : memref<1x1x1024xi32, #tpu.memory_space<vmem>>, vector<1x1x1024xi32>
    %get3A_92 = vector.shape_cast %get3A_91 : vector<1x1x1024xi32> to vector<1x1024xi32>
    %sub3A_93 = arith.constant 1 : i32
    %sub3A_94 = vector.broadcast %sub3A_93 : i32 to vector<1x1024xi32>
    %sub3A_95 = arith.subi %get3A_92, %sub3A_94 : vector<1x1024xi32>
    %broadcast_in_dim3A_96 = arith.constant 0 : i32
    %broadcast_in_dim3A_97 = vector.broadcast %broadcast_in_dim3A_96 : i32 to vector<2048x1xi32>
    %broadcast_in_dim3A_98 = arith.constant 0 : i32
    %broadcast_in_dim3A_99 = vector.broadcast %broadcast_in_dim3A_98 : i32 to vector<2048x1xi32>
    %slice3A_100 = vector.extract_strided_slice %get3A_87 {offsets = [0, 0], sizes = [1, 128], strides = [1, 1]} : vector<1x1024xi32> to vector<1x128xi32>
    %eq3A_101 = vector.broadcast %slice3A_100 : vector<1x128xi32> to vector<2048x128xi32>
    %eq3A_102 = vector.broadcast %iota3A : vector<2048x1xi32> to vector<2048x128xi32>
    %eq3A_103 = arith.cmpi eq, %eq3A_101, %eq3A_102 : vector<2048x128xi32>
    %convert_element_type3A = arith.extui %eq3A_103 : vector<2048x128xi1> to vector<2048x128xi32>
    %reduce_sum3A = arith.constant dense<0> : vector<2048xi32>
    %reduce_sum3A_104 = vector.multi_reduction <add>, %convert_element_type3A, %reduce_sum3A [1] : vector<2048x128xi32> to vector<2048xi32>
    %broadcast_in_dim3A_105 = vector.shape_cast %reduce_sum3A_104 : vector<2048xi32> to vector<2048x1xi32>
    %add3A_106 = arith.addi %broadcast_in_dim3A_97, %broadcast_in_dim3A_105 : vector<2048x1xi32>
    %slice3A_107 = vector.extract_strided_slice %sub3A_95 {offsets = [0, 0], sizes = [1, 128], strides = [1, 1]} : vector<1x1024xi32> to vector<1x128xi32>
    %eq3A_108 = vector.broadcast %slice3A_107 : vector<1x128xi32> to vector<2048x128xi32>
    %eq3A_109 = vector.broadcast %iota3A : vector<2048x1xi32> to vector<2048x128xi32>
    %eq3A_110 = arith.cmpi eq, %eq3A_108, %eq3A_109 : vector<2048x128xi32>
    %convert_element_type3A_111 = arith.extui %eq3A_110 : vector<2048x128xi1> to vector<2048x128xi32>
    %reduce_sum3A_112 = arith.constant dense<0> : vector<2048xi32>
    %reduce_sum3A_113 = vector.multi_reduction <add>, %convert_element_type3A_111, %reduce_sum3A_112 [1] : vector<2048x128xi32> to vector<2048xi32>
    %broadcast_in_dim3A_114 = vector.shape_cast %reduce_sum3A_113 : vector<2048xi32> to vector<2048x1xi32>
    %add3A_115 = arith.addi %broadcast_in_dim3A_99, %broadcast_in_dim3A_114 : vector<2048x1xi32>
    %slice3A_116 = vector.extract_strided_slice %get3A_87 {offsets = [0, 128], sizes = [1, 128], strides = [1, 1]} : vector<1x1024xi32> to vector<1x128xi32>
    %eq3A_117 = vector.broadcast %slice3A_116 : vector<1x128xi32> to vector<2048x128xi32>
    %eq3A_118 = vector.broadcast %iota3A : vector<2048x1xi32> to vector<2048x128xi32>
    %eq3A_119 = arith.cmpi eq, %eq3A_117, %eq3A_118 : vector<2048x128xi32>
    %convert_element_type3A_120 = arith.extui %eq3A_119 : vector<2048x128xi1> to vector<2048x128xi32>
    %reduce_sum3A_121 = arith.constant dense<0> : vector<2048xi32>
    %reduce_sum3A_122 = vector.multi_reduction <add>, %convert_element_type3A_120, %reduce_sum3A_121 [1] : vector<2048x128xi32> to vector<2048xi32>
    %broadcast_in_dim3A_123 = vector.shape_cast %reduce_sum3A_122 : vector<2048xi32> to vector<2048x1xi32>
    %add3A_124 = arith.addi %add3A_106, %broadcast_in_dim3A_123 : vector<2048x1xi32>
    %slice3A_125 = vector.extract_strided_slice %sub3A_95 {offsets = [0, 128], sizes = [1, 128], strides = [1, 1]} : vector<1x1024xi32> to vector<1x128xi32>
    %eq3A_126 = vector.broadcast %slice3A_125 : vector<1x128xi32> to vector<2048x128xi32>
    %eq3A_127 = vector.broadcast %iota3A : vector<2048x1xi32> to vector<2048x128xi32>
    %eq3A_128 = arith.cmpi eq, %eq3A_126, %eq3A_127 : vector<2048x128xi32>
    %convert_element_type3A_129 = arith.extui %eq3A_128 : vector<2048x128xi1> to vector<2048x128xi32>
    %reduce_sum3A_130 = arith.constant dense<0> : vector<2048xi32>
    %reduce_sum3A_131 = vector.multi_reduction <add>, %convert_element_type3A_129, %reduce_sum3A_130 [1] : vector<2048x128xi32> to vector<2048xi32>
    %broadcast_in_dim3A_132 = vector.shape_cast %reduce_sum3A_131 : vector<2048xi32> to vector<2048x1xi32>
    %add3A_133 = arith.addi %add3A_115, %broadcast_in_dim3A_132 : vector<2048x1xi32>
    %slice3A_134 = vector.extract_strided_slice %get3A_87 {offsets = [0, 256], sizes = [1, 128], strides = [1, 1]} : vector<1x1024xi32> to vector<1x128xi32>
    %eq3A_135 = vector.broadcast %slice3A_134 : vector<1x128xi32> to vector<2048x128xi32>
    %eq3A_136 = vector.broadcast %iota3A : vector<2048x1xi32> to vector<2048x128xi32>
    %eq3A_137 = arith.cmpi eq, %eq3A_135, %eq3A_136 : vector<2048x128xi32>
    %convert_element_type3A_138 = arith.extui %eq3A_137 : vector<2048x128xi1> to vector<2048x128xi32>
    %reduce_sum3A_139 = arith.constant dense<0> : vector<2048xi32>
    %reduce_sum3A_140 = vector.multi_reduction <add>, %convert_element_type3A_138, %reduce_sum3A_139 [1] : vector<2048x128xi32> to vector<2048xi32>
    %broadcast_in_dim3A_141 = vector.shape_cast %reduce_sum3A_140 : vector<2048xi32> to vector<2048x1xi32>
    %add3A_142 = arith.addi %add3A_124, %broadcast_in_dim3A_141 : vector<2048x1xi32>
    %slice3A_143 = vector.extract_strided_slice %sub3A_95 {offsets = [0, 256], sizes = [1, 128], strides = [1, 1]} : vector<1x1024xi32> to vector<1x128xi32>
    %eq3A_144 = vector.broadcast %slice3A_143 : vector<1x128xi32> to vector<2048x128xi32>
    %eq3A_145 = vector.broadcast %iota3A : vector<2048x1xi32> to vector<2048x128xi32>
    %eq3A_146 = arith.cmpi eq, %eq3A_144, %eq3A_145 : vector<2048x128xi32>
    %convert_element_type3A_147 = arith.extui %eq3A_146 : vector<2048x128xi1> to vector<2048x128xi32>
    %reduce_sum3A_148 = arith.constant dense<0> : vector<2048xi32>
    %reduce_sum3A_149 = vector.multi_reduction <add>, %convert_element_type3A_147, %reduce_sum3A_148 [1] : vector<2048x128xi32> to vector<2048xi32>
    %broadcast_in_dim3A_150 = vector.shape_cast %reduce_sum3A_149 : vector<2048xi32> to vector<2048x1xi32>
    %add3A_151 = arith.addi %add3A_133, %broadcast_in_dim3A_150 : vector<2048x1xi32>
    %slice3A_152 = vector.extract_strided_slice %get3A_87 {offsets = [0, 384], sizes = [1, 128], strides = [1, 1]} : vector<1x1024xi32> to vector<1x128xi32>
    %eq3A_153 = vector.broadcast %slice3A_152 : vector<1x128xi32> to vector<2048x128xi32>
    %eq3A_154 = vector.broadcast %iota3A : vector<2048x1xi32> to vector<2048x128xi32>
    %eq3A_155 = arith.cmpi eq, %eq3A_153, %eq3A_154 : vector<2048x128xi32>
    %convert_element_type3A_156 = arith.extui %eq3A_155 : vector<2048x128xi1> to vector<2048x128xi32>
    %reduce_sum3A_157 = arith.constant dense<0> : vector<2048xi32>
    %reduce_sum3A_158 = vector.multi_reduction <add>, %convert_element_type3A_156, %reduce_sum3A_157 [1] : vector<2048x128xi32> to vector<2048xi32>
    %broadcast_in_dim3A_159 = vector.shape_cast %reduce_sum3A_158 : vector<2048xi32> to vector<2048x1xi32>
    %add3A_160 = arith.addi %add3A_142, %broadcast_in_dim3A_159 : vector<2048x1xi32>
    %slice3A_161 = vector.extract_strided_slice %sub3A_95 {offsets = [0, 384], sizes = [1, 128], strides = [1, 1]} : vector<1x1024xi32> to vector<1x128xi32>
    %eq3A_162 = vector.broadcast %slice3A_161 : vector<1x128xi32> to vector<2048x128xi32>
    %eq3A_163 = vector.broadcast %iota3A : vector<2048x1xi32> to vector<2048x128xi32>
    %eq3A_164 = arith.cmpi eq, %eq3A_162, %eq3A_163 : vector<2048x128xi32>
    %convert_element_type3A_165 = arith.extui %eq3A_164 : vector<2048x128xi1> to vector<2048x128xi32>
    %reduce_sum3A_166 = arith.constant dense<0> : vector<2048xi32>
    %reduce_sum3A_167 = vector.multi_reduction <add>, %convert_element_type3A_165, %reduce_sum3A_166 [1] : vector<2048x128xi32> to vector<2048xi32>
    %broadcast_in_dim3A_168 = vector.shape_cast %reduce_sum3A_167 : vector<2048xi32> to vector<2048x1xi32>
    %add3A_169 = arith.addi %add3A_151, %broadcast_in_dim3A_168 : vector<2048x1xi32>
    %slice3A_170 = vector.extract_strided_slice %get3A_87 {offsets = [0, 512], sizes = [1, 128], strides = [1, 1]} : vector<1x1024xi32> to vector<1x128xi32>
    %eq3A_171 = vector.broadcast %slice3A_170 : vector<1x128xi32> to vector<2048x128xi32>
    %eq3A_172 = vector.broadcast %iota3A : vector<2048x1xi32> to vector<2048x128xi32>
    %eq3A_173 = arith.cmpi eq, %eq3A_171, %eq3A_172 : vector<2048x128xi32>
    %convert_element_type3A_174 = arith.extui %eq3A_173 : vector<2048x128xi1> to vector<2048x128xi32>
    %reduce_sum3A_175 = arith.constant dense<0> : vector<2048xi32>
    %reduce_sum3A_176 = vector.multi_reduction <add>, %convert_element_type3A_174, %reduce_sum3A_175 [1] : vector<2048x128xi32> to vector<2048xi32>
    %broadcast_in_dim3A_177 = vector.shape_cast %reduce_sum3A_176 : vector<2048xi32> to vector<2048x1xi32>
    %add3A_178 = arith.addi %add3A_160, %broadcast_in_dim3A_177 : vector<2048x1xi32>
    %slice3A_179 = vector.extract_strided_slice %sub3A_95 {offsets = [0, 512], sizes = [1, 128], strides = [1, 1]} : vector<1x1024xi32> to vector<1x128xi32>
    %eq3A_180 = vector.broadcast %slice3A_179 : vector<1x128xi32> to vector<2048x128xi32>
    %eq3A_181 = vector.broadcast %iota3A : vector<2048x1xi32> to vector<2048x128xi32>
    %eq3A_182 = arith.cmpi eq, %eq3A_180, %eq3A_181 : vector<2048x128xi32>
    %convert_element_type3A_183 = arith.extui %eq3A_182 : vector<2048x128xi1> to vector<2048x128xi32>
    %reduce_sum3A_184 = arith.constant dense<0> : vector<2048xi32>
    %reduce_sum3A_185 = vector.multi_reduction <add>, %convert_element_type3A_183, %reduce_sum3A_184 [1] : vector<2048x128xi32> to vector<2048xi32>
    %broadcast_in_dim3A_186 = vector.shape_cast %reduce_sum3A_185 : vector<2048xi32> to vector<2048x1xi32>
    %add3A_187 = arith.addi %add3A_169, %broadcast_in_dim3A_186 : vector<2048x1xi32>
    %slice3A_188 = vector.extract_strided_slice %get3A_87 {offsets = [0, 640], sizes = [1, 128], strides = [1, 1]} : vector<1x1024xi32> to vector<1x128xi32>
    %eq3A_189 = vector.broadcast %slice3A_188 : vector<1x128xi32> to vector<2048x128xi32>
    %eq3A_190 = vector.broadcast %iota3A : vector<2048x1xi32> to vector<2048x128xi32>
    %eq3A_191 = arith.cmpi eq, %eq3A_189, %eq3A_190 : vector<2048x128xi32>
    %convert_element_type3A_192 = arith.extui %eq3A_191 : vector<2048x128xi1> to vector<2048x128xi32>
    %reduce_sum3A_193 = arith.constant dense<0> : vector<2048xi32>
    %reduce_sum3A_194 = vector.multi_reduction <add>, %convert_element_type3A_192, %reduce_sum3A_193 [1] : vector<2048x128xi32> to vector<2048xi32>
    %broadcast_in_dim3A_195 = vector.shape_cast %reduce_sum3A_194 : vector<2048xi32> to vector<2048x1xi32>
    %add3A_196 = arith.addi %add3A_178, %broadcast_in_dim3A_195 : vector<2048x1xi32>
    %slice3A_197 = vector.extract_strided_slice %sub3A_95 {offsets = [0, 640], sizes = [1, 128], strides = [1, 1]} : vector<1x1024xi32> to vector<1x128xi32>
    %eq3A_198 = vector.broadcast %slice3A_197 : vector<1x128xi32> to vector<2048x128xi32>
    %eq3A_199 = vector.broadcast %iota3A : vector<2048x1xi32> to vector<2048x128xi32>
    %eq3A_200 = arith.cmpi eq, %eq3A_198, %eq3A_199 : vector<2048x128xi32>
    %convert_element_type3A_201 = arith.extui %eq3A_200 : vector<2048x128xi1> to vector<2048x128xi32>
    %reduce_sum3A_202 = arith.constant dense<0> : vector<2048xi32>
    %reduce_sum3A_203 = vector.multi_reduction <add>, %convert_element_type3A_201, %reduce_sum3A_202 [1] : vector<2048x128xi32> to vector<2048xi32>
    %broadcast_in_dim3A_204 = vector.shape_cast %reduce_sum3A_203 : vector<2048xi32> to vector<2048x1xi32>
    %add3A_205 = arith.addi %add3A_187, %broadcast_in_dim3A_204 : vector<2048x1xi32>
    %slice3A_206 = vector.extract_strided_slice %get3A_87 {offsets = [0, 768], sizes = [1, 128], strides = [1, 1]} : vector<1x1024xi32> to vector<1x128xi32>
    %eq3A_207 = vector.broadcast %slice3A_206 : vector<1x128xi32> to vector<2048x128xi32>
    %eq3A_208 = vector.broadcast %iota3A : vector<2048x1xi32> to vector<2048x128xi32>
    %eq3A_209 = arith.cmpi eq, %eq3A_207, %eq3A_208 : vector<2048x128xi32>
    %convert_element_type3A_210 = arith.extui %eq3A_209 : vector<2048x128xi1> to vector<2048x128xi32>
    %reduce_sum3A_211 = arith.constant dense<0> : vector<2048xi32>
    %reduce_sum3A_212 = vector.multi_reduction <add>, %convert_element_type3A_210, %reduce_sum3A_211 [1] : vector<2048x128xi32> to vector<2048xi32>
    %broadcast_in_dim3A_213 = vector.shape_cast %reduce_sum3A_212 : vector<2048xi32> to vector<2048x1xi32>
    %add3A_214 = arith.addi %add3A_196, %broadcast_in_dim3A_213 : vector<2048x1xi32>
    %slice3A_215 = vector.extract_strided_slice %sub3A_95 {offsets = [0, 768], sizes = [1, 128], strides = [1, 1]} : vector<1x1024xi32> to vector<1x128xi32>
    %eq3A_216 = vector.broadcast %slice3A_215 : vector<1x128xi32> to vector<2048x128xi32>
    %eq3A_217 = vector.broadcast %iota3A : vector<2048x1xi32> to vector<2048x128xi32>
    %eq3A_218 = arith.cmpi eq, %eq3A_216, %eq3A_217 : vector<2048x128xi32>
    %convert_element_type3A_219 = arith.extui %eq3A_218 : vector<2048x128xi1> to vector<2048x128xi32>
    %reduce_sum3A_220 = arith.constant dense<0> : vector<2048xi32>
    %reduce_sum3A_221 = vector.multi_reduction <add>, %convert_element_type3A_219, %reduce_sum3A_220 [1] : vector<2048x128xi32> to vector<2048xi32>
    %broadcast_in_dim3A_222 = vector.shape_cast %reduce_sum3A_221 : vector<2048xi32> to vector<2048x1xi32>
    %add3A_223 = arith.addi %add3A_205, %broadcast_in_dim3A_222 : vector<2048x1xi32>
    %slice3A_224 = vector.extract_strided_slice %get3A_87 {offsets = [0, 896], sizes = [1, 128], strides = [1, 1]} : vector<1x1024xi32> to vector<1x128xi32>
    %eq3A_225 = vector.broadcast %slice3A_224 : vector<1x128xi32> to vector<2048x128xi32>
    %eq3A_226 = vector.broadcast %iota3A : vector<2048x1xi32> to vector<2048x128xi32>
    %eq3A_227 = arith.cmpi eq, %eq3A_225, %eq3A_226 : vector<2048x128xi32>
    %convert_element_type3A_228 = arith.extui %eq3A_227 : vector<2048x128xi1> to vector<2048x128xi32>
    %reduce_sum3A_229 = arith.constant dense<0> : vector<2048xi32>
    %reduce_sum3A_230 = vector.multi_reduction <add>, %convert_element_type3A_228, %reduce_sum3A_229 [1] : vector<2048x128xi32> to vector<2048xi32>
    %broadcast_in_dim3A_231 = vector.shape_cast %reduce_sum3A_230 : vector<2048xi32> to vector<2048x1xi32>
    %add3A_232 = arith.addi %add3A_214, %broadcast_in_dim3A_231 : vector<2048x1xi32>
    %slice3A_233 = vector.extract_strided_slice %sub3A_95 {offsets = [0, 896], sizes = [1, 128], strides = [1, 1]} : vector<1x1024xi32> to vector<1x128xi32>
    %eq3A_234 = vector.broadcast %slice3A_233 : vector<1x128xi32> to vector<2048x128xi32>
    %eq3A_235 = vector.broadcast %iota3A : vector<2048x1xi32> to vector<2048x128xi32>
    %eq3A_236 = arith.cmpi eq, %eq3A_234, %eq3A_235 : vector<2048x128xi32>
    %convert_element_type3A_237 = arith.extui %eq3A_236 : vector<2048x128xi1> to vector<2048x128xi32>
    %reduce_sum3A_238 = arith.constant dense<0> : vector<2048xi32>
    %reduce_sum3A_239 = vector.multi_reduction <add>, %convert_element_type3A_237, %reduce_sum3A_238 [1] : vector<2048x128xi32> to vector<2048xi32>
    %broadcast_in_dim3A_240 = vector.shape_cast %reduce_sum3A_239 : vector<2048xi32> to vector<2048x1xi32>
    %add3A_241 = arith.addi %add3A_223, %broadcast_in_dim3A_240 : vector<2048x1xi32>
    %gt3A = arith.constant 0 : i32
    %gt3A_242 = vector.broadcast %gt3A : i32 to vector<2048x1xi32>
    %gt3A_243 = arith.cmpi sgt, %add3A_232, %gt3A_242 : vector<2048x1xi32>
    %gt3A_244 = arith.constant 0 : i32
    %gt3A_245 = vector.broadcast %gt3A_244 : i32 to vector<2048x1xi32>
    %gt3A_246 = arith.cmpi sgt, %iota3A, %gt3A_245 : vector<2048x1xi32>
    %and3A = arith.andi %gt3A_243, %gt3A_246 : vector<2048x1xi1>
    %and3A_247 = arith.andi %and3A, %eq3A_18 : vector<2048x1xi1>
    %gt3A_248 = arith.constant 0 : i32
    %gt3A_249 = vector.broadcast %gt3A_248 : i32 to vector<2048x1xi32>
    %gt3A_250 = arith.cmpi sgt, %add3A_241, %gt3A_249 : vector<2048x1xi32>
    %gt3A_251 = arith.constant 0 : i32
    %gt3A_252 = vector.broadcast %gt3A_251 : i32 to vector<2048x1xi32>
    %gt3A_253 = arith.cmpi sgt, %iota3A, %gt3A_252 : vector<2048x1xi32>
    %and3A_254 = arith.andi %gt3A_250, %gt3A_253 : vector<2048x1xi1>
    %jit3A_255 = arith.constant 0xFF800000 : f32
    %broadcast_in_dim3A_256 = vector.broadcast %jit3A_255 : f32 to vector<2048x1xf32>
    %select_n3A_257 = arith.select %and3A_247, %sub3A_81, %broadcast_in_dim3A_256 : vector<2048x1xi1>, vector<2048x1xf32>
    %swap3A = arith.constant 0 : index
    %swap3A_258 = arith.constant 0 : index
    %swap3A_259 = arith.constant 0 : index
    %swap3A_260 = vector.load %arg7[%swap3A, %swap3A_258, %swap3A_259] : memref<1x2048x1xf32, #tpu.memory_space<vmem>>, vector<1x2048x1xf32>
    %swap3A_261 = vector.shape_cast %swap3A_260 : vector<1x2048x1xf32> to vector<2048x1xf32>
    %swap3A_262 = vector.shape_cast %select_n3A_257 : vector<2048x1xf32> to vector<1x2048x1xf32>
    tpu.vector_store %arg7[%swap3A, %swap3A_258, %swap3A_259], %swap3A_262 {strides = array<i32>} : memref<1x2048x1xf32, #tpu.memory_space<vmem>>, vector<1x2048x1xf32>,
    %jit3A_263 = arith.constant 0xFF800000 : f32
    %broadcast_in_dim3A_264 = vector.broadcast %jit3A_263 : f32 to vector<2048x1xf32>
    %select_n3A_265 = arith.select %and3A_254, %add3A_82, %broadcast_in_dim3A_264 : vector<2048x1xi1>, vector<2048x1xf32>
    %swap3A_266 = arith.constant 0 : index
    %swap3A_267 = arith.constant 0 : index
    %swap3A_268 = arith.constant 0 : index
    %swap3A_269 = vector.load %arg8[%swap3A_266, %swap3A_267, %swap3A_268] : memref<1x2048x1xf32, #tpu.memory_space<vmem>>, vector<1x2048x1xf32>
    %swap3A_270 = vector.shape_cast %swap3A_269 : vector<1x2048x1xf32> to vector<2048x1xf32>
    %swap3A_271 = vector.shape_cast %select_n3A_265 : vector<2048x1xf32> to vector<1x2048x1xf32>
    tpu.vector_store %arg8[%swap3A_266, %swap3A_267, %swap3A_268], %swap3A_271 {strides = array<i32>} : memref<1x2048x1xf32, #tpu.memory_space<vmem>>, vector<1x2048x1xf32>,
    return
  }
  func.func @transform_0(%arg0: i32) -> (i32, i32, i32) {
    %c0_i32 = arith.constant 0 : i32
    %c0_i32_0 = arith.constant 0 : i32
    %c0_i32_1 = arith.constant 0 : i32
    return %arg0, %c0_i32, %c0_i32_0 : i32, i32, i32
  }
  func.func @transform_1(%arg0: i32) -> (i32, i32) {
    %c0_i32 = arith.constant 0 : i32
    %c0_i32_0 = arith.constant 0 : i32
    %c0_i32_1 = arith.constant 0 : i32
    return %c0_i32, %c0_i32_0 : i32, i32
  }
  func.func @transform_2(%arg0: i32) -> (i32, i32) {
    %c0_i32 = arith.constant 0 : i32
    %c0_i32_0 = arith.constant 0 : i32
    %c0_i32_1 = arith.constant 0 : i32
    return %c0_i32, %c0_i32_0 : i32, i32
  }
  func.func @transform_3(%arg0: i32) -> (i32, i32, i32) {
    %c0_i32 = arith.constant 0 : i32
    %c0_i32_0 = arith.constant 0 : i32
    %c0_i32_1 = arith.constant 0 : i32
    return %arg0, %c0_i32, %c0_i32_0 : i32, i32, i32
  }
  func.func @transform_4(%arg0: i32) -> (i32, i32, i32) {
    %c0_i32 = arith.constant 0 : i32
    %c0_i32_0 = arith.constant 0 : i32
    %c0_i32_1 = arith.constant 0 : i32
    return %arg0, %c0_i32, %c0_i32_0 : i32, i32, i32
  }
  func.func @transform_5(%arg0: i32) -> (i32, i32, i32) {
    %c0_i32 = arith.constant 0 : i32
    %c0_i32_0 = arith.constant 0 : i32
    %c0_i32_1 = arith.constant 0 : i32
    return %arg0, %c0_i32, %c0_i32_0 : i32, i32, i32
  }
  func.func @transform_6(%arg0: i32) -> (i32, i32, i32) {
    %c0_i32 = arith.constant 0 : i32
    %c0_i32_0 = arith.constant 0 : i32
    %c0_i32_1 = arith.constant 0 : i32
    return %arg0, %c0_i32, %c0_i32_0 : i32, i32, i32
  }
  func.func @transform_7(%arg0: i32) -> (i32, i32, i32) {
    %c0_i32 = arith.constant 0 : i32
    %c0_i32_0 = arith.constant 0 : i32
    %c0_i32_1 = arith.constant 0 : i32
    return %arg0, %c0_i32, %c0_i32_0 : i32, i32, i32
  }
}

module attributes {stable_mosaic.version = 14 : i64} {
  func.func @_compact_body(%arg0: i32, %arg1: memref<2x65536xf32, #tpu.memory_space<vmem>>, %arg2: memref<2x65536xf32, #tpu.memory_space<vmem>>) attributes {dimension_semantics = [#tpu.dimension_semantics<arbitrary>], iteration_bounds = array<i64: 33>, scalar_prefetch = 0 : i64, scratch_operands = 0 : i64, tpu.core_type = #tpu.core_type<tc>, window_params = [{transform_indices = @transform_0, window_bounds = array<i64: 2, 65536>}, {transform_indices = @transform_1, window_bounds = array<i64: 2, 65536>}]} {
    %get3A = arith.constant 0 : index
    %get3A_0 = arith.constant 0 : index
    %get3A_1 = vector.load %arg1[%get3A, %get3A_0] : memref<2x65536xf32, #tpu.memory_space<vmem>>, vector<2x65536xf32>
    %swap3A = arith.constant 0 : index
    %swap3A_2 = arith.constant 0 : index
    %swap3A_3 = vector.load %arg2[%swap3A, %swap3A_2] : memref<2x65536xf32, #tpu.memory_space<vmem>>, vector<2x65536xf32>
    tpu.vector_store %arg2[%swap3A, %swap3A_2], %get3A_1 {strides = array<i32>} : memref<2x65536xf32, #tpu.memory_space<vmem>>, vector<2x65536xf32>,
    return
  }
  func.func @transform_0(%arg0: i32) -> (i32, i32) {
    %c0_i32 = arith.constant 0 : i32
    %c0_i32_0 = arith.constant 0 : i32
    return %c0_i32, %arg0 : i32, i32
  }
  func.func @transform_1(%arg0: i32) -> (i32, i32) {
    %c0_i32 = arith.constant 0 : i32
    %c0_i32_0 = arith.constant 0 : i32
    return %c0_i32, %arg0 : i32, i32
  }
}

</mosaic_0001>

<sc_bundles>
// kernel: kernel.5.cloned.1.call-start
scs
__scs_entry_jumppad:
0x0: {  	(pc) =	sbr.rel $0x88, $3  }
0x1: {  	(tag) =	ssettag $0x0;
	lr =	simm.s32 $0x1  }
0x2: {  	[smem:$0x3F9C] =	sst lr;
	_ =	strace $0xD0000000  }
0x3: {  	_ = 	snop  }
0x4: {  	_ = 	snop  }
0x5: {  	_ = 	snop  }
0x6: {  	_ = 	snop  }
0x7: {  	_ = 	snop  }
__scs_overlays_trampoline_lowered:
0x8: {  	[smem:$0x3FAB] =	sst s0  }
0x9: {  	[smem:$0x3FAC] =	sst s1  }
0xa: {  	[smem:$0x3FAD] =	sst s2  }
0xb: {  	[smem:$0x3FAE] =	sst s3  }
0xc: {  	[smem:$0x3FAF] =	sst s4  }
0xd: {  	[smem:$0x3FB0] =	sst s5  }
0xe: {  	[smem:$0x3FB1] =	sst s6  }
0xf: {  	[smem:$0x3FB2] =	sst s7  }
0x10: {  	[smem:$0x3FB3] =	sst s8  }
0x11: {  	[smem:$0x3FB4] =	sst s9;
	s0 =	simm.s32 @!p0 $0x0  }
0x12: {  	s1 =	sld [smem:$0x3F9A];
	s0 =	simm.s32 @p0 $0x1  }
0x13: {  	[smem:$0x3FB5] =	sst s0;
	s0 =	simm.s32 @!p1 $0x0  }
0x14: {  	s2 =	sld [smem:$0x3F99];
	s0 =	simm.s32 @p1 $0x1  }
0x15: {  	[smem:$0x3FB6] =	sst s0;
	s0 =	simm.s32 @!p2 $0x0  }
0x16: {  	s3 =	sld [smem:$0x3FDB];
	s0 =	simm.s32 @p2 $0x1  }
0x17: {  	s4 =	simm.s32 $0x1BF5;
	[smem:$0x3FB8] =	sst s0  }
0x18: {  	s0 =	sld [smem:$0x3F9B];
	_ =	swait.ge [sflag:s4], $0x0  }
0x19: {  	s7 =	sld [smem:$0x3F9C]  }
0x1a: {  	s8 =	sadd.s32 $0xFFFFE003, lr  }
0x1b: {  	s9 =	sadd.s32 $0xFFFFFEF7, lr;
	s5 =	simm.s32 $0xFFFFFFFF;
	p2 =	slt.u32 s8, $0xFFFFF086  }
0x1c: {  	p1 =	slt.u32 s9, $0xF7A;
	s5 =	simm.s32 @!p2 $0x0  }
0x1d: {  	s5 =	simm.s32 @p1 $0x1;
	p0 =	seq.s32 s7, s2  }
0x1e: {  	s7 =	smul.u32 @!p0 $0xF7A, s2;
	p2 =	seq.s32 @!p0 s5, $0x0  }
0x1f: {  	s9 =	smul.u32 $0xF7A, s1;
	s8 =	simm.s32 @!p0 $0x1BF5;
	p2 =	por !p2, p0  }
0x20: {  	[sflag:s8] =	ssyncset.s32 @!p0 $0xFFFFF086;
	s6 =	sadd.s32 @!p0 s3, s7;
	s7 =	simm.s32 @!p0 $0x108  }
0x21: {  	s3 =	sadd.s32 s3, s9;
	s6 =	sadd.s32 @!p0 $0x88, s6;
	s7 =	simm.s32 @p2 $0x1082  }
0x22: {  	[simem:s7], [sflag:s8] =	dma.local @!p0 [hbm:s6], $0xF7A  }
0x23: {  	s9 =	sor.u32 $0xD0000000, s2;
	s6 =	simm.s32 $0x108;
	_ =	swait.ge @!p0 [sflag:s8], $0x0  }
0x24: {  	s3 =	sadd.s32 $0x88, s3;
	s6 =	simm.s32 @!p1 $0x1082;
	[sflag:s4] =	ssyncset.s32 $0xFFFFF086  }
0x25: {  	[simem:s6], [sflag:s4] =	dma.local [hbm:s3], $0xF7A  }
0x26: {  	[smem:$0x3F9C] =	sst s1;
	(tag) =	ssettag s2;
	_ =	strace s9  }
0x27: {  	s1 =	sld [smem:$0x3FAC]  }
0x28: {  	s2 =	sld [smem:$0x3FAD]  }
0x29: {  	s4 =	sld [smem:$0x3FAF]  }
0x2a: {  	p0 =	seq.s32 s5, $0x0;
	s5 =	sld [smem:$0x3FB0]  }
0x2b: {  	s6 =	sld [smem:$0x3FB1]  }
0x2c: {  	s7 =	sld [smem:$0x3FB2]  }
0x2d: {  	s3 =	simm.s32 $0x108;
	s8 =	sld [smem:$0x3FB3]  }
0x2e: {  	s3 =	simm.s32 @!p0 $0x1082;
	s9 =	sld [smem:$0x3FB4]  }
0x2f: {  	lr =	sadd.s32 s0, s3;
	s0 =	sld [smem:$0x3FAB]  }
0x30: {  	s3 =	sld [smem:$0x3FAE]  }
0x31: {  	[smem:$0x3FB7] =	sst s10  }
0x32: {  	s10 =	sld [smem:$0x3FB5];
	_ =	sdelay $0x3  }
0x33: {  	p0 =	seq.s32 s10, $0x1;
	s10 =	sld [smem:$0x3FB7];
	_ =	sdelay $0x3  }
0x34: {  	[smem:$0x3FB7] =	sst s10  }
0x35: {  	s10 =	sld [smem:$0x3FB6];
	_ =	sdelay $0x3  }
0x36: {  	p1 =	seq.s32 s10, $0x1;
	s10 =	sld [smem:$0x3FB7];
	_ =	sdelay $0x3  }
0x37: {  	[smem:$0x3FB7] =	sst s10  }
0x38: {  	s10 =	sld [smem:$0x3FB8]  }
0x39: {  	_ = 	snop;
	(pc) =	sbr.ind lr, $3  }
0x3a: {  	_ = 	snop  }
0x3b: {  	_ = 	snop  }
0x3c: {  	p2 =	seq.s32 s10, $0x1;
	s10 =	sld [smem:$0x3FB7]  }
0x3d: {  	_ =	shalt  }
0x3e: {  	_ =	shalt  }
0x3f: {  	_ =	shalt  }
0x40: {  	_ =	shalt  }
0x41: {  	_ =	shalt  }
0x42: {  	_ =	shalt  }
0x43: {  	_ =	shalt  }
0x44: {  	_ =	shalt  }
0x45: {  	_ =	shalt  }
0x46: {  	_ =	shalt  }
0x47: {  	_ =	shalt  }
0x48: {  	_ =	shalt  }
0x49: {  	_ =	shalt  }
0x4a: {  	_ =	shalt  }
0x4b: {  	_ =	shalt  }
0x4c: {  	_ =	shalt  }
0x4d: {  	_ =	shalt  }
0x4e: {  	_ =	shalt  }
0x4f: {  	_ =	shalt  }
0x50: {  	_ =	shalt  }
0x51: {  	_ =	shalt  }
0x52: {  	_ =	shalt  }
0x53: {  	_ =	shalt  }
0x54: {  	_ =	shalt  }
0x55: {  	_ =	shalt  }
0x56: {  	_ =	shalt  }
0x57: {  	_ =	shalt  }
0x58: {  	_ =	shalt  }
0x59: {  	_ =	shalt  }
0x5a: {  	_ =	shalt  }
0x5b: {  	_ =	shalt  }
0x5c: {  	_ =	shalt  }
0x5d: {  	_ =	shalt  }
0x5e: {  	_ =	shalt  }
0x5f: {  	_ =	shalt  }
0x60: {  	_ =	shalt  }
0x61: {  	_ =	shalt  }
0x62: {  	_ =	shalt  }
0x63: {  	_ =	shalt  }
0x64: {  	_ =	shalt  }
0x65: {  	_ =	shalt  }
0x66: {  	_ =	shalt  }
0x67: {  	_ =	shalt  }
0x68: {  	_ =	shalt  }
0x69: {  	_ =	shalt  }
0x6a: {  	_ =	shalt  }
0x6b: {  	_ =	shalt  }
0x6c: {  	_ =	shalt  }
0x6d: {  	_ =	shalt  }
0x6e: {  	_ =	shalt  }
0x6f: {  	_ =	shalt  }
0x70: {  	_ =	shalt  }
0x71: {  	_ =	shalt  }
0x72: {  	_ =	shalt  }
0x73: {  	_ =	shalt  }
0x74: {  	_ =	shalt  }
0x75: {  	_ =	shalt  }
0x76: {  	_ =	shalt  }
0x77: {  	_ =	shalt  }
0x78: {  	_ =	shalt  }
0x79: {  	_ =	shalt  }
0x7a: {  	_ =	shalt  }
0x7b: {  	_ =	shalt  }
0x7c: {  	_ =	shalt  }
0x7d: {  	_ =	shalt  }
0x7e: {  	_ =	shalt  }
0x7f: {  	_ =	shalt  }
0x80: {  	_ =	shalt  }
0x81: {  	_ =	shalt  }
0x82: {  	_ =	shalt  }
0x83: {  	_ =	shalt  }
0x84: {  	_ =	shalt  }
0x85: {  	_ =	shalt  }
0x86: {  	_ =	shalt  }
0x87: {  	_ =	shalt  }
.Lfunc_end0:
.L_simem_size_0:
called_computation_lowered:
.L_overlay_start_0:
0x88: {  	s2 =	sld [smem:$0x3FD9]  }
0x89: {  	s3 =	sld [smem:$0x3FFE];
	_ =	sdelay $0x1  }
0x8a: {  	s1 =	srdreg.scid  }
0x8b: {  	s0 =	sand.u32 $0x1, s1  }
0x8c: {  	s14 =	sshll.u32 s0, $0xA;
	s2 =	sadd.s32 s3, s2  }
0x8d: {  	s2 =	sadd.s32 s2, s14  }
0x8e: {  	[smem:$0x3FC3] =	sst s2  }
0x8f: {  	_ = 	snop  }
0x90: {  	s2 =	sld [smem:$0x3FD0];
	_ =	sdelay $0x2  }
0x91: {  	s15 =	simm.s32 $0xA;
	s4 =	simm.s32 $0x10  }
0x92: {  	[smem:s4], [sflag:s15] =	dma.local [hbm:s2], $0x1  }
0x93: {  	_ =	swait.eq [sflag:s15], $0x1  }
0x94: {  	[sflag:s15] =	ssyncset.done $0x0  }
0x95: {  	s16 =	sld [smem:$0x10];
	[sflag:s15] =	ssyncadd.s32 $0xFFFFFFFF  }
0x96: {  	s17 =	sld [smem:$0x11];
	(tm) =	ssettm $0x1  }
0x97: {  	s18 =	sld [smem:$0x3FFB];
	_ =	sdelay $0x3  }
0x98: {  	_ =	strace s18  }
0x99: {  	s4 =	sld [smem:$0x3FFC];
	_ =	sdelay $0x3  }
0x9a: {  	_ =	strace s4  }
0x9b: {  	s4 =	sld [smem:$0x3FFD];
	_ =	sdelay $0x3  }
0x9c: {  	_ =	strace s4  }
0x9d: {  	_ =	strace $0x8FFFFFFF  }
0x9e: {  	s19 =	sld [smem:$0x3FDB];
	_ =	sdelay $0x1  }
0x9f: {  	s5 =	simm.s32 $_scs_section_size  }
0xa0: {  	s6 =	simm.s32 $_size__tile_overlayer_lowered;
	s7 =	simm.s32 $_tile_overlayer_lowered  }
0xa1: {  	s22 =	simm.s32 $0x1BFF;
	s21 =	sshll.u32 s7, $0x1;
	s4 =	sadd.s32 s5, s19  }
0xa2: {  	s8 =	simm.s32 $0x0;
	s20 =	sshll.u32 s6, $0x1;
	s6 =	sadd.s32 s21, s4  }
0xa3: {  	[timem:s8], [sflag:s22] =	dma.local [hbm:s6], s20  }
0xa4: {  	_ =	swait.ge [sflag:s22], s20  }
0xa5: {  	s5 =	ssub.s32 $0x0, s20;
	[sflag:s22] =	ssyncset.done $0x0  }
0xa6: {  	[sflag:s22] =	ssyncadd.s32 s5;
	_ =	sdelay $0x1  }
0xa7: {  	s23 =	simm.s32 $0x1B8B  }
0xa8: {  	_ =	swait.ge [sflag:s23], $0x1  }
0xa9: {  	[sflag:s23] =	ssyncset.done $0x0  }
0xaa: {  	s25 =	simm.s32 $0x1B8E;
	s24 =	sld [smem:$0x3FFE];
	[sflag:s23] =	ssyncadd.s32 $0xFFFFFFFF  }
0xab: {  	s26 =	simm.s32 $execute0_lowered;
	[smem:$0x3FD2] =	sst s25  }
0xac: {  	s6 =	sshll.u32 s26, $0x1;
	_ =	strace $0x80000046;
	[dreg:$0x1] =	wrdreg $0xFFFFFFFF  }
0xad: {  	s28 =	simm.s32 $_size_execute0_lowered;
	s4 =	sadd.s32 s4, s6;
	[dreg:$0x0] =	wrdreg $0x0  }
0xae: {  	s6 =	sshll.u32 s28, $0x1;
	[dreg:$0x2] =	wrdreg s4  }
0xaf: {  	[dreg:$0x3] =	wrdreg s6  }
0xb0: {  	[dreg:$0x4] =	wrdreg $0xC0  }
0xb1: {  	_ =	task [dreg:s8], $0x5FFFF  }
0xb2: {  	[dreg:$0x1] =	wrdreg $0xFFFFFFFF  }
0xb3: {  	[dreg:$0x0] =	wrdreg $0x60  }
0xb4: {  	[dreg:$0x2] =	wrdreg s16  }
0xb5: {  	[dreg:$0x3] =	wrdreg s24  }
0xb6: {  	[dreg:$0x4] =	wrdreg s17  }
0xb7: {  	[dreg:$0x5] =	wrdreg $0x9  }
0xb8: {  	_ =	task.clear_ibuf [dreg:s8], $0x6FFFF;
	_ =	strace $0x90000046  }
0xb9: {  	s29 =	simm.s32 $0x9;
	_ =	strace $0x80000048  }
0xba: {  	_ =	swait.ge [sflag:s29], $0x1  }
0xbb: {  	[sflag:s29] =	ssyncadd.s32 $0xFFFFFFFF  }
0xbc: {  	_ =	strace $0x90000048  }
0xbd: {  	_ =	sfence  }
0xbe: {  	s30 =	sld [smem:$0x0];
	_ =	sdelay $0x2  }
0xbf: {  	s31 =	sshll.u32 s1, $0xD;
	s1 =	sshrl.u32 s1, $0x2  }
0xc0: {  	s3 =	sand.u32 $0x4000, s31;
	s1 =	sadd.s32 s1, s30  }
0xc1: {  	s0 =	sor.u32 s3, s0;
	s1 =	sshll.u32 s1, $0x11  }
0xc2: {  	s0 =	sor.u32 s1, s0  }
0xc3: {  	s0 =	sadd.s32 $0x8F2B, s0  }
0xc4: {  	[sflag:s0] =	ssyncadd.remote.s32 $0x1  }
0xc5: {  	_ =	sfence.sel $0xFFFF  }
0xc6: {  	[dreg:$0x0] =	wrdreg $0xFFFFFFFF;
	(pc) =	sbr.abs _section_cstart, $3  }
0xc7: {  	[dreg:$0x1] =	wrdreg $0xFFFFFFFF  }
0xc8: {  	_ =	task.clear_ibuf [dreg:s8], $0x2FFFF;
	_ =	strace $0x9FFFFFFF  }
0xc9: {  	(tm) =	ssettm $0x7FFFFFFF  }
tec
execute0_lowered:
.L_overlay_start_1:
0x0: {  	(tag) =	ssettag $0x1  }
0x1: {  	s0 =	srdreg.scid;
	s2 =	rddreg [dreg:$0x0]  }
0x2: {  	s15 =	stileid.u32;
	s3 =	rddreg [dreg:$0x2];
	s1 =	simm.s32 $0x0  }
0x3: {  	s30 =	simm.s32 $0x2000;
	s0 =	sand.u32 $0x1, s0;
	s5 =	sshll.u32 s15, $0x1  }
0x4: {  	[smem:$0x7FF] =	sst s1;
	s4 =	ssub.s32 $0x2, s0;
	s0 =	sor.u32 s0, s5  }
0x5: {  	p0 =	sgt.u32 s15, $0x3;
	s6 =	sshrl.u32 s4, $0x1;
	s5 =	sshll.u32 s0, $0xA  }
0x6: {  	s11 =	sshll.u32 s0, $0xB;
	s12 =	sor.u32 $0x20, s0;
	s8 =	sor.u32 $0x40, s0  }
0x7: {  	s19 =	sor.u32 $0x60, s0;
	s20 =	sor.u32 $0x80, s0;
	s9 =	sor.u32 $0xA0, s0  }
0x8: {  	s23 =	sor.u32 $0xC0, s0;
	s4 =	ssub.s32 s4, s6;
	s5 =	sadd.s32 s2, s5  }
0x9: {  	s6 =	sadd.s32 $0x10, s3;
	s7 =	sadd.s32 s3, s11;
	s13 =	sshll.u32 s12, $0xA  }
0xa: {  	s16 =	sshll.u32 s8, $0xA;
	s18 =	sshll.u32 s8, $0xB;
	s10 =	sshll.u32 s19, $0xA  }
0xb: {  	s24 =	sshll.u32 s23, $0xA;
	s8 =	sshll.u32 s20, $0xB;
	[dreg:$0x4] =	wrdreg s5  }
0xc: {  	[dreg:$0x5] =	wrdreg s7;
	s5 =	sadd.s32 s11, s6;
	s7 =	sadd.s32 s2, s13  }
0xd: {  	s17 =	sadd.s32 s2, s16;
	s11 =	sshll.u32 s20, $0xA;
	s10 =	sadd.s32 s2, s10  }
0xe: {  	s26 =	sadd.s32 s3, s18;
	s16 =	sadd.s32 s18, s6;
	[dreg:$0x6] =	wrdreg s5  }
0xf: {  	s20 =	sadd.s32 s8, s6;
	s29 =	smax.u32 s4, $0x1;
	[dreg:$0x7] =	wrdreg s7  }
0x10: {  	s4 =	simm.s32 $0x3100;
	s5 =	sshll.u32 s12, $0xB;
	[dreg:$0xa] =	wrdreg s17  }
0x11: {  	s12 =	sshll.u32 s9, $0xA;
	[dreg:$0xb] =	wrdreg s10;
	s21 =	sadd.s32 s2, s11  }
0x12: {  	s11 =	sor.u32 $0xE0, s0;
	s0 =	sor.u32 $0x100, s0;
	[dreg:$0x11] =	wrdreg s26  }
0x13: {  	s7 =	sshll.u32 s19, $0xB;
	s19 =	sadd.s32 s3, s8;
	s9 =	sshll.u32 s9, $0xB  }
0x14: {  	s8 =	simm.s32 $0x4200;
	s10 =	simm.s32 $0x0;
	s14 =	sadd.s32 s3, s5  }
0x15: {  	s5 =	sadd.s32 s5, s6;
	[dreg:$0xc] =	wrdreg s21;
	s22 =	sadd.s32 s2, s12  }
0x16: {  	s13 =	sshll.u32 s11, $0xA;
	s12 =	sadd.s32 s2, s24;
	[dreg:$0x8] =	wrdreg s14  }
0x17: {  	s17 =	sadd.s32 s3, s7;
	s18 =	sadd.s32 s7, s6;
	[dreg:$0x9] =	wrdreg s5  }
0x18: {  	s21 =	sadd.s32 s3, s9;
	s7 =	simm.s32 $0x100;
	[dreg:$0xd] =	wrdreg s22  }
0x19: {  	s14 =	sshll.u32 s0, $0xA;
	[dreg:$0xe] =	wrdreg s12;
	s25 =	sadd.s32 s2, s13  }
0x1a: {  	s22 =	sadd.s32 s9, s6;
	s12 =	sshll.u32 s23, $0xB;
	s13 =	sshll.u32 s11, $0xB  }
0x1b: {  	s0 =	sshll.u32 s0, $0xB;
	s5 =	simm.s32 $0x3980;
	s9 =	simm.s32 $0x6200  }
0x1c: {  	[dreg:$0xf] =	wrdreg s25;
	s2 =	sadd.s32 s2, s14;
	s23 =	sadd.s32 s3, s12  }
0x1d: {  	s24 =	sadd.s32 s12, s6;
	s14 =	rddreg [dreg:$0x1];
	s26 =	sadd.s32 s3, s13  }
.Ltmp0:
0x1e: {  	s25 =	sadd.s32 s3, s0;
	[dreg:$0x10] =	wrdreg s2;
	(pc) =	sbr.rel .LBB2_1-.Ltmp0, $4  }
0x1f: {  	s28 =	sadd.s32 s13, s6;
	s0 =	sadd.s32 s0, s6;
	[dreg:$0x12] =	wrdreg s25  }
0x20: {  	s3 =	simm.s32 $0x2880;
	s6 =	simm.s32 $0x80;
	[dreg:$0x13] =	wrdreg s0  }
0x21: {  	s31 =	sadd.s32 $0x600, s14;
	s25 =	sadd.s32 $0x702, s14;
	s0 =	sadd.s32 $0x804, s14  }
0x22: {  	s14 =	sadd.s32 $0x906, s14;
	s2 =	simm.s32 $0x1;
	_ =	strace $0x80000047  }
.LBB2_20:
0x23: {  	_ =	sdelay $0x3  }
0x24: {  	v1 =	vld.idx.msk [tilespmem:v1+s5+$0x0], $0xffff  }
0x25: {  	v0 =	vld.idx.msk [tilespmem:v0+s3+$0x0], $0xffff;
	_ =	sdelay $0x2  }
0x26: {  	v3 =	vshrl.u32 v2, $0xC  }
0x27: {  	v52 =	vand.u32 $0xFFF, v2  }
0x28: {  	v4 =	vld [tilespmem:s15+$0x10];
	v0 =	vadd.f32 v1, v0  }
0x29: {  	v5 =	vld [tilespmem:s15+$0x20]  }
0x2a: {  	v53 =	vld [tilespmem:s15+$0x30];
	[tilespmem:s11+$0x6230] =	vst v0  }
0x2b: {  	v0 =	vld.idx.msk [tilespmem:v3+s30+$0x0], $0xffff  }
0x2c: {  	v6 =	vld.idx.msk [tilespmem:v52+s4+$0x0], $0xffff;
	_ =	sdelay $0x4  }
0x2d: {  	v0 =	vadd.f32 v6, v0;
	_ =	sdelay $0x1  }
0x2e: {  	[tilespmem:s15+$0x4200] =	vst v0  }
0x2f: {  	v0 =	vld.idx.msk [tilespmem:v3+s3+$0x0], $0xffff  }
0x30: {  	v2 =	vld.idx.msk [tilespmem:v52+s5+$0x0], $0xffff;
	_ =	sdelay $0x2  }
0x31: {  	v54 =	vshrl.u32 v4, $0xC  }
0x32: {  	v4 =	vand.u32 $0xFFF, v4  }
0x33: {  	v0 =	vadd.f32 v2, v0;
	_ =	sdelay $0x1  }
0x34: {  	[tilespmem:s15+$0x6200] =	vst v0  }
0x35: {  	v0 =	vld.idx.msk [tilespmem:v54+s30+$0x0], $0xffff  }
0x36: {  	v55 =	vld.idx.msk [tilespmem:v4+s4+$0x0], $0xffff;
	_ =	sdelay $0x4  }
0x37: {  	v0 =	vadd.f32 v55, v0;
	_ =	sdelay $0x1  }
0x38: {  	[tilespmem:s15+$0x4210] =	vst v0  }
0x39: {  	v0 =	vld.idx.msk [tilespmem:v54+s3+$0x0], $0xffff  }
0x3a: {  	v56 =	vld.idx.msk [tilespmem:v4+s5+$0x0], $0xffff;
	_ =	sdelay $0x2  }
0x3b: {  	v57 =	vshrl.u32 v5, $0xC  }
0x3c: {  	v58 =	vand.u32 $0xFFF, v5  }
0x3d: {  	v0 =	vadd.f32 v56, v0;
	_ =	sdelay $0x1  }
0x3e: {  	[tilespmem:s15+$0x6210] =	vst v0  }
0x3f: {  	v0 =	vld.idx.msk [tilespmem:v57+s30+$0x0], $0xffff  }
0x40: {  	v59 =	vld.idx.msk [tilespmem:v58+s4+$0x0], $0xffff;
	_ =	sdelay $0x4  }
0x41: {  	v0 =	vadd.f32 v59, v0;
	_ =	sdelay $0x1  }
0x42: {  	[tilespmem:s15+$0x4220] =	vst v0  }
0x43: {  	v0 =	vld.idx.msk [tilespmem:v57+s3+$0x0], $0xffff  }
0x44: {  	v60 =	vld.idx.msk [tilespmem:v58+s5+$0x0], $0xffff;
	_ =	sdelay $0x2  }
0x45: {  	v61 =	vshrl.u32 v53, $0xC  }
0x46: {  	v1 =	vand.u32 $0xFFF, v53  }
0x47: {  	v0 =	vadd.f32 v60, v0;
	_ =	sdelay $0x1  }
0x48: {  	[tilespmem:s15+$0x6220] =	vst v0  }
0x49: {  	v0 =	vld.idx.msk [tilespmem:v61+s30+$0x0], $0xffff  }
0x4a: {  	v62 =	vld.idx.msk [tilespmem:v1+s4+$0x0], $0xffff;
	_ =	sdelay $0x4  }
0x4b: {  	v0 =	vadd.f32 v62, v0;
	_ =	sdelay $0x1  }
0x4c: {  	[tilespmem:s15+$0x4230] =	vst v0  }
0x4d: {  	v0 =	vld.idx.msk [tilespmem:v1+s5+$0x0], $0xffff  }
0x4e: {  	v63 =	vld.idx.msk [tilespmem:v61+s3+$0x0], $0xffff;
	_ =	sdelay $0x4  }
0x4f: {  	v0 =	vadd.f32 v0, v63;
	_ =	sdelay $0x1  }
0x50: {  	s13 =	rddreg [dreg:$0x12];
	[tilespmem:s15+$0x6230] =	vst v0  }
0x51: {  	[hbm4b:s13+s6] =	stream.strided.scatter [tilespmem:s8], [sflag:$0x1], $0x2000, s7, s6, $0x38;
	[tilespmem:$0x8200] =	vst v63  }
0x52: {  	_ =	swait.ge [sflag:s2], $0x2000  }
0x53: {  	[sflag:s2] =	ssyncset.done $0x0  }
0x54: {  	s15 =	rddreg [dreg:$0x13];
	[sflag:s2] =	ssyncadd.s32 $0xFFFFE000  }
0x55: {  	[hbm4b:s15+s6] =	stream.strided.scatter [tilespmem:s9], [sflag:$0x1], $0x2000, s7, s6, $0x38;
	[tilespmem:$0x8200] =	vst v63  }
0x56: {  	_ =	swait.ge [sflag:s2], $0x2000  }
0x57: {  	[sflag:s2] =	ssyncset.done $0x0  }
0x58: {  	[sflag:s2] =	ssyncadd.s32 $0xFFFFE000  }
.LBB2_21:
0x59: {  	s10 =	sadd.s32 $0x1, s10  }
0x5a: {  	p1 =	sne.s32 s10, s29  }
.Ltmp1:
0x5b: {  	_ = 	snop;
	(pc) =	sbr.rel @!p1 .LBB2_22-.Ltmp1, $1  }
0x5c: {  	_ =	sdelay $0x3  }
.LBB2_1:
0x5d: {  	[tilespmem:s30], [sflag:$0x1] =	stream.linear.gather [hbm4b:s31+s1], $0x810, $0x38;
	[tilespmem:$0x8200] =	vst v63  }
0x5e: {  	_ =	swait.ge [sflag:s2], $0x810  }
0x5f: {  	[sflag:s2] =	ssyncset.done $0x0  }
0x60: {  	[sflag:s2] =	ssyncadd.s32 $0xFFFFF7F0  }
0x61: {  	[tilespmem:s3], [sflag:$0x1] =	stream.linear.gather [hbm4b:s25+s1], $0x810, $0x38;
	[tilespmem:$0x8200] =	vst v63  }
0x62: {  	_ =	swait.ge [sflag:s2], $0x810  }
0x63: {  	[sflag:s2] =	ssyncset.done $0x0  }
0x64: {  	[sflag:s2] =	ssyncadd.s32 $0xFFFFF7F0  }
0x65: {  	[tilespmem:s4], [sflag:$0x1] =	stream.linear.gather [hbm4b:s0+s1], $0x810, $0x38;
	[tilespmem:$0x8200] =	vst v63  }
0x66: {  	_ =	swait.ge [sflag:s2], $0x810  }
0x67: {  	[sflag:s2] =	ssyncset.done $0x0  }
0x68: {  	[sflag:s2] =	ssyncadd.s32 $0xFFFFF7F0  }
0x69: {  	[tilespmem:s5], [sflag:$0x1] =	stream.linear.gather [hbm4b:s14+s1], $0x810, $0x38;
	[tilespmem:$0x8200] =	vst v63  }
0x6a: {  	_ =	swait.ge [sflag:s2], $0x810  }
0x6b: {  	[sflag:s2] =	ssyncset.done $0x0  }
0x6c: {  	s11 =	rddreg [dreg:$0x4];
	[sflag:s2] =	ssyncadd.s32 $0xFFFFF7F0  }
0x6d: {  	[tilespmem:s1], [sflag:$0x1] =	stream.linear.gather [hbm4b:s11+s1], $0x2000, $0x38;
	[tilespmem:$0x8200] =	vst v63  }
0x6e: {  	_ =	swait.ge [sflag:s2], $0x2000  }
0x6f: {  	[sflag:s2] =	ssyncset.done $0x0  }
0x70: {  	s11 =	simm.s32 $0x0;
	[sflag:s2] =	ssyncadd.s32 $0xFFFFE000  }
0x71: {  	v0 =	vld [tilespmem:s11+$0x0];
	_ =	sdelay $0x4  }
0x72: {  	v1 =	vshrl.u32 v0, $0xC  }
0x73: {  	v0 =	vand.u32 $0xFFF, v0;
	_ =	sdelay $0x3  }
0x74: {  	v2 =	vld.idx.msk [tilespmem:v1+s30+$0x0], $0xffff  }
0x75: {  	v3 =	vld.idx.msk [tilespmem:v0+s4+$0x0], $0xffff;
	_ =	sdelay $0x4  }
0x76: {  	v2 =	vadd.f32 v3, v2;
	_ =	sdelay $0x1  }
0x77: {  	v4 =	vld [tilespmem:s11+$0x10];
	[tilespmem:s11+$0x4200] =	vst v2  }
0x78: {  	v1 =	vld.idx.msk [tilespmem:v1+s3+$0x0], $0xffff  }
0x79: {  	v0 =	vld.idx.msk [tilespmem:v0+s5+$0x0], $0xffff;
	_ =	sdelay $0x2  }
0x7a: {  	v2 =	vshrl.u32 v4, $0xC  }
0x7b: {  	v4 =	vand.u32 $0xFFF, v4  }
0x7c: {  	v0 =	vadd.f32 v0, v1;
	_ =	sdelay $0x1  }
0x7d: {  	[tilespmem:s11+$0x6200] =	vst v0  }
0x7e: {  	v0 =	vld.idx.msk [tilespmem:v2+s30+$0x0], $0xffff  }
0x7f: {  	v1 =	vld.idx.msk [tilespmem:v4+s4+$0x0], $0xffff;
	_ =	sdelay $0x4  }
0x80: {  	v0 =	vadd.f32 v1, v0;
	_ =	sdelay $0x1  }
0x81: {  	v5 =	vld [tilespmem:s11+$0x20];
	[tilespmem:s11+$0x4210] =	vst v0  }
0x82: {  	v0 =	vld.idx.msk [tilespmem:v2+s3+$0x0], $0xffff  }
0x83: {  	v1 =	vld.idx.msk [tilespmem:v4+s5+$0x0], $0xffff;
	_ =	sdelay $0x2  }
0x84: {  	v2 =	vshrl.u32 v5, $0xC  }
0x85: {  	v63 =	vand.u32 $0xFFF, v5  }
0x86: {  	v0 =	vadd.f32 v1, v0;
	_ =	sdelay $0x1  }
0x87: {  	[tilespmem:s11+$0x6210] =	vst v0  }
0x88: {  	v0 =	vld.idx.msk [tilespmem:v2+s30+$0x0], $0xffff  }
0x89: {  	v1 =	vld.idx.msk [tilespmem:v63+s4+$0x0], $0xffff;
	_ =	sdelay $0x4  }
0x8a: {  	v0 =	vadd.f32 v1, v0;
	_ =	sdelay $0x1  }
0x8b: {  	v3 =	vld [tilespmem:s11+$0x30];
	[tilespmem:s11+$0x4220] =	vst v0  }
0x8c: {  	v2 =	vld.idx.msk [tilespmem:v2+s3+$0x0], $0xffff  }
0x8d: {  	v4 =	vld.idx.msk [tilespmem:v63+s5+$0x0], $0xffff;
	_ =	sdelay $0x2  }
0x8e: {  	v0 =	vshrl.u32 v3, $0xC  }
0x8f: {  	v1 =	vand.u32 $0xFFF, v3  }
0x90: {  	v2 =	vadd.f32 v4, v2;
	_ =	sdelay $0x1  }
0x91: {  	[tilespmem:s11+$0x6220] =	vst v2  }
0x92: {  	v2 =	vld.idx.msk [tilespmem:v0+s30+$0x0], $0xffff  }
0x93: {  	v3 =	vld.idx.msk [tilespmem:v1+s4+$0x0], $0xffff;
	_ =	sdelay $0x4  }
0x94: {  	v3 =	vadd.f32 v3, v2  }
0x95: {  	s15 =	simm.s32 $0x40  }
0x96: {  	s12 =	simm.s32 $0x200;
	v2 =	vld [tilespmem:s15+$0x0];
	[tilespmem:s11+$0x4230] =	vst v3  }
.LBB2_2:
0x97: {  	p1 =	sne.s32 s12, $0x7F00;
	v1 =	vld.idx.msk [tilespmem:v1+s5+$0x0], $0xffff;
	s13 =	smov.u32 s12;
	s12 =	sadd.s32 $0x100, s12  }
0x98: {  	v0 =	vld.idx.msk [tilespmem:v0+s3+$0x0], $0xffff  }
0x99: {  	v3 =	vld [tilespmem:s15+$0x10]  }
0x9a: {  	v4 =	vld [tilespmem:s15+$0x20]  }
0x9b: {  	v5 =	vld [tilespmem:s15+$0x30]  }
0x9c: {  	v6 =	vshrl.u32 v2, $0xC;
	v2 =	vand.u32 $0xFFF, v2;
	_ =	sdelay $0x1  }
0x9d: {  	v0 =	vadd.f32 v1, v0;
	_ =	sdelay $0x1  }
0x9e: {  	[tilespmem:s11+$0x6230] =	vst v0;
	s11 =	smov.u32 s15  }
0x9f: {  	v0 =	vld.idx.msk [tilespmem:v6+s30+$0x0], $0xffff  }
0xa0: {  	v1 =	vld.idx.msk [tilespmem:v2+s4+$0x0], $0xffff;
	_ =	sdelay $0x5  }
0xa1: {  	v0 =	vadd.f32 v1, v0;
	_ =	sdelay $0x1  }
0xa2: {  	[tilespmem:s11+$0x4200] =	vst v0  }
0xa3: {  	v0 =	vld.idx.msk [tilespmem:v6+s3+$0x0], $0xffff  }
0xa4: {  	v1 =	vld.idx.msk [tilespmem:v2+s5+$0x0], $0xffff;
	_ =	sdelay $0x3  }
0xa5: {  	v2 =	vshrl.u32 v3, $0xC  }
0xa6: {  	v3 =	vand.u32 $0xFFF, v3  }
0xa7: {  	v0 =	vadd.f32 v1, v0;
	_ =	sdelay $0x1  }
0xa8: {  	[tilespmem:s11+$0x6200] =	vst v0  }
0xa9: {  	v0 =	vld.idx.msk [tilespmem:v2+s30+$0x0], $0xffff  }
0xaa: {  	v1 =	vld.idx.msk [tilespmem:v3+s4+$0x0], $0xffff;
	_ =	sdelay $0x5  }
0xab: {  	v0 =	vadd.f32 v1, v0;
	_ =	sdelay $0x1  }
0xac: {  	[tilespmem:s11+$0x4210] =	vst v0  }
0xad: {  	v0 =	vld.idx.msk [tilespmem:v2+s3+$0x0], $0xffff  }
0xae: {  	v1 =	vld.idx.msk [tilespmem:v3+s5+$0x0], $0xffff;
	_ =	sdelay $0x3  }
0xaf: {  	v2 =	vshrl.u32 v4, $0xC  }
0xb0: {  	v3 =	vand.u32 $0xFFF, v4  }
0xb1: {  	v0 =	vadd.f32 v1, v0;
	_ =	sdelay $0x1  }
0xb2: {  	[tilespmem:s11+$0x6210] =	vst v0  }
0xb3: {  	v0 =	vld.idx.msk [tilespmem:v2+s30+$0x0], $0xffff  }
0xb4: {  	v1 =	vld.idx.msk [tilespmem:v3+s4+$0x0], $0xffff;
	_ =	sdelay $0x5  }
0xb5: {  	v0 =	vadd.f32 v1, v0;
	_ =	sdelay $0x1  }
0xb6: {  	[tilespmem:s11+$0x4220] =	vst v0  }
0xb7: {  	v2 =	vld.idx.msk [tilespmem:v2+s3+$0x0], $0xffff  }
0xb8: {  	v3 =	vld.idx.msk [tilespmem:v3+s5+$0x0], $0xffff;
	_ =	sdelay $0x3  }
0xb9: {  	v0 =	vshrl.u32 v5, $0xC  }
0xba: {  	v1 =	vand.u32 $0xFFF, v5  }
0xbb: {  	v2 =	vadd.f32 v3, v2;
	_ =	sdelay $0x1  }
0xbc: {  	[tilespmem:s11+$0x6220] =	vst v2  }
0xbd: {  	v2 =	vld.idx.msk [tilespmem:v0+s30+$0x0], $0xffff  }
0xbe: {  	v3 =	vld.idx.msk [tilespmem:v1+s4+$0x0], $0xffff;
	_ =	sdelay $0x3  }
.Ltmp2:
0xbf: {  	(pc) =	sbr.rel @p1 .LBB2_2-.Ltmp2, $4  }
0xc0: {  	_ = 	snop  }
0xc1: {  	v3 =	vadd.f32 v3, v2  }
0xc2: {  	s15 =	sshra.s32 s13, $0x2  }
0xc3: {  	v2 =	vld [tilespmem:s15+$0x0];
	[tilespmem:s11+$0x4230] =	vst v3  }
0xc4: {  	_ =	sdelay $0x3  }
0xc5: {  	v1 =	vld.idx.msk [tilespmem:v1+s5+$0x0], $0xffff  }
0xc6: {  	v0 =	vld.idx.msk [tilespmem:v0+s3+$0x0], $0xffff;
	_ =	sdelay $0x2  }
0xc7: {  	v3 =	vshrl.u32 v2, $0xC  }
0xc8: {  	v2 =	vand.u32 $0xFFF, v2  }
0xc9: {  	v4 =	vld [tilespmem:s15+$0x10];
	v0 =	vadd.f32 v1, v0  }
0xca: {  	v5 =	vld [tilespmem:s15+$0x20]  }
0xcb: {  	v1 =	vld [tilespmem:s15+$0x30];
	[tilespmem:s11+$0x6230] =	vst v0  }
0xcc: {  	v0 =	vld.idx.msk [tilespmem:v3+s30+$0x0], $0xffff  }
0xcd: {  	v6 =	vld.idx.msk [tilespmem:v2+s4+$0x0], $0xffff;
	_ =	sdelay $0x4  }
0xce: {  	v0 =	vadd.f32 v6, v0;
	_ =	sdelay $0x1  }
0xcf: {  	[tilespmem:s15+$0x4200] =	vst v0  }
0xd0: {  	v0 =	vld.idx.msk [tilespmem:v3+s3+$0x0], $0xffff  }
0xd1: {  	v2 =	vld.idx.msk [tilespmem:v2+s5+$0x0], $0xffff;
	_ =	sdelay $0x2  }
0xd2: {  	v3 =	vshrl.u32 v4, $0xC  }
0xd3: {  	v4 =	vand.u32 $0xFFF, v4  }
0xd4: {  	v0 =	vadd.f32 v2, v0;
	_ =	sdelay $0x1  }
0xd5: {  	[tilespmem:s15+$0x6200] =	vst v0  }
0xd6: {  	v0 =	vld.idx.msk [tilespmem:v3+s30+$0x0], $0xffff  }
0xd7: {  	v2 =	vld.idx.msk [tilespmem:v4+s4+$0x0], $0xffff;
	_ =	sdelay $0x4  }
0xd8: {  	v0 =	vadd.f32 v2, v0;
	_ =	sdelay $0x1  }
0xd9: {  	[tilespmem:s15+$0x4210] =	vst v0  }
0xda: {  	v0 =	vld.idx.msk [tilespmem:v3+s3+$0x0], $0xffff  }
0xdb: {  	v2 =	vld.idx.msk [tilespmem:v4+s5+$0x0], $0xffff;
	_ =	sdelay $0x2  }
0xdc: {  	v3 =	vshrl.u32 v5, $0xC  }
0xdd: {  	v60 =	vand.u32 $0xFFF, v5  }
0xde: {  	v0 =	vadd.f32 v2, v0;
	_ =	sdelay $0x1  }
0xdf: {  	[tilespmem:s15+$0x6210] =	vst v0  }
0xe0: {  	v0 =	vld.idx.msk [tilespmem:v3+s30+$0x0], $0xffff  }
0xe1: {  	v2 =	vld.idx.msk [tilespmem:v60+s4+$0x0], $0xffff;
	_ =	sdelay $0x4  }
0xe2: {  	v0 =	vadd.f32 v2, v0;
	_ =	sdelay $0x1  }
0xe3: {  	[tilespmem:s15+$0x4220] =	vst v0  }
0xe4: {  	v0 =	vld.idx.msk [tilespmem:v3+s3+$0x0], $0xffff  }
0xe5: {  	v2 =	vld.idx.msk [tilespmem:v60+s5+$0x0], $0xffff;
	_ =	sdelay $0x2  }
0xe6: {  	v3 =	vshrl.u32 v1, $0xC  }
0xe7: {  	v1 =	vand.u32 $0xFFF, v1  }
0xe8: {  	v0 =	vadd.f32 v2, v0;
	_ =	sdelay $0x1  }
0xe9: {  	[tilespmem:s15+$0x6220] =	vst v0  }
0xea: {  	v0 =	vld.idx.msk [tilespmem:v3+s30+$0x0], $0xffff  }
0xeb: {  	v2 =	vld.idx.msk [tilespmem:v1+s4+$0x0], $0xffff;
	_ =	sdelay $0x4  }
0xec: {  	v0 =	vadd.f32 v2, v0;
	_ =	sdelay $0x1  }
0xed: {  	[tilespmem:s15+$0x4230] =	vst v0  }
0xee: {  	v0 =	vld.idx.msk [tilespmem:v1+s5+$0x0], $0xffff  }
0xef: {  	v1 =	vld.idx.msk [tilespmem:v3+s3+$0x0], $0xffff;
	_ =	sdelay $0x4  }
0xf0: {  	v0 =	vadd.f32 v0, v1;
	_ =	sdelay $0x1  }
0xf1: {  	s12 =	rddreg [dreg:$0x5];
	[tilespmem:s15+$0x6230] =	vst v0  }
0xf2: {  	[hbm4b:s12+s6] =	stream.strided.scatter [tilespmem:s8], [sflag:$0x1], $0x2000, s7, s6, $0x38;
	[tilespmem:$0x8200] =	vst v63  }
0xf3: {  	_ =	swait.ge [sflag:s2], $0x2000  }
0xf4: {  	[sflag:s2] =	ssyncset.done $0x0  }
0xf5: {  	s13 =	rddreg [dreg:$0x6];
	[sflag:s2] =	ssyncadd.s32 $0xFFFFE000  }
0xf6: {  	[hbm4b:s13+s6] =	stream.strided.scatter [tilespmem:s9], [sflag:$0x1], $0x2000, s7, s6, $0x38;
	[tilespmem:$0x8200] =	vst v63  }
0xf7: {  	_ =	swait.ge [sflag:s2], $0x2000  }
0xf8: {  	[sflag:s2] =	ssyncset.done $0x0  }
0xf9: {  	s15 =	simm.s32 $0x0;
	s12 =	rddreg [dreg:$0x7];
	[sflag:s2] =	ssyncadd.s32 $0xFFFFE000  }
0xfa: {  	[tilespmem:s15], [sflag:$0x1] =	stream.linear.gather [hbm4b:s12+s15], $0x2000, $0x38;
	[tilespmem:$0x8200] =	vst v63  }
0xfb: {  	_ =	swait.ge [sflag:s2], $0x2000  }
0xfc: {  	[sflag:s2] =	ssyncset.done $0x0  }
0xfd: {  	s11 =	simm.s32 $0x0;
	[sflag:s2] =	ssyncadd.s32 $0xFFFFE000  }
0xfe: {  	v0 =	vld [tilespmem:s11+$0x0];
	_ =	sdelay $0x4  }
0xff: {  	v1 =	vshrl.u32 v0, $0xC  }
0x100: {  	v0 =	vand.u32 $0xFFF, v0;
	_ =	sdelay $0x3  }
0x101: {  	v2 =	vld.idx.msk [tilespmem:v1+s30+$0x0], $0xffff  }
0x102: {  	v3 =	vld.idx.msk [tilespmem:v0+s4+$0x0], $0xffff;
	_ =	sdelay $0x4  }
0x103: {  	v2 =	vadd.f32 v3, v2;
	_ =	sdelay $0x1  }
0x104: {  	v61 =	vld [tilespmem:s11+$0x10];
	[tilespmem:s11+$0x4200] =	vst v2  }
0x105: {  	v1 =	vld.idx.msk [tilespmem:v1+s3+$0x0], $0xffff  }
0x106: {  	v0 =	vld.idx.msk [tilespmem:v0+s5+$0x0], $0xffff;
	_ =	sdelay $0x2  }
0x107: {  	v2 =	vshrl.u32 v61, $0xC  }
0x108: {  	v4 =	vand.u32 $0xFFF, v61  }
0x109: {  	v0 =	vadd.f32 v0, v1;
	_ =	sdelay $0x1  }
0x10a: {  	[tilespmem:s11+$0x6200] =	vst v0  }
0x10b: {  	v0 =	vld.idx.msk [tilespmem:v2+s30+$0x0], $0xffff  }
0x10c: {  	v1 =	vld.idx.msk [tilespmem:v4+s4+$0x0], $0xffff;
	_ =	sdelay $0x4  }
0x10d: {  	v0 =	vadd.f32 v1, v0;
	_ =	sdelay $0x1  }
0x10e: {  	v62 =	vld [tilespmem:s11+$0x20];
	[tilespmem:s11+$0x4210] =	vst v0  }
0x10f: {  	v0 =	vld.idx.msk [tilespmem:v2+s3+$0x0], $0xffff  }
0x110: {  	v1 =	vld.idx.msk [tilespmem:v4+s5+$0x0], $0xffff;
	_ =	sdelay $0x2  }
0x111: {  	v2 =	vshrl.u32 v62, $0xC  }
0x112: {  	v63 =	vand.u32 $0xFFF, v62  }
0x113: {  	v0 =	vadd.f32 v1, v0;
	_ =	sdelay $0x1  }
0x114: {  	[tilespmem:s11+$0x6210] =	vst v0  }
0x115: {  	v0 =	vld.idx.msk [tilespmem:v2+s30+$0x0], $0xffff  }
0x116: {  	v1 =	vld.idx.msk [tilespmem:v63+s4+$0x0], $0xffff;
	_ =	sdelay $0x4  }
0x117: {  	v0 =	vadd.f32 v1, v0;
	_ =	sdelay $0x1  }
0x118: {  	v3 =	vld [tilespmem:s11+$0x30];
	[tilespmem:s11+$0x4220] =	vst v0  }
0x119: {  	v2 =	vld.idx.msk [tilespmem:v2+s3+$0x0], $0xffff  }
0x11a: {  	v4 =	vld.idx.msk [tilespmem:v63+s5+$0x0], $0xffff;
	_ =	sdelay $0x2  }
0x11b: {  	v0 =	vshrl.u32 v3, $0xC  }
0x11c: {  	v1 =	vand.u32 $0xFFF, v3  }
0x11d: {  	v2 =	vadd.f32 v4, v2;
	_ =	sdelay $0x1  }
0x11e: {  	[tilespmem:s11+$0x6220] =	vst v2  }
0x11f: {  	v2 =	vld.idx.msk [tilespmem:v0+s30+$0x0], $0xffff  }
0x120: {  	v3 =	vld.idx.msk [tilespmem:v1+s4+$0x0], $0xffff;
	_ =	sdelay $0x4  }
0x121: {  	v3 =	vadd.f32 v3, v2  }
0x122: {  	s15 =	simm.s32 $0x40  }
0x123: {  	s12 =	simm.s32 $0x200;
	v2 =	vld [tilespmem:s15+$0x0];
	[tilespmem:s11+$0x4230] =	vst v3  }
.LBB2_4:
0x124: {  	p1 =	sne.s32 s12, $0x7F00;
	v1 =	vld.idx.msk [tilespmem:v1+s5+$0x0], $0xffff;
	s13 =	smov.u32 s12;
	s12 =	sadd.s32 $0x100, s12  }
0x125: {  	v0 =	vld.idx.msk [tilespmem:v0+s3+$0x0], $0xffff  }
0x126: {  	v3 =	vld [tilespmem:s15+$0x10]  }
0x127: {  	v4 =	vld [tilespmem:s15+$0x20]  }
0x128: {  	v5 =	vld [tilespmem:s15+$0x30]  }
0x129: {  	v6 =	vshrl.u32 v2, $0xC;
	v2 =	vand.u32 $0xFFF, v2;
	_ =	sdelay $0x1  }
0x12a: {  	v0 =	vadd.f32 v1, v0;
	_ =	sdelay $0x1  }
0x12b: {  	[tilespmem:s11+$0x6230] =	vst v0;
	s11 =	smov.u32 s15  }
0x12c: {  	v0 =	vld.idx.msk [tilespmem:v6+s30+$0x0], $0xffff  }
0x12d: {  	v1 =	vld.idx.msk [tilespmem:v2+s4+$0x0], $0xffff;
	_ =	sdelay $0x5  }
0x12e: {  	v0 =	vadd.f32 v1, v0;
	_ =	sdelay $0x1  }
0x12f: {  	[tilespmem:s11+$0x4200] =	vst v0  }
0x130: {  	v0 =	vld.idx.msk [tilespmem:v6+s3+$0x0], $0xffff  }
0x131: {  	v1 =	vld.idx.msk [tilespmem:v2+s5+$0x0], $0xffff;
	_ =	sdelay $0x3  }
0x132: {  	v2 =	vshrl.u32 v3, $0xC  }
0x133: {  	v3 =	vand.u32 $0xFFF, v3  }
0x134: {  	v0 =	vadd.f32 v1, v0;
	_ =	sdelay $0x1  }
0x135: {  	[tilespmem:s11+$0x6200] =	vst v0  }
0x136: {  	v0 =	vld.idx.msk [tilespmem:v2+s30+$0x0], $0xffff  }
0x137: {  	v1 =	vld.idx.msk [tilespmem:v3+s4+$0x0], $0xffff;
	_ =	sdelay $0x5  }
0x138: {  	v0 =	vadd.f32 v1, v0;
	_ =	sdelay $0x1  }
0x139: {  	[tilespmem:s11+$0x4210] =	vst v0  }
0x13a: {  	v0 =	vld.idx.msk [tilespmem:v2+s3+$0x0], $0xffff  }
0x13b: {  	v1 =	vld.idx.msk [tilespmem:v3+s5+$0x0], $0xffff;
	_ =	sdelay $0x3  }
0x13c: {  	v2 =	vshrl.u32 v4, $0xC  }
0x13d: {  	v3 =	vand.u32 $0xFFF, v4  }
0x13e: {  	v0 =	vadd.f32 v1, v0;
	_ =	sdelay $0x1  }
0x13f: {  	[tilespmem:s11+$0x6210] =	vst v0  }
0x140: {  	v0 =	vld.idx.msk [tilespmem:v2+s30+$0x0], $0xffff  }
0x141: {  	v1 =	vld.idx.msk [tilespmem:v3+s4+$0x0], $0xffff;
	_ =	sdelay $0x5  }
0x142: {  	v0 =	vadd.f32 v1, v0;
	_ =	sdelay $0x1  }
0x143: {  	[tilespmem:s11+$0x4220] =	vst v0  }
0x144: {  	v2 =	vld.idx.msk [tilespmem:v2+s3+$0x0], $0xffff  }
0x145: {  	v3 =	vld.idx.msk [tilespmem:v3+s5+$0x0], $0xffff;
	_ =	sdelay $0x3  }
0x146: {  	v0 =	vshrl.u32 v5, $0xC  }
0x147: {  	v1 =	vand.u32 $0xFFF, v5  }
0x148: {  	v2 =	vadd.f32 v3, v2;
	_ =	sdelay $0x1  }
0x149: {  	[tilespmem:s11+$0x6220] =	vst v2  }
0x14a: {  	v2 =	vld.idx.msk [tilespmem:v0+s30+$0x0], $0xffff  }
0x14b: {  	v3 =	vld.idx.msk [tilespmem:v1+s4+$0x0], $0xffff;
	_ =	sdelay $0x3  }
.Ltmp3:
0x14c: {  	(pc) =	sbr.rel @p1 .LBB2_4-.Ltmp3, $4  }
0x14d: {  	_ = 	snop  }
0x14e: {  	v3 =	vadd.f32 v3, v2  }
0x14f: {  	s15 =	sshra.s32 s13, $0x2  }
0x150: {  	v2 =	vld [tilespmem:s15+$0x0];
	[tilespmem:s11+$0x4230] =	vst v3  }
0x151: {  	_ =	sdelay $0x3  }
0x152: {  	v1 =	vld.idx.msk [tilespmem:v1+s5+$0x0], $0xffff  }
0x153: {  	v0 =	vld.idx.msk [tilespmem:v0+s3+$0x0], $0xffff;
	_ =	sdelay $0x2  }
0x154: {  	v3 =	vshrl.u32 v2, $0xC  }
0x155: {  	v2 =	vand.u32 $0xFFF, v2  }
0x156: {  	v4 =	vld [tilespmem:s15+$0x10];
	v0 =	vadd.f32 v1, v0  }
0x157: {  	v5 =	vld [tilespmem:s15+$0x20]  }
0x158: {  	v1 =	vld [tilespmem:s15+$0x30];
	[tilespmem:s11+$0x6230] =	vst v0  }
0x159: {  	v0 =	vld.idx.msk [tilespmem:v3+s30+$0x0], $0xffff  }
0x15a: {  	v6 =	vld.idx.msk [tilespmem:v2+s4+$0x0], $0xffff;
	_ =	sdelay $0x4  }
0x15b: {  	v0 =	vadd.f32 v6, v0;
	_ =	sdelay $0x1  }
0x15c: {  	[tilespmem:s15+$0x4200] =	vst v0  }
0x15d: {  	v0 =	vld.idx.msk [tilespmem:v3+s3+$0x0], $0xffff  }
0x15e: {  	v2 =	vld.idx.msk [tilespmem:v2+s5+$0x0], $0xffff;
	_ =	sdelay $0x2  }
0x15f: {  	v3 =	vshrl.u32 v4, $0xC  }
0x160: {  	v4 =	vand.u32 $0xFFF, v4  }
0x161: {  	v0 =	vadd.f32 v2, v0;
	_ =	sdelay $0x1  }
0x162: {  	[tilespmem:s15+$0x6200] =	vst v0  }
0x163: {  	v0 =	vld.idx.msk [tilespmem:v3+s30+$0x0], $0xffff  }
0x164: {  	v2 =	vld.idx.msk [tilespmem:v4+s4+$0x0], $0xffff;
	_ =	sdelay $0x4  }
0x165: {  	v0 =	vadd.f32 v2, v0;
	_ =	sdelay $0x1  }
0x166: {  	[tilespmem:s15+$0x4210] =	vst v0  }
0x167: {  	v0 =	vld.idx.msk [tilespmem:v3+s3+$0x0], $0xffff  }
0x168: {  	v2 =	vld.idx.msk [tilespmem:v4+s5+$0x0], $0xffff;
	_ =	sdelay $0x2  }
0x169: {  	v3 =	vshrl.u32 v5, $0xC  }
0x16a: {  	v60 =	vand.u32 $0xFFF, v5  }
0x16b: {  	v0 =	vadd.f32 v2, v0;
	_ =	sdelay $0x1  }
0x16c: {  	[tilespmem:s15+$0x6210] =	vst v0  }
0x16d: {  	v0 =	vld.idx.msk [tilespmem:v3+s30+$0x0], $0xffff  }
0x16e: {  	v2 =	vld.idx.msk [tilespmem:v60+s4+$0x0], $0xffff;
	_ =	sdelay $0x4  }
0x16f: {  	v0 =	vadd.f32 v2, v0;
	_ =	sdelay $0x1  }
0x170: {  	[tilespmem:s15+$0x4220] =	vst v0  }
0x171: {  	v0 =	vld.idx.msk [tilespmem:v3+s3+$0x0], $0xffff  }
0x172: {  	v2 =	vld.idx.msk [tilespmem:v60+s5+$0x0], $0xffff;
	_ =	sdelay $0x2  }
0x173: {  	v3 =	vshrl.u32 v1, $0xC  }
0x174: {  	v1 =	vand.u32 $0xFFF, v1  }
0x175: {  	v0 =	vadd.f32 v2, v0;
	_ =	sdelay $0x1  }
0x176: {  	[tilespmem:s15+$0x6220] =	vst v0  }
0x177: {  	v0 =	vld.idx.msk [tilespmem:v3+s30+$0x0], $0xffff  }
0x178: {  	v2 =	vld.idx.msk [tilespmem:v1+s4+$0x0], $0xffff;
	_ =	sdelay $0x4  }
0x179: {  	v0 =	vadd.f32 v2, v0;
	_ =	sdelay $0x1  }
0x17a: {  	[tilespmem:s15+$0x4230] =	vst v0  }
0x17b: {  	v0 =	vld.idx.msk [tilespmem:v1+s5+$0x0], $0xffff  }
0x17c: {  	v1 =	vld.idx.msk [tilespmem:v3+s3+$0x0], $0xffff;
	_ =	sdelay $0x4  }
0x17d: {  	v0 =	vadd.f32 v0, v1;
	_ =	sdelay $0x1  }
0x17e: {  	s12 =	rddreg [dreg:$0x8];
	[tilespmem:s15+$0x6230] =	vst v0  }
0x17f: {  	[hbm4b:s12+s6] =	stream.strided.scatter [tilespmem:s8], [sflag:$0x1], $0x2000, s7, s6, $0x38;
	[tilespmem:$0x8200] =	vst v63  }
0x180: {  	_ =	swait.ge [sflag:s2], $0x2000  }
0x181: {  	[sflag:s2] =	ssyncset.done $0x0  }
0x182: {  	s13 =	rddreg [dreg:$0x9];
	[sflag:s2] =	ssyncadd.s32 $0xFFFFE000  }
0x183: {  	[hbm4b:s13+s6] =	stream.strided.scatter [tilespmem:s9], [sflag:$0x1], $0x2000, s7, s6, $0x38;
	[tilespmem:$0x8200] =	vst v63  }
0x184: {  	_ =	swait.ge [sflag:s2], $0x2000  }
0x185: {  	[sflag:s2] =	ssyncset.done $0x0  }
0x186: {  	s15 =	simm.s32 $0x0;
	s12 =	rddreg [dreg:$0xa];
	[sflag:s2] =	ssyncadd.s32 $0xFFFFE000  }
0x187: {  	[tilespmem:s15], [sflag:$0x1] =	stream.linear.gather [hbm4b:s12+s15], $0x2000, $0x38;
	[tilespmem:$0x8200] =	vst v63  }
0x188: {  	_ =	swait.ge [sflag:s2], $0x2000  }
0x189: {  	[sflag:s2] =	ssyncset.done $0x0  }
0x18a: {  	s11 =	simm.s32 $0x0;
	[sflag:s2] =	ssyncadd.s32 $0xFFFFE000  }
0x18b: {  	v0 =	vld [tilespmem:s11+$0x0];
	_ =	sdelay $0x4  }
0x18c: {  	v1 =	vshrl.u32 v0, $0xC  }
0x18d: {  	v0 =	vand.u32 $0xFFF, v0;
	_ =	sdelay $0x3  }
0x18e: {  	v2 =	vld.idx.msk [tilespmem:v1+s30+$0x0], $0xffff  }
0x18f: {  	v3 =	vld.idx.msk [tilespmem:v0+s4+$0x0], $0xffff;
	_ =	sdelay $0x4  }
0x190: {  	v2 =	vadd.f32 v3, v2;
	_ =	sdelay $0x1  }
0x191: {  	v61 =	vld [tilespmem:s11+$0x10];
	[tilespmem:s11+$0x4200] =	vst v2  }
0x192: {  	v1 =	vld.idx.msk [tilespmem:v1+s3+$0x0], $0xffff  }
0x193: {  	v0 =	vld.idx.msk [tilespmem:v0+s5+$0x0], $0xffff;
	_ =	sdelay $0x2  }
0x194: {  	v2 =	vshrl.u32 v61, $0xC  }
0x195: {  	v4 =	vand.u32 $0xFFF, v61  }
0x196: {  	v0 =	vadd.f32 v0, v1;
	_ =	sdelay $0x1  }
0x197: {  	[tilespmem:s11+$0x6200] =	vst v0  }
0x198: {  	v0 =	vld.idx.msk [tilespmem:v2+s30+$0x0], $0xffff  }
0x199: {  	v1 =	vld.idx.msk [tilespmem:v4+s4+$0x0], $0xffff;
	_ =	sdelay $0x4  }
0x19a: {  	v0 =	vadd.f32 v1, v0;
	_ =	sdelay $0x1  }
0x19b: {  	v62 =	vld [tilespmem:s11+$0x20];
	[tilespmem:s11+$0x4210] =	vst v0  }
0x19c: {  	v0 =	vld.idx.msk [tilespmem:v2+s3+$0x0], $0xffff  }
0x19d: {  	v1 =	vld.idx.msk [tilespmem:v4+s5+$0x0], $0xffff;
	_ =	sdelay $0x2  }
0x19e: {  	v2 =	vshrl.u32 v62, $0xC  }
0x19f: {  	v63 =	vand.u32 $0xFFF, v62  }
0x1a0: {  	v0 =	vadd.f32 v1, v0;
	_ =	sdelay $0x1  }
0x1a1: {  	[tilespmem:s11+$0x6210] =	vst v0  }
0x1a2: {  	v0 =	vld.idx.msk [tilespmem:v2+s30+$0x0], $0xffff  }
0x1a3: {  	v1 =	vld.idx.msk [tilespmem:v63+s4+$0x0], $0xffff;
	_ =	sdelay $0x4  }
0x1a4: {  	v0 =	vadd.f32 v1, v0;
	_ =	sdelay $0x1  }
0x1a5: {  	v3 =	vld [tilespmem:s11+$0x30];
	[tilespmem:s11+$0x4220] =	vst v0  }
0x1a6: {  	v2 =	vld.idx.msk [tilespmem:v2+s3+$0x0], $0xffff  }
0x1a7: {  	v4 =	vld.idx.msk [tilespmem:v63+s5+$0x0], $0xffff;
	_ =	sdelay $0x2  }
0x1a8: {  	v0 =	vshrl.u32 v3, $0xC  }
0x1a9: {  	v1 =	vand.u32 $0xFFF, v3  }
0x1aa: {  	v2 =	vadd.f32 v4, v2;
	_ =	sdelay $0x1  }
0x1ab: {  	[tilespmem:s11+$0x6220] =	vst v2  }
0x1ac: {  	v2 =	vld.idx.msk [tilespmem:v0+s30+$0x0], $0xffff  }
0x1ad: {  	v3 =	vld.idx.msk [tilespmem:v1+s4+$0x0], $0xffff;
	_ =	sdelay $0x4  }
0x1ae: {  	v3 =	vadd.f32 v3, v2  }
0x1af: {  	s15 =	simm.s32 $0x40  }
0x1b0: {  	s12 =	simm.s32 $0x200;
	v2 =	vld [tilespmem:s15+$0x0];
	[tilespmem:s11+$0x4230] =	vst v3  }
.LBB2_6:
0x1b1: {  	p1 =	sne.s32 s12, $0x7F00;
	v1 =	vld.idx.msk [tilespmem:v1+s5+$0x0], $0xffff;
	s13 =	smov.u32 s12;
	s12 =	sadd.s32 $0x100, s12  }
0x1b2: {  	v0 =	vld.idx.msk [tilespmem:v0+s3+$0x0], $0xffff  }
0x1b3: {  	v3 =	vld [tilespmem:s15+$0x10]  }
0x1b4: {  	v4 =	vld [tilespmem:s15+$0x20]  }
0x1b5: {  	v5 =	vld [tilespmem:s15+$0x30]  }
0x1b6: {  	v6 =	vshrl.u32 v2, $0xC;
	v2 =	vand.u32 $0xFFF, v2;
	_ =	sdelay $0x1  }
0x1b7: {  	v0 =	vadd.f32 v1, v0;
	_ =	sdelay $0x1  }
0x1b8: {  	[tilespmem:s11+$0x6230] =	vst v0;
	s11 =	smov.u32 s15  }
0x1b9: {  	v0 =	vld.idx.msk [tilespmem:v6+s30+$0x0], $0xffff  }
0x1ba: {  	v1 =	vld.idx.msk [tilespmem:v2+s4+$0x0], $0xffff;
	_ =	sdelay $0x5  }
0x1bb: {  	v0 =	vadd.f32 v1, v0;
	_ =	sdelay $0x1  }
0x1bc: {  	[tilespmem:s11+$0x4200] =	vst v0  }
0x1bd: {  	v0 =	vld.idx.msk [tilespmem:v6+s3+$0x0], $0xffff  }
0x1be: {  	v1 =	vld.idx.msk [tilespmem:v2+s5+$0x0], $0xffff;
	_ =	sdelay $0x3  }
0x1bf: {  	v2 =	vshrl.u32 v3, $0xC  }
0x1c0: {  	v3 =	vand.u32 $0xFFF, v3  }
0x1c1: {  	v0 =	vadd.f32 v1, v0;
	_ =	sdelay $0x1  }
0x1c2: {  	[tilespmem:s11+$0x6200] =	vst v0  }
0x1c3: {  	v0 =	vld.idx.msk [tilespmem:v2+s30+$0x0], $0xffff  }
0x1c4: {  	v1 =	vld.idx.msk [tilespmem:v3+s4+$0x0], $0xffff;
	_ =	sdelay $0x5  }
0x1c5: {  	v0 =	vadd.f32 v1, v0;
	_ =	sdelay $0x1  }
0x1c6: {  	[tilespmem:s11+$0x4210] =	vst v0  }
0x1c7: {  	v0 =	vld.idx.msk [tilespmem:v2+s3+$0x0], $0xffff  }
0x1c8: {  	v1 =	vld.idx.msk [tilespmem:v3+s5+$0x0], $0xffff;
	_ =	sdelay $0x3  }
0x1c9: {  	v2 =	vshrl.u32 v4, $0xC  }
0x1ca: {  	v3 =	vand.u32 $0xFFF, v4  }
0x1cb: {  	v0 =	vadd.f32 v1, v0;
	_ =	sdelay $0x1  }
0x1cc: {  	[tilespmem:s11+$0x6210] =	vst v0  }
0x1cd: {  	v0 =	vld.idx.msk [tilespmem:v2+s30+$0x0], $0xffff  }
0x1ce: {  	v1 =	vld.idx.msk [tilespmem:v3+s4+$0x0], $0xffff;
	_ =	sdelay $0x5  }
0x1cf: {  	v0 =	vadd.f32 v1, v0;
	_ =	sdelay $0x1  }
0x1d0: {  	[tilespmem:s11+$0x4220] =	vst v0  }
0x1d1: {  	v2 =	vld.idx.msk [tilespmem:v2+s3+$0x0], $0xffff  }
0x1d2: {  	v3 =	vld.idx.msk [tilespmem:v3+s5+$0x0], $0xffff;
	_ =	sdelay $0x3  }
0x1d3: {  	v0 =	vshrl.u32 v5, $0xC  }
0x1d4: {  	v1 =	vand.u32 $0xFFF, v5  }
0x1d5: {  	v2 =	vadd.f32 v3, v2;
	_ =	sdelay $0x1  }
0x1d6: {  	[tilespmem:s11+$0x6220] =	vst v2  }
0x1d7: {  	v2 =	vld.idx.msk [tilespmem:v0+s30+$0x0], $0xffff  }
0x1d8: {  	v3 =	vld.idx.msk [tilespmem:v1+s4+$0x0], $0xffff;
	_ =	sdelay $0x3  }
.Ltmp4:
0x1d9: {  	(pc) =	sbr.rel @p1 .LBB2_6-.Ltmp4, $4  }
0x1da: {  	_ = 	snop  }
0x1db: {  	v3 =	vadd.f32 v3, v2  }
0x1dc: {  	s15 =	sshra.s32 s13, $0x2  }
0x1dd: {  	v2 =	vld [tilespmem:s15+$0x0];
	[tilespmem:s11+$0x4230] =	vst v3  }
0x1de: {  	_ =	sdelay $0x3  }
0x1df: {  	v1 =	vld.idx.msk [tilespmem:v1+s5+$0x0], $0xffff  }
0x1e0: {  	v0 =	vld.idx.msk [tilespmem:v0+s3+$0x0], $0xffff;
	_ =	sdelay $0x2  }
0x1e1: {  	v3 =	vshrl.u32 v2, $0xC  }
0x1e2: {  	v2 =	vand.u32 $0xFFF, v2  }
0x1e3: {  	v4 =	vld [tilespmem:s15+$0x10];
	v0 =	vadd.f32 v1, v0  }
0x1e4: {  	v5 =	vld [tilespmem:s15+$0x20]  }
0x1e5: {  	v1 =	vld [tilespmem:s15+$0x30];
	[tilespmem:s11+$0x6230] =	vst v0  }
0x1e6: {  	v0 =	vld.idx.msk [tilespmem:v3+s30+$0x0], $0xffff  }
0x1e7: {  	v6 =	vld.idx.msk [tilespmem:v2+s4+$0x0], $0xffff;
	_ =	sdelay $0x4  }
0x1e8: {  	v0 =	vadd.f32 v6, v0;
	_ =	sdelay $0x1  }
0x1e9: {  	[tilespmem:s15+$0x4200] =	vst v0  }
0x1ea: {  	v0 =	vld.idx.msk [tilespmem:v3+s3+$0x0], $0xffff  }
0x1eb: {  	v2 =	vld.idx.msk [tilespmem:v2+s5+$0x0], $0xffff;
	_ =	sdelay $0x2  }
0x1ec: {  	v3 =	vshrl.u32 v4, $0xC  }
0x1ed: {  	v4 =	vand.u32 $0xFFF, v4  }
0x1ee: {  	v0 =	vadd.f32 v2, v0;
	_ =	sdelay $0x1  }
0x1ef: {  	[tilespmem:s15+$0x6200] =	vst v0  }
0x1f0: {  	v0 =	vld.idx.msk [tilespmem:v3+s30+$0x0], $0xffff  }
0x1f1: {  	v2 =	vld.idx.msk [tilespmem:v4+s4+$0x0], $0xffff;
	_ =	sdelay $0x4  }
0x1f2: {  	v0 =	vadd.f32 v2, v0;
	_ =	sdelay $0x1  }
0x1f3: {  	[tilespmem:s15+$0x4210] =	vst v0  }
0x1f4: {  	v0 =	vld.idx.msk [tilespmem:v3+s3+$0x0], $0xffff  }
0x1f5: {  	v2 =	vld.idx.msk [tilespmem:v4+s5+$0x0], $0xffff;
	_ =	sdelay $0x2  }
0x1f6: {  	v3 =	vshrl.u32 v5, $0xC  }
0x1f7: {  	v60 =	vand.u32 $0xFFF, v5  }
0x1f8: {  	v0 =	vadd.f32 v2, v0;
	_ =	sdelay $0x1  }
0x1f9: {  	[tilespmem:s15+$0x6210] =	vst v0  }
0x1fa: {  	v0 =	vld.idx.msk [tilespmem:v3+s30+$0x0], $0xffff  }
0x1fb: {  	v2 =	vld.idx.msk [tilespmem:v60+s4+$0x0], $0xffff;
	_ =	sdelay $0x4  }
0x1fc: {  	v0 =	vadd.f32 v2, v0;
	_ =	sdelay $0x1  }
0x1fd: {  	[tilespmem:s15+$0x4220] =	vst v0  }
0x1fe: {  	v0 =	vld.idx.msk [tilespmem:v3+s3+$0x0], $0xffff  }
0x1ff: {  	v2 =	vld.idx.msk [tilespmem:v60+s5+$0x0], $0xffff;
	_ =	sdelay $0x2  }
0x200: {  	v3 =	vshrl.u32 v1, $0xC  }
0x201: {  	v1 =	vand.u32 $0xFFF, v1  }
0x202: {  	v0 =	vadd.f32 v2, v0;
	_ =	sdelay $0x1  }
0x203: {  	[tilespmem:s15+$0x6220] =	vst v0  }
0x204: {  	v0 =	vld.idx.msk [tilespmem:v3+s30+$0x0], $0xffff  }
0x205: {  	v2 =	vld.idx.msk [tilespmem:v1+s4+$0x0], $0xffff;
	_ =	sdelay $0x4  }
0x206: {  	v0 =	vadd.f32 v2, v0;
	_ =	sdelay $0x1  }
0x207: {  	[tilespmem:s15+$0x4230] =	vst v0  }
0x208: {  	v0 =	vld.idx.msk [tilespmem:v1+s5+$0x0], $0xffff  }
0x209: {  	v1 =	vld.idx.msk [tilespmem:v3+s3+$0x0], $0xffff;
	_ =	sdelay $0x4  }
0x20a: {  	v0 =	vadd.f32 v0, v1;
	_ =	sdelay $0x1  }
0x20b: {  	s13 =	rddreg [dreg:$0x11];
	[tilespmem:s15+$0x6230] =	vst v0  }
0x20c: {  	[hbm4b:s13+s6] =	stream.strided.scatter [tilespmem:s8], [sflag:$0x1], $0x2000, s7, s6, $0x38;
	[tilespmem:$0x8200] =	vst v63  }
0x20d: {  	_ =	swait.ge [sflag:s2], $0x2000  }
0x20e: {  	[sflag:s2] =	ssyncset.done $0x0  }
0x20f: {  	[sflag:s2] =	ssyncadd.s32 $0xFFFFE000  }
0x210: {  	[hbm4b:s16+s6] =	stream.strided.scatter [tilespmem:s9], [sflag:$0x1], $0x2000, s7, s6, $0x38;
	[tilespmem:$0x8200] =	vst v63  }
0x211: {  	_ =	swait.ge [sflag:s2], $0x2000  }
0x212: {  	[sflag:s2] =	ssyncset.done $0x0  }
0x213: {  	s15 =	simm.s32 $0x0;
	s12 =	rddreg [dreg:$0xb];
	[sflag:s2] =	ssyncadd.s32 $0xFFFFE000  }
0x214: {  	[tilespmem:s15], [sflag:$0x1] =	stream.linear.gather [hbm4b:s12+s15], $0x2000, $0x38;
	[tilespmem:$0x8200] =	vst v63  }
0x215: {  	_ =	swait.ge [sflag:s2], $0x2000  }
0x216: {  	[sflag:s2] =	ssyncset.done $0x0  }
0x217: {  	s11 =	simm.s32 $0x0;
	[sflag:s2] =	ssyncadd.s32 $0xFFFFE000  }
0x218: {  	v0 =	vld [tilespmem:s11+$0x0];
	_ =	sdelay $0x4  }
0x219: {  	v1 =	vshrl.u32 v0, $0xC  }
0x21a: {  	v0 =	vand.u32 $0xFFF, v0;
	_ =	sdelay $0x3  }
0x21b: {  	v2 =	vld.idx.msk [tilespmem:v1+s30+$0x0], $0xffff  }
0x21c: {  	v3 =	vld.idx.msk [tilespmem:v0+s4+$0x0], $0xffff;
	_ =	sdelay $0x4  }
0x21d: {  	v2 =	vadd.f32 v3, v2;
	_ =	sdelay $0x1  }
0x21e: {  	v61 =	vld [tilespmem:s11+$0x10];
	[tilespmem:s11+$0x4200] =	vst v2  }
0x21f: {  	v1 =	vld.idx.msk [tilespmem:v1+s3+$0x0], $0xffff  }
0x220: {  	v0 =	vld.idx.msk [tilespmem:v0+s5+$0x0], $0xffff;
	_ =	sdelay $0x2  }
0x221: {  	v2 =	vshrl.u32 v61, $0xC  }
0x222: {  	v4 =	vand.u32 $0xFFF, v61  }
0x223: {  	v0 =	vadd.f32 v0, v1;
	_ =	sdelay $0x1  }
0x224: {  	[tilespmem:s11+$0x6200] =	vst v0  }
0x225: {  	v0 =	vld.idx.msk [tilespmem:v2+s30+$0x0], $0xffff  }
0x226: {  	v1 =	vld.idx.msk [tilespmem:v4+s4+$0x0], $0xffff;
	_ =	sdelay $0x4  }
0x227: {  	v0 =	vadd.f32 v1, v0;
	_ =	sdelay $0x1  }
0x228: {  	v62 =	vld [tilespmem:s11+$0x20];
	[tilespmem:s11+$0x4210] =	vst v0  }
0x229: {  	v0 =	vld.idx.msk [tilespmem:v2+s3+$0x0], $0xffff  }
0x22a: {  	v1 =	vld.idx.msk [tilespmem:v4+s5+$0x0], $0xffff;
	_ =	sdelay $0x2  }
0x22b: {  	v2 =	vshrl.u32 v62, $0xC  }
0x22c: {  	v63 =	vand.u32 $0xFFF, v62  }
0x22d: {  	v0 =	vadd.f32 v1, v0;
	_ =	sdelay $0x1  }
0x22e: {  	[tilespmem:s11+$0x6210] =	vst v0  }
0x22f: {  	v0 =	vld.idx.msk [tilespmem:v2+s30+$0x0], $0xffff  }
0x230: {  	v1 =	vld.idx.msk [tilespmem:v63+s4+$0x0], $0xffff;
	_ =	sdelay $0x4  }
0x231: {  	v0 =	vadd.f32 v1, v0;
	_ =	sdelay $0x1  }
0x232: {  	v3 =	vld [tilespmem:s11+$0x30];
	[tilespmem:s11+$0x4220] =	vst v0  }
0x233: {  	v2 =	vld.idx.msk [tilespmem:v2+s3+$0x0], $0xffff  }
0x234: {  	v4 =	vld.idx.msk [tilespmem:v63+s5+$0x0], $0xffff;
	_ =	sdelay $0x2  }
0x235: {  	v0 =	vshrl.u32 v3, $0xC  }
0x236: {  	v1 =	vand.u32 $0xFFF, v3  }
0x237: {  	v2 =	vadd.f32 v4, v2;
	_ =	sdelay $0x1  }
0x238: {  	[tilespmem:s11+$0x6220] =	vst v2  }
0x239: {  	v2 =	vld.idx.msk [tilespmem:v0+s30+$0x0], $0xffff  }
0x23a: {  	v3 =	vld.idx.msk [tilespmem:v1+s4+$0x0], $0xffff;
	_ =	sdelay $0x4  }
0x23b: {  	v3 =	vadd.f32 v3, v2  }
0x23c: {  	s15 =	simm.s32 $0x40  }
0x23d: {  	s12 =	simm.s32 $0x200;
	v2 =	vld [tilespmem:s15+$0x0];
	[tilespmem:s11+$0x4230] =	vst v3  }
.LBB2_8:
0x23e: {  	p1 =	sne.s32 s12, $0x7F00;
	v1 =	vld.idx.msk [tilespmem:v1+s5+$0x0], $0xffff;
	s13 =	smov.u32 s12;
	s12 =	sadd.s32 $0x100, s12  }
0x23f: {  	v0 =	vld.idx.msk [tilespmem:v0+s3+$0x0], $0xffff  }
0x240: {  	v3 =	vld [tilespmem:s15+$0x10]  }
0x241: {  	v4 =	vld [tilespmem:s15+$0x20]  }
0x242: {  	v5 =	vld [tilespmem:s15+$0x30]  }
0x243: {  	v6 =	vshrl.u32 v2, $0xC;
	v2 =	vand.u32 $0xFFF, v2;
	_ =	sdelay $0x1  }
0x244: {  	v0 =	vadd.f32 v1, v0;
	_ =	sdelay $0x1  }
0x245: {  	[tilespmem:s11+$0x6230] =	vst v0;
	s11 =	smov.u32 s15  }
0x246: {  	v0 =	vld.idx.msk [tilespmem:v6+s30+$0x0], $0xffff  }
0x247: {  	v1 =	vld.idx.msk [tilespmem:v2+s4+$0x0], $0xffff;
	_ =	sdelay $0x5  }
0x248: {  	v0 =	vadd.f32 v1, v0;
	_ =	sdelay $0x1  }
0x249: {  	[tilespmem:s11+$0x4200] =	vst v0  }
0x24a: {  	v0 =	vld.idx.msk [tilespmem:v6+s3+$0x0], $0xffff  }
0x24b: {  	v1 =	vld.idx.msk [tilespmem:v2+s5+$0x0], $0xffff;
	_ =	sdelay $0x3  }
0x24c: {  	v2 =	vshrl.u32 v3, $0xC  }
0x24d: {  	v3 =	vand.u32 $0xFFF, v3  }
0x24e: {  	v0 =	vadd.f32 v1, v0;
	_ =	sdelay $0x1  }
0x24f: {  	[tilespmem:s11+$0x6200] =	vst v0  }
0x250: {  	v0 =	vld.idx.msk [tilespmem:v2+s30+$0x0], $0xffff  }
0x251: {  	v1 =	vld.idx.msk [tilespmem:v3+s4+$0x0], $0xffff;
	_ =	sdelay $0x5  }
0x252: {  	v0 =	vadd.f32 v1, v0;
	_ =	sdelay $0x1  }
0x253: {  	[tilespmem:s11+$0x4210] =	vst v0  }
0x254: {  	v0 =	vld.idx.msk [tilespmem:v2+s3+$0x0], $0xffff  }
0x255: {  	v1 =	vld.idx.msk [tilespmem:v3+s5+$0x0], $0xffff;
	_ =	sdelay $0x3  }
0x256: {  	v2 =	vshrl.u32 v4, $0xC  }
0x257: {  	v3 =	vand.u32 $0xFFF, v4  }
0x258: {  	v0 =	vadd.f32 v1, v0;
	_ =	sdelay $0x1  }
0x259: {  	[tilespmem:s11+$0x6210] =	vst v0  }
0x25a: {  	v0 =	vld.idx.msk [tilespmem:v2+s30+$0x0], $0xffff  }
0x25b: {  	v1 =	vld.idx.msk [tilespmem:v3+s4+$0x0], $0xffff;
	_ =	sdelay $0x5  }
0x25c: {  	v0 =	vadd.f32 v1, v0;
	_ =	sdelay $0x1  }
0x25d: {  	[tilespmem:s11+$0x4220] =	vst v0  }
0x25e: {  	v2 =	vld.idx.msk [tilespmem:v2+s3+$0x0], $0xffff  }
0x25f: {  	v3 =	vld.idx.msk [tilespmem:v3+s5+$0x0], $0xffff;
	_ =	sdelay $0x3  }
0x260: {  	v0 =	vshrl.u32 v5, $0xC  }
0x261: {  	v1 =	vand.u32 $0xFFF, v5  }
0x262: {  	v2 =	vadd.f32 v3, v2;
	_ =	sdelay $0x1  }
0x263: {  	[tilespmem:s11+$0x6220] =	vst v2  }
0x264: {  	v2 =	vld.idx.msk [tilespmem:v0+s30+$0x0], $0xffff  }
0x265: {  	v3 =	vld.idx.msk [tilespmem:v1+s4+$0x0], $0xffff;
	_ =	sdelay $0x3  }
.Ltmp5:
0x266: {  	(pc) =	sbr.rel @p1 .LBB2_8-.Ltmp5, $4  }
0x267: {  	_ = 	snop  }
0x268: {  	v3 =	vadd.f32 v3, v2  }
0x269: {  	s15 =	sshra.s32 s13, $0x2  }
0x26a: {  	v2 =	vld [tilespmem:s15+$0x0];
	[tilespmem:s11+$0x4230] =	vst v3  }
0x26b: {  	_ =	sdelay $0x3  }
0x26c: {  	v1 =	vld.idx.msk [tilespmem:v1+s5+$0x0], $0xffff  }
0x26d: {  	v0 =	vld.idx.msk [tilespmem:v0+s3+$0x0], $0xffff;
	_ =	sdelay $0x2  }
0x26e: {  	v3 =	vshrl.u32 v2, $0xC  }
0x26f: {  	v2 =	vand.u32 $0xFFF, v2  }
0x270: {  	v4 =	vld [tilespmem:s15+$0x10];
	v0 =	vadd.f32 v1, v0  }
0x271: {  	v5 =	vld [tilespmem:s15+$0x20]  }
0x272: {  	v1 =	vld [tilespmem:s15+$0x30];
	[tilespmem:s11+$0x6230] =	vst v0  }
0x273: {  	v0 =	vld.idx.msk [tilespmem:v3+s30+$0x0], $0xffff  }
0x274: {  	v6 =	vld.idx.msk [tilespmem:v2+s4+$0x0], $0xffff;
	_ =	sdelay $0x4  }
0x275: {  	v0 =	vadd.f32 v6, v0;
	_ =	sdelay $0x1  }
0x276: {  	[tilespmem:s15+$0x4200] =	vst v0  }
0x277: {  	v0 =	vld.idx.msk [tilespmem:v3+s3+$0x0], $0xffff  }
0x278: {  	v2 =	vld.idx.msk [tilespmem:v2+s5+$0x0], $0xffff;
	_ =	sdelay $0x2  }
0x279: {  	v3 =	vshrl.u32 v4, $0xC  }
0x27a: {  	v4 =	vand.u32 $0xFFF, v4  }
0x27b: {  	v0 =	vadd.f32 v2, v0;
	_ =	sdelay $0x1  }
0x27c: {  	[tilespmem:s15+$0x6200] =	vst v0  }
0x27d: {  	v0 =	vld.idx.msk [tilespmem:v3+s30+$0x0], $0xffff  }
0x27e: {  	v2 =	vld.idx.msk [tilespmem:v4+s4+$0x0], $0xffff;
	_ =	sdelay $0x4  }
0x27f: {  	v0 =	vadd.f32 v2, v0;
	_ =	sdelay $0x1  }
0x280: {  	[tilespmem:s15+$0x4210] =	vst v0  }
0x281: {  	v0 =	vld.idx.msk [tilespmem:v3+s3+$0x0], $0xffff  }
0x282: {  	v2 =	vld.idx.msk [tilespmem:v4+s5+$0x0], $0xffff;
	_ =	sdelay $0x2  }
0x283: {  	v3 =	vshrl.u32 v5, $0xC  }
0x284: {  	v60 =	vand.u32 $0xFFF, v5  }
0x285: {  	v0 =	vadd.f32 v2, v0;
	_ =	sdelay $0x1  }
0x286: {  	[tilespmem:s15+$0x6210] =	vst v0  }
0x287: {  	v0 =	vld.idx.msk [tilespmem:v3+s30+$0x0], $0xffff  }
0x288: {  	v2 =	vld.idx.msk [tilespmem:v60+s4+$0x0], $0xffff;
	_ =	sdelay $0x4  }
0x289: {  	v0 =	vadd.f32 v2, v0;
	_ =	sdelay $0x1  }
0x28a: {  	[tilespmem:s15+$0x4220] =	vst v0  }
0x28b: {  	v0 =	vld.idx.msk [tilespmem:v3+s3+$0x0], $0xffff  }
0x28c: {  	v2 =	vld.idx.msk [tilespmem:v60+s5+$0x0], $0xffff;
	_ =	sdelay $0x2  }
0x28d: {  	v3 =	vshrl.u32 v1, $0xC  }
0x28e: {  	v1 =	vand.u32 $0xFFF, v1  }
0x28f: {  	v0 =	vadd.f32 v2, v0;
	_ =	sdelay $0x1  }
0x290: {  	[tilespmem:s15+$0x6220] =	vst v0  }
0x291: {  	v0 =	vld.idx.msk [tilespmem:v3+s30+$0x0], $0xffff  }
0x292: {  	v2 =	vld.idx.msk [tilespmem:v1+s4+$0x0], $0xffff;
	_ =	sdelay $0x4  }
0x293: {  	v0 =	vadd.f32 v2, v0;
	_ =	sdelay $0x1  }
0x294: {  	[tilespmem:s15+$0x4230] =	vst v0  }
0x295: {  	v0 =	vld.idx.msk [tilespmem:v1+s5+$0x0], $0xffff  }
0x296: {  	v1 =	vld.idx.msk [tilespmem:v3+s3+$0x0], $0xffff;
	_ =	sdelay $0x4  }
0x297: {  	v0 =	vadd.f32 v0, v1;
	_ =	sdelay $0x1  }
0x298: {  	[tilespmem:s15+$0x6230] =	vst v0  }
0x299: {  	[hbm4b:s17+s6] =	stream.strided.scatter [tilespmem:s8], [sflag:$0x1], $0x2000, s7, s6, $0x38;
	[tilespmem:$0x8200] =	vst v63  }
0x29a: {  	_ =	swait.ge [sflag:s2], $0x2000  }
0x29b: {  	[sflag:s2] =	ssyncset.done $0x0  }
0x29c: {  	[sflag:s2] =	ssyncadd.s32 $0xFFFFE000  }
0x29d: {  	[hbm4b:s18+s6] =	stream.strided.scatter [tilespmem:s9], [sflag:$0x1], $0x2000, s7, s6, $0x38;
	[tilespmem:$0x8200] =	vst v63  }
0x29e: {  	_ =	swait.ge [sflag:s2], $0x2000  }
0x29f: {  	[sflag:s2] =	ssyncset.done $0x0  }
0x2a0: {  	s15 =	simm.s32 $0x0;
	s12 =	rddreg [dreg:$0xc];
	[sflag:s2] =	ssyncadd.s32 $0xFFFFE000  }
0x2a1: {  	[tilespmem:s15], [sflag:$0x1] =	stream.linear.gather [hbm4b:s12+s15], $0x2000, $0x38;
	[tilespmem:$0x8200] =	vst v63  }
0x2a2: {  	_ =	swait.ge [sflag:s2], $0x2000  }
0x2a3: {  	[sflag:s2] =	ssyncset.done $0x0  }
0x2a4: {  	s11 =	simm.s32 $0x0;
	[sflag:s2] =	ssyncadd.s32 $0xFFFFE000  }
0x2a5: {  	v0 =	vld [tilespmem:s11+$0x0];
	_ =	sdelay $0x4  }
0x2a6: {  	v1 =	vshrl.u32 v0, $0xC  }
0x2a7: {  	v0 =	vand.u32 $0xFFF, v0;
	_ =	sdelay $0x3  }
0x2a8: {  	v2 =	vld.idx.msk [tilespmem:v1+s30+$0x0], $0xffff  }
0x2a9: {  	v3 =	vld.idx.msk [tilespmem:v0+s4+$0x0], $0xffff;
	_ =	sdelay $0x4  }
0x2aa: {  	v2 =	vadd.f32 v3, v2;
	_ =	sdelay $0x1  }
0x2ab: {  	v61 =	vld [tilespmem:s11+$0x10];
	[tilespmem:s11+$0x4200] =	vst v2  }
0x2ac: {  	v1 =	vld.idx.msk [tilespmem:v1+s3+$0x0], $0xffff  }
0x2ad: {  	v0 =	vld.idx.msk [tilespmem:v0+s5+$0x0], $0xffff;
	_ =	sdelay $0x2  }
0x2ae: {  	v2 =	vshrl.u32 v61, $0xC  }
0x2af: {  	v4 =	vand.u32 $0xFFF, v61  }
0x2b0: {  	v0 =	vadd.f32 v0, v1;
	_ =	sdelay $0x1  }
0x2b1: {  	[tilespmem:s11+$0x6200] =	vst v0  }
0x2b2: {  	v0 =	vld.idx.msk [tilespmem:v2+s30+$0x0], $0xffff  }
0x2b3: {  	v1 =	vld.idx.msk [tilespmem:v4+s4+$0x0], $0xffff;
	_ =	sdelay $0x4  }
0x2b4: {  	v0 =	vadd.f32 v1, v0;
	_ =	sdelay $0x1  }
0x2b5: {  	v62 =	vld [tilespmem:s11+$0x20];
	[tilespmem:s11+$0x4210] =	vst v0  }
0x2b6: {  	v0 =	vld.idx.msk [tilespmem:v2+s3+$0x0], $0xffff  }
0x2b7: {  	v1 =	vld.idx.msk [tilespmem:v4+s5+$0x0], $0xffff;
	_ =	sdelay $0x2  }
0x2b8: {  	v2 =	vshrl.u32 v62, $0xC  }
0x2b9: {  	v63 =	vand.u32 $0xFFF, v62  }
0x2ba: {  	v0 =	vadd.f32 v1, v0;
	_ =	sdelay $0x1  }
0x2bb: {  	[tilespmem:s11+$0x6210] =	vst v0  }
0x2bc: {  	v0 =	vld.idx.msk [tilespmem:v2+s30+$0x0], $0xffff  }
0x2bd: {  	v1 =	vld.idx.msk [tilespmem:v63+s4+$0x0], $0xffff;
	_ =	sdelay $0x4  }
0x2be: {  	v0 =	vadd.f32 v1, v0;
	_ =	sdelay $0x1  }
0x2bf: {  	v3 =	vld [tilespmem:s11+$0x30];
	[tilespmem:s11+$0x4220] =	vst v0  }
0x2c0: {  	v2 =	vld.idx.msk [tilespmem:v2+s3+$0x0], $0xffff  }
0x2c1: {  	v4 =	vld.idx.msk [tilespmem:v63+s5+$0x0], $0xffff;
	_ =	sdelay $0x2  }
0x2c2: {  	v0 =	vshrl.u32 v3, $0xC  }
0x2c3: {  	v1 =	vand.u32 $0xFFF, v3  }
0x2c4: {  	v2 =	vadd.f32 v4, v2;
	_ =	sdelay $0x1  }
0x2c5: {  	[tilespmem:s11+$0x6220] =	vst v2  }
0x2c6: {  	v2 =	vld.idx.msk [tilespmem:v0+s30+$0x0], $0xffff  }
0x2c7: {  	v3 =	vld.idx.msk [tilespmem:v1+s4+$0x0], $0xffff;
	_ =	sdelay $0x4  }
0x2c8: {  	v3 =	vadd.f32 v3, v2  }
0x2c9: {  	s15 =	simm.s32 $0x40  }
0x2ca: {  	s12 =	simm.s32 $0x200;
	v2 =	vld [tilespmem:s15+$0x0];
	[tilespmem:s11+$0x4230] =	vst v3  }
.LBB2_10:
0x2cb: {  	p1 =	sne.s32 s12, $0x7F00;
	v1 =	vld.idx.msk [tilespmem:v1+s5+$0x0], $0xffff;
	s13 =	smov.u32 s12;
	s12 =	sadd.s32 $0x100, s12  }
0x2cc: {  	v0 =	vld.idx.msk [tilespmem:v0+s3+$0x0], $0xffff  }
0x2cd: {  	v3 =	vld [tilespmem:s15+$0x10]  }
0x2ce: {  	v4 =	vld [tilespmem:s15+$0x20]  }
0x2cf: {  	v5 =	vld [tilespmem:s15+$0x30]  }
0x2d0: {  	v6 =	vshrl.u32 v2, $0xC;
	v2 =	vand.u32 $0xFFF, v2;
	_ =	sdelay $0x1  }
0x2d1: {  	v0 =	vadd.f32 v1, v0;
	_ =	sdelay $0x1  }
0x2d2: {  	[tilespmem:s11+$0x6230] =	vst v0;
	s11 =	smov.u32 s15  }
0x2d3: {  	v0 =	vld.idx.msk [tilespmem:v6+s30+$0x0], $0xffff  }
0x2d4: {  	v1 =	vld.idx.msk [tilespmem:v2+s4+$0x0], $0xffff;
	_ =	sdelay $0x5  }
0x2d5: {  	v0 =	vadd.f32 v1, v0;
	_ =	sdelay $0x1  }
0x2d6: {  	[tilespmem:s11+$0x4200] =	vst v0  }
0x2d7: {  	v0 =	vld.idx.msk [tilespmem:v6+s3+$0x0], $0xffff  }
0x2d8: {  	v1 =	vld.idx.msk [tilespmem:v2+s5+$0x0], $0xffff;
	_ =	sdelay $0x3  }
0x2d9: {  	v2 =	vshrl.u32 v3, $0xC  }
0x2da: {  	v3 =	vand.u32 $0xFFF, v3  }
0x2db: {  	v0 =	vadd.f32 v1, v0;
	_ =	sdelay $0x1  }
0x2dc: {  	[tilespmem:s11+$0x6200] =	vst v0  }
0x2dd: {  	v0 =	vld.idx.msk [tilespmem:v2+s30+$0x0], $0xffff  }
0x2de: {  	v1 =	vld.idx.msk [tilespmem:v3+s4+$0x0], $0xffff;
	_ =	sdelay $0x5  }
0x2df: {  	v0 =	vadd.f32 v1, v0;
	_ =	sdelay $0x1  }
0x2e0: {  	[tilespmem:s11+$0x4210] =	vst v0  }
0x2e1: {  	v0 =	vld.idx.msk [tilespmem:v2+s3+$0x0], $0xffff  }
0x2e2: {  	v1 =	vld.idx.msk [tilespmem:v3+s5+$0x0], $0xffff;
	_ =	sdelay $0x3  }
0x2e3: {  	v2 =	vshrl.u32 v4, $0xC  }
0x2e4: {  	v3 =	vand.u32 $0xFFF, v4  }
0x2e5: {  	v0 =	vadd.f32 v1, v0;
	_ =	sdelay $0x1  }
0x2e6: {  	[tilespmem:s11+$0x6210] =	vst v0  }
0x2e7: {  	v0 =	vld.idx.msk [tilespmem:v2+s30+$0x0], $0xffff  }
0x2e8: {  	v1 =	vld.idx.msk [tilespmem:v3+s4+$0x0], $0xffff;
	_ =	sdelay $0x5  }
0x2e9: {  	v0 =	vadd.f32 v1, v0;
	_ =	sdelay $0x1  }
0x2ea: {  	[tilespmem:s11+$0x4220] =	vst v0  }
0x2eb: {  	v2 =	vld.idx.msk [tilespmem:v2+s3+$0x0], $0xffff  }
0x2ec: {  	v3 =	vld.idx.msk [tilespmem:v3+s5+$0x0], $0xffff;
	_ =	sdelay $0x3  }
0x2ed: {  	v0 =	vshrl.u32 v5, $0xC  }
0x2ee: {  	v1 =	vand.u32 $0xFFF, v5  }
0x2ef: {  	v2 =	vadd.f32 v3, v2;
	_ =	sdelay $0x1  }
0x2f0: {  	[tilespmem:s11+$0x6220] =	vst v2  }
0x2f1: {  	v2 =	vld.idx.msk [tilespmem:v0+s30+$0x0], $0xffff  }
0x2f2: {  	v3 =	vld.idx.msk [tilespmem:v1+s4+$0x0], $0xffff;
	_ =	sdelay $0x3  }
.Ltmp6:
0x2f3: {  	(pc) =	sbr.rel @p1 .LBB2_10-.Ltmp6, $4  }
0x2f4: {  	_ = 	snop  }
0x2f5: {  	v3 =	vadd.f32 v3, v2  }
0x2f6: {  	s15 =	sshra.s32 s13, $0x2  }
0x2f7: {  	v2 =	vld [tilespmem:s15+$0x0];
	[tilespmem:s11+$0x4230] =	vst v3  }
0x2f8: {  	_ =	sdelay $0x3  }
0x2f9: {  	v1 =	vld.idx.msk [tilespmem:v1+s5+$0x0], $0xffff  }
0x2fa: {  	v0 =	vld.idx.msk [tilespmem:v0+s3+$0x0], $0xffff;
	_ =	sdelay $0x2  }
0x2fb: {  	v3 =	vshrl.u32 v2, $0xC  }
0x2fc: {  	v2 =	vand.u32 $0xFFF, v2  }
0x2fd: {  	v4 =	vld [tilespmem:s15+$0x10];
	v0 =	vadd.f32 v1, v0  }
0x2fe: {  	v5 =	vld [tilespmem:s15+$0x20]  }
0x2ff: {  	v1 =	vld [tilespmem:s15+$0x30];
	[tilespmem:s11+$0x6230] =	vst v0  }
0x300: {  	v0 =	vld.idx.msk [tilespmem:v3+s30+$0x0], $0xffff  }
0x301: {  	v6 =	vld.idx.msk [tilespmem:v2+s4+$0x0], $0xffff;
	_ =	sdelay $0x4  }
0x302: {  	v0 =	vadd.f32 v6, v0;
	_ =	sdelay $0x1  }
0x303: {  	[tilespmem:s15+$0x4200] =	vst v0  }
0x304: {  	v0 =	vld.idx.msk [tilespmem:v3+s3+$0x0], $0xffff  }
0x305: {  	v2 =	vld.idx.msk [tilespmem:v2+s5+$0x0], $0xffff;
	_ =	sdelay $0x2  }
0x306: {  	v3 =	vshrl.u32 v4, $0xC  }
0x307: {  	v4 =	vand.u32 $0xFFF, v4  }
0x308: {  	v0 =	vadd.f32 v2, v0;
	_ =	sdelay $0x1  }
0x309: {  	[tilespmem:s15+$0x6200] =	vst v0  }
0x30a: {  	v0 =	vld.idx.msk [tilespmem:v3+s30+$0x0], $0xffff  }
0x30b: {  	v2 =	vld.idx.msk [tilespmem:v4+s4+$0x0], $0xffff;
	_ =	sdelay $0x4  }
0x30c: {  	v0 =	vadd.f32 v2, v0;
	_ =	sdelay $0x1  }
0x30d: {  	[tilespmem:s15+$0x4210] =	vst v0  }
0x30e: {  	v0 =	vld.idx.msk [tilespmem:v3+s3+$0x0], $0xffff  }
0x30f: {  	v2 =	vld.idx.msk [tilespmem:v4+s5+$0x0], $0xffff;
	_ =	sdelay $0x2  }
0x310: {  	v3 =	vshrl.u32 v5, $0xC  }
0x311: {  	v60 =	vand.u32 $0xFFF, v5  }
0x312: {  	v0 =	vadd.f32 v2, v0;
	_ =	sdelay $0x1  }
0x313: {  	[tilespmem:s15+$0x6210] =	vst v0  }
0x314: {  	v0 =	vld.idx.msk [tilespmem:v3+s30+$0x0], $0xffff  }
0x315: {  	v2 =	vld.idx.msk [tilespmem:v60+s4+$0x0], $0xffff;
	_ =	sdelay $0x4  }
0x316: {  	v0 =	vadd.f32 v2, v0;
	_ =	sdelay $0x1  }
0x317: {  	[tilespmem:s15+$0x4220] =	vst v0  }
0x318: {  	v0 =	vld.idx.msk [tilespmem:v3+s3+$0x0], $0xffff  }
0x319: {  	v2 =	vld.idx.msk [tilespmem:v60+s5+$0x0], $0xffff;
	_ =	sdelay $0x2  }
0x31a: {  	v3 =	vshrl.u32 v1, $0xC  }
0x31b: {  	v1 =	vand.u32 $0xFFF, v1  }
0x31c: {  	v0 =	vadd.f32 v2, v0;
	_ =	sdelay $0x1  }
0x31d: {  	[tilespmem:s15+$0x6220] =	vst v0  }
0x31e: {  	v0 =	vld.idx.msk [tilespmem:v3+s30+$0x0], $0xffff  }
0x31f: {  	v2 =	vld.idx.msk [tilespmem:v1+s4+$0x0], $0xffff;
	_ =	sdelay $0x4  }
0x320: {  	v0 =	vadd.f32 v2, v0;
	_ =	sdelay $0x1  }
0x321: {  	[tilespmem:s15+$0x4230] =	vst v0  }
0x322: {  	v0 =	vld.idx.msk [tilespmem:v1+s5+$0x0], $0xffff  }
0x323: {  	v1 =	vld.idx.msk [tilespmem:v3+s3+$0x0], $0xffff;
	_ =	sdelay $0x4  }
0x324: {  	v0 =	vadd.f32 v0, v1;
	_ =	sdelay $0x1  }
0x325: {  	[tilespmem:s15+$0x6230] =	vst v0  }
0x326: {  	[hbm4b:s19+s6] =	stream.strided.scatter [tilespmem:s8], [sflag:$0x1], $0x2000, s7, s6, $0x38;
	[tilespmem:$0x8200] =	vst v63  }
0x327: {  	_ =	swait.ge [sflag:s2], $0x2000  }
0x328: {  	[sflag:s2] =	ssyncset.done $0x0  }
0x329: {  	[sflag:s2] =	ssyncadd.s32 $0xFFFFE000  }
0x32a: {  	[hbm4b:s20+s6] =	stream.strided.scatter [tilespmem:s9], [sflag:$0x1], $0x2000, s7, s6, $0x38;
	[tilespmem:$0x8200] =	vst v63  }
0x32b: {  	_ =	swait.ge [sflag:s2], $0x2000  }
0x32c: {  	[sflag:s2] =	ssyncset.done $0x0  }
0x32d: {  	s15 =	simm.s32 $0x0;
	s12 =	rddreg [dreg:$0xd];
	[sflag:s2] =	ssyncadd.s32 $0xFFFFE000  }
0x32e: {  	[tilespmem:s15], [sflag:$0x1] =	stream.linear.gather [hbm4b:s12+s15], $0x2000, $0x38;
	[tilespmem:$0x8200] =	vst v63  }
0x32f: {  	_ =	swait.ge [sflag:s2], $0x2000  }
0x330: {  	[sflag:s2] =	ssyncset.done $0x0  }
0x331: {  	s11 =	simm.s32 $0x0;
	[sflag:s2] =	ssyncadd.s32 $0xFFFFE000  }
0x332: {  	v0 =	vld [tilespmem:s11+$0x0];
	_ =	sdelay $0x4  }
0x333: {  	v1 =	vshrl.u32 v0, $0xC  }
0x334: {  	v0 =	vand.u32 $0xFFF, v0;
	_ =	sdelay $0x3  }
0x335: {  	v2 =	vld.idx.msk [tilespmem:v1+s30+$0x0], $0xffff  }
0x336: {  	v3 =	vld.idx.msk [tilespmem:v0+s4+$0x0], $0xffff;
	_ =	sdelay $0x4  }
0x337: {  	v2 =	vadd.f32 v3, v2;
	_ =	sdelay $0x1  }
0x338: {  	v61 =	vld [tilespmem:s11+$0x10];
	[tilespmem:s11+$0x4200] =	vst v2  }
0x339: {  	v1 =	vld.idx.msk [tilespmem:v1+s3+$0x0], $0xffff  }
0x33a: {  	v0 =	vld.idx.msk [tilespmem:v0+s5+$0x0], $0xffff;
	_ =	sdelay $0x2  }
0x33b: {  	v2 =	vshrl.u32 v61, $0xC  }
0x33c: {  	v4 =	vand.u32 $0xFFF, v61  }
0x33d: {  	v0 =	vadd.f32 v0, v1;
	_ =	sdelay $0x1  }
0x33e: {  	[tilespmem:s11+$0x6200] =	vst v0  }
0x33f: {  	v0 =	vld.idx.msk [tilespmem:v2+s30+$0x0], $0xffff  }
0x340: {  	v1 =	vld.idx.msk [tilespmem:v4+s4+$0x0], $0xffff;
	_ =	sdelay $0x4  }
0x341: {  	v0 =	vadd.f32 v1, v0;
	_ =	sdelay $0x1  }
0x342: {  	v62 =	vld [tilespmem:s11+$0x20];
	[tilespmem:s11+$0x4210] =	vst v0  }
0x343: {  	v0 =	vld.idx.msk [tilespmem:v2+s3+$0x0], $0xffff  }
0x344: {  	v1 =	vld.idx.msk [tilespmem:v4+s5+$0x0], $0xffff;
	_ =	sdelay $0x2  }
0x345: {  	v2 =	vshrl.u32 v62, $0xC  }
0x346: {  	v63 =	vand.u32 $0xFFF, v62  }
0x347: {  	v0 =	vadd.f32 v1, v0;
	_ =	sdelay $0x1  }
0x348: {  	[tilespmem:s11+$0x6210] =	vst v0  }
0x349: {  	v0 =	vld.idx.msk [tilespmem:v2+s30+$0x0], $0xffff  }
0x34a: {  	v1 =	vld.idx.msk [tilespmem:v63+s4+$0x0], $0xffff;
	_ =	sdelay $0x4  }
0x34b: {  	v0 =	vadd.f32 v1, v0;
	_ =	sdelay $0x1  }
0x34c: {  	v3 =	vld [tilespmem:s11+$0x30];
	[tilespmem:s11+$0x4220] =	vst v0  }
0x34d: {  	v2 =	vld.idx.msk [tilespmem:v2+s3+$0x0], $0xffff  }
0x34e: {  	v4 =	vld.idx.msk [tilespmem:v63+s5+$0x0], $0xffff;
	_ =	sdelay $0x2  }
0x34f: {  	v0 =	vshrl.u32 v3, $0xC  }
0x350: {  	v1 =	vand.u32 $0xFFF, v3  }
0x351: {  	v2 =	vadd.f32 v4, v2;
	_ =	sdelay $0x1  }
0x352: {  	[tilespmem:s11+$0x6220] =	vst v2  }
0x353: {  	v2 =	vld.idx.msk [tilespmem:v0+s30+$0x0], $0xffff  }
0x354: {  	v3 =	vld.idx.msk [tilespmem:v1+s4+$0x0], $0xffff;
	_ =	sdelay $0x4  }
0x355: {  	v3 =	vadd.f32 v3, v2  }
0x356: {  	s15 =	simm.s32 $0x40  }
0x357: {  	s12 =	simm.s32 $0x200;
	v2 =	vld [tilespmem:s15+$0x0];
	[tilespmem:s11+$0x4230] =	vst v3  }
.LBB2_12:
0x358: {  	p1 =	sne.s32 s12, $0x7F00;
	v1 =	vld.idx.msk [tilespmem:v1+s5+$0x0], $0xffff;
	s13 =	smov.u32 s12;
	s12 =	sadd.s32 $0x100, s12  }
0x359: {  	v0 =	vld.idx.msk [tilespmem:v0+s3+$0x0], $0xffff  }
0x35a: {  	v3 =	vld [tilespmem:s15+$0x10]  }
0x35b: {  	v4 =	vld [tilespmem:s15+$0x20]  }
0x35c: {  	v5 =	vld [tilespmem:s15+$0x30]  }
0x35d: {  	v6 =	vshrl.u32 v2, $0xC;
	v2 =	vand.u32 $0xFFF, v2;
	_ =	sdelay $0x1  }
0x35e: {  	v0 =	vadd.f32 v1, v0;
	_ =	sdelay $0x1  }
0x35f: {  	[tilespmem:s11+$0x6230] =	vst v0;
	s11 =	smov.u32 s15  }
0x360: {  	v0 =	vld.idx.msk [tilespmem:v6+s30+$0x0], $0xffff  }
0x361: {  	v1 =	vld.idx.msk [tilespmem:v2+s4+$0x0], $0xffff;
	_ =	sdelay $0x5  }
0x362: {  	v0 =	vadd.f32 v1, v0;
	_ =	sdelay $0x1  }
0x363: {  	[tilespmem:s11+$0x4200] =	vst v0  }
0x364: {  	v0 =	vld.idx.msk [tilespmem:v6+s3+$0x0], $0xffff  }
0x365: {  	v1 =	vld.idx.msk [tilespmem:v2+s5+$0x0], $0xffff;
	_ =	sdelay $0x3  }
0x366: {  	v2 =	vshrl.u32 v3, $0xC  }
0x367: {  	v3 =	vand.u32 $0xFFF, v3  }
0x368: {  	v0 =	vadd.f32 v1, v0;
	_ =	sdelay $0x1  }
0x369: {  	[tilespmem:s11+$0x6200] =	vst v0  }
0x36a: {  	v0 =	vld.idx.msk [tilespmem:v2+s30+$0x0], $0xffff  }
0x36b: {  	v1 =	vld.idx.msk [tilespmem:v3+s4+$0x0], $0xffff;
	_ =	sdelay $0x5  }
0x36c: {  	v0 =	vadd.f32 v1, v0;
	_ =	sdelay $0x1  }
0x36d: {  	[tilespmem:s11+$0x4210] =	vst v0  }
0x36e: {  	v0 =	vld.idx.msk [tilespmem:v2+s3+$0x0], $0xffff  }
0x36f: {  	v1 =	vld.idx.msk [tilespmem:v3+s5+$0x0], $0xffff;
	_ =	sdelay $0x3  }
0x370: {  	v2 =	vshrl.u32 v4, $0xC  }
0x371: {  	v3 =	vand.u32 $0xFFF, v4  }
0x372: {  	v0 =	vadd.f32 v1, v0;
	_ =	sdelay $0x1  }
0x373: {  	[tilespmem:s11+$0x6210] =	vst v0  }
0x374: {  	v0 =	vld.idx.msk [tilespmem:v2+s30+$0x0], $0xffff  }
0x375: {  	v1 =	vld.idx.msk [tilespmem:v3+s4+$0x0], $0xffff;
	_ =	sdelay $0x5  }
0x376: {  	v0 =	vadd.f32 v1, v0;
	_ =	sdelay $0x1  }
0x377: {  	[tilespmem:s11+$0x4220] =	vst v0  }
0x378: {  	v2 =	vld.idx.msk [tilespmem:v2+s3+$0x0], $0xffff  }
0x379: {  	v3 =	vld.idx.msk [tilespmem:v3+s5+$0x0], $0xffff;
	_ =	sdelay $0x3  }
0x37a: {  	v0 =	vshrl.u32 v5, $0xC  }
0x37b: {  	v1 =	vand.u32 $0xFFF, v5  }
0x37c: {  	v2 =	vadd.f32 v3, v2;
	_ =	sdelay $0x1  }
0x37d: {  	[tilespmem:s11+$0x6220] =	vst v2  }
0x37e: {  	v2 =	vld.idx.msk [tilespmem:v0+s30+$0x0], $0xffff  }
0x37f: {  	v3 =	vld.idx.msk [tilespmem:v1+s4+$0x0], $0xffff;
	_ =	sdelay $0x3  }
.Ltmp7:
0x380: {  	(pc) =	sbr.rel @p1 .LBB2_12-.Ltmp7, $4  }
0x381: {  	_ = 	snop  }
0x382: {  	v3 =	vadd.f32 v3, v2  }
0x383: {  	s15 =	sshra.s32 s13, $0x2  }
0x384: {  	v2 =	vld [tilespmem:s15+$0x0];
	[tilespmem:s11+$0x4230] =	vst v3  }
0x385: {  	_ =	sdelay $0x3  }
0x386: {  	v1 =	vld.idx.msk [tilespmem:v1+s5+$0x0], $0xffff  }
0x387: {  	v0 =	vld.idx.msk [tilespmem:v0+s3+$0x0], $0xffff;
	_ =	sdelay $0x2  }
0x388: {  	v3 =	vshrl.u32 v2, $0xC  }
0x389: {  	v2 =	vand.u32 $0xFFF, v2  }
0x38a: {  	v4 =	vld [tilespmem:s15+$0x10];
	v0 =	vadd.f32 v1, v0  }
0x38b: {  	v5 =	vld [tilespmem:s15+$0x20]  }
0x38c: {  	v1 =	vld [tilespmem:s15+$0x30];
	[tilespmem:s11+$0x6230] =	vst v0  }
0x38d: {  	v0 =	vld.idx.msk [tilespmem:v3+s30+$0x0], $0xffff  }
0x38e: {  	v6 =	vld.idx.msk [tilespmem:v2+s4+$0x0], $0xffff;
	_ =	sdelay $0x4  }
0x38f: {  	v0 =	vadd.f32 v6, v0;
	_ =	sdelay $0x1  }
0x390: {  	[tilespmem:s15+$0x4200] =	vst v0  }
0x391: {  	v0 =	vld.idx.msk [tilespmem:v3+s3+$0x0], $0xffff  }
0x392: {  	v2 =	vld.idx.msk [tilespmem:v2+s5+$0x0], $0xffff;
	_ =	sdelay $0x2  }
0x393: {  	v3 =	vshrl.u32 v4, $0xC  }
0x394: {  	v4 =	vand.u32 $0xFFF, v4  }
0x395: {  	v0 =	vadd.f32 v2, v0;
	_ =	sdelay $0x1  }
0x396: {  	[tilespmem:s15+$0x6200] =	vst v0  }
0x397: {  	v0 =	vld.idx.msk [tilespmem:v3+s30+$0x0], $0xffff  }
0x398: {  	v2 =	vld.idx.msk [tilespmem:v4+s4+$0x0], $0xffff;
	_ =	sdelay $0x4  }
0x399: {  	v0 =	vadd.f32 v2, v0;
	_ =	sdelay $0x1  }
0x39a: {  	[tilespmem:s15+$0x4210] =	vst v0  }
0x39b: {  	v0 =	vld.idx.msk [tilespmem:v3+s3+$0x0], $0xffff  }
0x39c: {  	v2 =	vld.idx.msk [tilespmem:v4+s5+$0x0], $0xffff;
	_ =	sdelay $0x2  }
0x39d: {  	v3 =	vshrl.u32 v5, $0xC  }
0x39e: {  	v60 =	vand.u32 $0xFFF, v5  }
0x39f: {  	v0 =	vadd.f32 v2, v0;
	_ =	sdelay $0x1  }
0x3a0: {  	[tilespmem:s15+$0x6210] =	vst v0  }
0x3a1: {  	v0 =	vld.idx.msk [tilespmem:v3+s30+$0x0], $0xffff  }
0x3a2: {  	v2 =	vld.idx.msk [tilespmem:v60+s4+$0x0], $0xffff;
	_ =	sdelay $0x4  }
0x3a3: {  	v0 =	vadd.f32 v2, v0;
	_ =	sdelay $0x1  }
0x3a4: {  	[tilespmem:s15+$0x4220] =	vst v0  }
0x3a5: {  	v0 =	vld.idx.msk [tilespmem:v3+s3+$0x0], $0xffff  }
0x3a6: {  	v2 =	vld.idx.msk [tilespmem:v60+s5+$0x0], $0xffff;
	_ =	sdelay $0x2  }
0x3a7: {  	v3 =	vshrl.u32 v1, $0xC  }
0x3a8: {  	v1 =	vand.u32 $0xFFF, v1  }
0x3a9: {  	v0 =	vadd.f32 v2, v0;
	_ =	sdelay $0x1  }
0x3aa: {  	[tilespmem:s15+$0x6220] =	vst v0  }
0x3ab: {  	v0 =	vld.idx.msk [tilespmem:v3+s30+$0x0], $0xffff  }
0x3ac: {  	v2 =	vld.idx.msk [tilespmem:v1+s4+$0x0], $0xffff;
	_ =	sdelay $0x4  }
0x3ad: {  	v0 =	vadd.f32 v2, v0;
	_ =	sdelay $0x1  }
0x3ae: {  	[tilespmem:s15+$0x4230] =	vst v0  }
0x3af: {  	v0 =	vld.idx.msk [tilespmem:v1+s5+$0x0], $0xffff  }
0x3b0: {  	v1 =	vld.idx.msk [tilespmem:v3+s3+$0x0], $0xffff;
	_ =	sdelay $0x4  }
0x3b1: {  	v0 =	vadd.f32 v0, v1;
	_ =	sdelay $0x1  }
0x3b2: {  	[tilespmem:s15+$0x6230] =	vst v0  }
0x3b3: {  	[hbm4b:s21+s6] =	stream.strided.scatter [tilespmem:s8], [sflag:$0x1], $0x2000, s7, s6, $0x38;
	[tilespmem:$0x8200] =	vst v63  }
0x3b4: {  	_ =	swait.ge [sflag:s2], $0x2000  }
0x3b5: {  	[sflag:s2] =	ssyncset.done $0x0  }
0x3b6: {  	[sflag:s2] =	ssyncadd.s32 $0xFFFFE000  }
0x3b7: {  	[hbm4b:s22+s6] =	stream.strided.scatter [tilespmem:s9], [sflag:$0x1], $0x2000, s7, s6, $0x38;
	[tilespmem:$0x8200] =	vst v63  }
0x3b8: {  	_ =	swait.ge [sflag:s2], $0x2000  }
0x3b9: {  	[sflag:s2] =	ssyncset.done $0x0  }
0x3ba: {  	s15 =	simm.s32 $0x0;
	s12 =	rddreg [dreg:$0xe];
	[sflag:s2] =	ssyncadd.s32 $0xFFFFE000  }
0x3bb: {  	[tilespmem:s15], [sflag:$0x1] =	stream.linear.gather [hbm4b:s12+s15], $0x2000, $0x38;
	[tilespmem:$0x8200] =	vst v63  }
0x3bc: {  	_ =	swait.ge [sflag:s2], $0x2000  }
0x3bd: {  	[sflag:s2] =	ssyncset.done $0x0  }
0x3be: {  	s11 =	simm.s32 $0x0;
	[sflag:s2] =	ssyncadd.s32 $0xFFFFE000  }
0x3bf: {  	v0 =	vld [tilespmem:s11+$0x0];
	_ =	sdelay $0x4  }
0x3c0: {  	v1 =	vshrl.u32 v0, $0xC  }
0x3c1: {  	v0 =	vand.u32 $0xFFF, v0;
	_ =	sdelay $0x3  }
0x3c2: {  	v2 =	vld.idx.msk [tilespmem:v1+s30+$0x0], $0xffff  }
0x3c3: {  	v3 =	vld.idx.msk [tilespmem:v0+s4+$0x0], $0xffff;
	_ =	sdelay $0x4  }
0x3c4: {  	v2 =	vadd.f32 v3, v2;
	_ =	sdelay $0x1  }
0x3c5: {  	v61 =	vld [tilespmem:s11+$0x10];
	[tilespmem:s11+$0x4200] =	vst v2  }
0x3c6: {  	v1 =	vld.idx.msk [tilespmem:v1+s3+$0x0], $0xffff  }
0x3c7: {  	v0 =	vld.idx.msk [tilespmem:v0+s5+$0x0], $0xffff;
	_ =	sdelay $0x2  }
0x3c8: {  	v2 =	vshrl.u32 v61, $0xC  }
0x3c9: {  	v4 =	vand.u32 $0xFFF, v61  }
0x3ca: {  	v0 =	vadd.f32 v0, v1;
	_ =	sdelay $0x1  }
0x3cb: {  	[tilespmem:s11+$0x6200] =	vst v0  }
0x3cc: {  	v0 =	vld.idx.msk [tilespmem:v2+s30+$0x0], $0xffff  }
0x3cd: {  	v1 =	vld.idx.msk [tilespmem:v4+s4+$0x0], $0xffff;
	_ =	sdelay $0x4  }
0x3ce: {  	v0 =	vadd.f32 v1, v0;
	_ =	sdelay $0x1  }
0x3cf: {  	v62 =	vld [tilespmem:s11+$0x20];
	[tilespmem:s11+$0x4210] =	vst v0  }
0x3d0: {  	v0 =	vld.idx.msk [tilespmem:v2+s3+$0x0], $0xffff  }
0x3d1: {  	v1 =	vld.idx.msk [tilespmem:v4+s5+$0x0], $0xffff;
	_ =	sdelay $0x2  }
0x3d2: {  	v2 =	vshrl.u32 v62, $0xC  }
0x3d3: {  	v63 =	vand.u32 $0xFFF, v62  }
0x3d4: {  	v0 =	vadd.f32 v1, v0;
	_ =	sdelay $0x1  }
0x3d5: {  	[tilespmem:s11+$0x6210] =	vst v0  }
0x3d6: {  	v0 =	vld.idx.msk [tilespmem:v2+s30+$0x0], $0xffff  }
0x3d7: {  	v1 =	vld.idx.msk [tilespmem:v63+s4+$0x0], $0xffff;
	_ =	sdelay $0x4  }
0x3d8: {  	v0 =	vadd.f32 v1, v0;
	_ =	sdelay $0x1  }
0x3d9: {  	v3 =	vld [tilespmem:s11+$0x30];
	[tilespmem:s11+$0x4220] =	vst v0  }
0x3da: {  	v2 =	vld.idx.msk [tilespmem:v2+s3+$0x0], $0xffff  }
0x3db: {  	v4 =	vld.idx.msk [tilespmem:v63+s5+$0x0], $0xffff;
	_ =	sdelay $0x2  }
0x3dc: {  	v0 =	vshrl.u32 v3, $0xC  }
0x3dd: {  	v1 =	vand.u32 $0xFFF, v3  }
0x3de: {  	v2 =	vadd.f32 v4, v2;
	_ =	sdelay $0x1  }
0x3df: {  	[tilespmem:s11+$0x6220] =	vst v2  }
0x3e0: {  	v2 =	vld.idx.msk [tilespmem:v0+s30+$0x0], $0xffff  }
0x3e1: {  	v3 =	vld.idx.msk [tilespmem:v1+s4+$0x0], $0xffff;
	_ =	sdelay $0x4  }
0x3e2: {  	v3 =	vadd.f32 v3, v2  }
0x3e3: {  	s15 =	simm.s32 $0x40  }
0x3e4: {  	s12 =	simm.s32 $0x200;
	v2 =	vld [tilespmem:s15+$0x0];
	[tilespmem:s11+$0x4230] =	vst v3  }
.LBB2_14:
0x3e5: {  	p1 =	sne.s32 s12, $0x7F00;
	v1 =	vld.idx.msk [tilespmem:v1+s5+$0x0], $0xffff;
	s13 =	smov.u32 s12;
	s12 =	sadd.s32 $0x100, s12  }
0x3e6: {  	v0 =	vld.idx.msk [tilespmem:v0+s3+$0x0], $0xffff  }
0x3e7: {  	v3 =	vld [tilespmem:s15+$0x10]  }
0x3e8: {  	v4 =	vld [tilespmem:s15+$0x20]  }
0x3e9: {  	v5 =	vld [tilespmem:s15+$0x30]  }
0x3ea: {  	v6 =	vshrl.u32 v2, $0xC;
	v2 =	vand.u32 $0xFFF, v2;
	_ =	sdelay $0x1  }
0x3eb: {  	v0 =	vadd.f32 v1, v0;
	_ =	sdelay $0x1  }
0x3ec: {  	[tilespmem:s11+$0x6230] =	vst v0;
	s11 =	smov.u32 s15  }
0x3ed: {  	v0 =	vld.idx.msk [tilespmem:v6+s30+$0x0], $0xffff  }
0x3ee: {  	v1 =	vld.idx.msk [tilespmem:v2+s4+$0x0], $0xffff;
	_ =	sdelay $0x5  }
0x3ef: {  	v0 =	vadd.f32 v1, v0;
	_ =	sdelay $0x1  }
0x3f0: {  	[tilespmem:s11+$0x4200] =	vst v0  }
0x3f1: {  	v0 =	vld.idx.msk [tilespmem:v6+s3+$0x0], $0xffff  }
0x3f2: {  	v1 =	vld.idx.msk [tilespmem:v2+s5+$0x0], $0xffff;
	_ =	sdelay $0x3  }
0x3f3: {  	v2 =	vshrl.u32 v3, $0xC  }
0x3f4: {  	v3 =	vand.u32 $0xFFF, v3  }
0x3f5: {  	v0 =	vadd.f32 v1, v0;
	_ =	sdelay $0x1  }
0x3f6: {  	[tilespmem:s11+$0x6200] =	vst v0  }
0x3f7: {  	v0 =	vld.idx.msk [tilespmem:v2+s30+$0x0], $0xffff  }
0x3f8: {  	v1 =	vld.idx.msk [tilespmem:v3+s4+$0x0], $0xffff;
	_ =	sdelay $0x5  }
0x3f9: {  	v0 =	vadd.f32 v1, v0;
	_ =	sdelay $0x1  }
0x3fa: {  	[tilespmem:s11+$0x4210] =	vst v0  }
0x3fb: {  	v0 =	vld.idx.msk [tilespmem:v2+s3+$0x0], $0xffff  }
0x3fc: {  	v1 =	vld.idx.msk [tilespmem:v3+s5+$0x0], $0xffff;
	_ =	sdelay $0x3  }
0x3fd: {  	v2 =	vshrl.u32 v4, $0xC  }
0x3fe: {  	v3 =	vand.u32 $0xFFF, v4  }
0x3ff: {  	v0 =	vadd.f32 v1, v0;
	_ =	sdelay $0x1  }
0x400: {  	[tilespmem:s11+$0x6210] =	vst v0  }
0x401: {  	v0 =	vld.idx.msk [tilespmem:v2+s30+$0x0], $0xffff  }
0x402: {  	v1 =	vld.idx.msk [tilespmem:v3+s4+$0x0], $0xffff;
	_ =	sdelay $0x5  }
0x403: {  	v0 =	vadd.f32 v1, v0;
	_ =	sdelay $0x1  }
0x404: {  	[tilespmem:s11+$0x4220] =	vst v0  }
0x405: {  	v2 =	vld.idx.msk [tilespmem:v2+s3+$0x0], $0xffff  }
0x406: {  	v3 =	vld.idx.msk [tilespmem:v3+s5+$0x0], $0xffff;
	_ =	sdelay $0x3  }
0x407: {  	v0 =	vshrl.u32 v5, $0xC  }
0x408: {  	v1 =	vand.u32 $0xFFF, v5  }
0x409: {  	v2 =	vadd.f32 v3, v2;
	_ =	sdelay $0x1  }
0x40a: {  	[tilespmem:s11+$0x6220] =	vst v2  }
0x40b: {  	v2 =	vld.idx.msk [tilespmem:v0+s30+$0x0], $0xffff  }
0x40c: {  	v3 =	vld.idx.msk [tilespmem:v1+s4+$0x0], $0xffff;
	_ =	sdelay $0x3  }
.Ltmp8:
0x40d: {  	(pc) =	sbr.rel @p1 .LBB2_14-.Ltmp8, $4  }
0x40e: {  	_ = 	snop  }
0x40f: {  	v3 =	vadd.f32 v3, v2  }
0x410: {  	s15 =	sshra.s32 s13, $0x2  }
0x411: {  	v2 =	vld [tilespmem:s15+$0x0];
	[tilespmem:s11+$0x4230] =	vst v3  }
0x412: {  	_ =	sdelay $0x3  }
0x413: {  	v1 =	vld.idx.msk [tilespmem:v1+s5+$0x0], $0xffff  }
0x414: {  	v0 =	vld.idx.msk [tilespmem:v0+s3+$0x0], $0xffff;
	_ =	sdelay $0x2  }
0x415: {  	v3 =	vshrl.u32 v2, $0xC  }
0x416: {  	v2 =	vand.u32 $0xFFF, v2  }
0x417: {  	v4 =	vld [tilespmem:s15+$0x10];
	v0 =	vadd.f32 v1, v0  }
0x418: {  	v5 =	vld [tilespmem:s15+$0x20]  }
0x419: {  	v1 =	vld [tilespmem:s15+$0x30];
	[tilespmem:s11+$0x6230] =	vst v0  }
0x41a: {  	v0 =	vld.idx.msk [tilespmem:v3+s30+$0x0], $0xffff  }
0x41b: {  	v6 =	vld.idx.msk [tilespmem:v2+s4+$0x0], $0xffff;
	_ =	sdelay $0x4  }
0x41c: {  	v0 =	vadd.f32 v6, v0;
	_ =	sdelay $0x1  }
0x41d: {  	[tilespmem:s15+$0x4200] =	vst v0  }
0x41e: {  	v0 =	vld.idx.msk [tilespmem:v3+s3+$0x0], $0xffff  }
0x41f: {  	v2 =	vld.idx.msk [tilespmem:v2+s5+$0x0], $0xffff;
	_ =	sdelay $0x2  }
0x420: {  	v3 =	vshrl.u32 v4, $0xC  }
0x421: {  	v4 =	vand.u32 $0xFFF, v4  }
0x422: {  	v0 =	vadd.f32 v2, v0;
	_ =	sdelay $0x1  }
0x423: {  	[tilespmem:s15+$0x6200] =	vst v0  }
0x424: {  	v0 =	vld.idx.msk [tilespmem:v3+s30+$0x0], $0xffff  }
0x425: {  	v2 =	vld.idx.msk [tilespmem:v4+s4+$0x0], $0xffff;
	_ =	sdelay $0x4  }
0x426: {  	v0 =	vadd.f32 v2, v0;
	_ =	sdelay $0x1  }
0x427: {  	[tilespmem:s15+$0x4210] =	vst v0  }
0x428: {  	v0 =	vld.idx.msk [tilespmem:v3+s3+$0x0], $0xffff  }
0x429: {  	v2 =	vld.idx.msk [tilespmem:v4+s5+$0x0], $0xffff;
	_ =	sdelay $0x2  }
0x42a: {  	v3 =	vshrl.u32 v5, $0xC  }
0x42b: {  	v60 =	vand.u32 $0xFFF, v5  }
0x42c: {  	v0 =	vadd.f32 v2, v0;
	_ =	sdelay $0x1  }
0x42d: {  	[tilespmem:s15+$0x6210] =	vst v0  }
0x42e: {  	v0 =	vld.idx.msk [tilespmem:v3+s30+$0x0], $0xffff  }
0x42f: {  	v2 =	vld.idx.msk [tilespmem:v60+s4+$0x0], $0xffff;
	_ =	sdelay $0x4  }
0x430: {  	v0 =	vadd.f32 v2, v0;
	_ =	sdelay $0x1  }
0x431: {  	[tilespmem:s15+$0x4220] =	vst v0  }
0x432: {  	v0 =	vld.idx.msk [tilespmem:v3+s3+$0x0], $0xffff  }
0x433: {  	v2 =	vld.idx.msk [tilespmem:v60+s5+$0x0], $0xffff;
	_ =	sdelay $0x2  }
0x434: {  	v3 =	vshrl.u32 v1, $0xC  }
0x435: {  	v1 =	vand.u32 $0xFFF, v1  }
0x436: {  	v0 =	vadd.f32 v2, v0;
	_ =	sdelay $0x1  }
0x437: {  	[tilespmem:s15+$0x6220] =	vst v0  }
0x438: {  	v0 =	vld.idx.msk [tilespmem:v3+s30+$0x0], $0xffff  }
0x439: {  	v2 =	vld.idx.msk [tilespmem:v1+s4+$0x0], $0xffff;
	_ =	sdelay $0x4  }
0x43a: {  	v0 =	vadd.f32 v2, v0;
	_ =	sdelay $0x1  }
0x43b: {  	[tilespmem:s15+$0x4230] =	vst v0  }
0x43c: {  	v0 =	vld.idx.msk [tilespmem:v1+s5+$0x0], $0xffff  }
0x43d: {  	v1 =	vld.idx.msk [tilespmem:v3+s3+$0x0], $0xffff;
	_ =	sdelay $0x4  }
0x43e: {  	v0 =	vadd.f32 v0, v1;
	_ =	sdelay $0x1  }
0x43f: {  	[tilespmem:s15+$0x6230] =	vst v0  }
0x440: {  	[hbm4b:s23+s6] =	stream.strided.scatter [tilespmem:s8], [sflag:$0x1], $0x2000, s7, s6, $0x38;
	[tilespmem:$0x8200] =	vst v63  }
0x441: {  	_ =	swait.ge [sflag:s2], $0x2000  }
0x442: {  	[sflag:s2] =	ssyncset.done $0x0  }
0x443: {  	[sflag:s2] =	ssyncadd.s32 $0xFFFFE000  }
0x444: {  	[hbm4b:s24+s6] =	stream.strided.scatter [tilespmem:s9], [sflag:$0x1], $0x2000, s7, s6, $0x38;
	[tilespmem:$0x8200] =	vst v63  }
0x445: {  	_ =	swait.ge [sflag:s2], $0x2000  }
0x446: {  	[sflag:s2] =	ssyncset.done $0x0  }
0x447: {  	s15 =	simm.s32 $0x0;
	s12 =	rddreg [dreg:$0xf];
	[sflag:s2] =	ssyncadd.s32 $0xFFFFE000  }
0x448: {  	[tilespmem:s15], [sflag:$0x1] =	stream.linear.gather [hbm4b:s12+s15], $0x2000, $0x38;
	[tilespmem:$0x8200] =	vst v63  }
0x449: {  	_ =	swait.ge [sflag:s2], $0x2000  }
0x44a: {  	[sflag:s2] =	ssyncset.done $0x0  }
0x44b: {  	s11 =	simm.s32 $0x0;
	[sflag:s2] =	ssyncadd.s32 $0xFFFFE000  }
0x44c: {  	v0 =	vld [tilespmem:s11+$0x0];
	_ =	sdelay $0x4  }
0x44d: {  	v1 =	vshrl.u32 v0, $0xC  }
0x44e: {  	v0 =	vand.u32 $0xFFF, v0;
	_ =	sdelay $0x3  }
0x44f: {  	v2 =	vld.idx.msk [tilespmem:v1+s30+$0x0], $0xffff  }
0x450: {  	v3 =	vld.idx.msk [tilespmem:v0+s4+$0x0], $0xffff;
	_ =	sdelay $0x4  }
0x451: {  	v2 =	vadd.f32 v3, v2;
	_ =	sdelay $0x1  }
0x452: {  	v61 =	vld [tilespmem:s11+$0x10];
	[tilespmem:s11+$0x4200] =	vst v2  }
0x453: {  	v1 =	vld.idx.msk [tilespmem:v1+s3+$0x0], $0xffff  }
0x454: {  	v0 =	vld.idx.msk [tilespmem:v0+s5+$0x0], $0xffff;
	_ =	sdelay $0x2  }
0x455: {  	v2 =	vshrl.u32 v61, $0xC  }
0x456: {  	v4 =	vand.u32 $0xFFF, v61  }
0x457: {  	v0 =	vadd.f32 v0, v1;
	_ =	sdelay $0x1  }
0x458: {  	[tilespmem:s11+$0x6200] =	vst v0  }
0x459: {  	v0 =	vld.idx.msk [tilespmem:v2+s30+$0x0], $0xffff  }
0x45a: {  	v1 =	vld.idx.msk [tilespmem:v4+s4+$0x0], $0xffff;
	_ =	sdelay $0x4  }
0x45b: {  	v0 =	vadd.f32 v1, v0;
	_ =	sdelay $0x1  }
0x45c: {  	v62 =	vld [tilespmem:s11+$0x20];
	[tilespmem:s11+$0x4210] =	vst v0  }
0x45d: {  	v0 =	vld.idx.msk [tilespmem:v2+s3+$0x0], $0xffff  }
0x45e: {  	v1 =	vld.idx.msk [tilespmem:v4+s5+$0x0], $0xffff;
	_ =	sdelay $0x2  }
0x45f: {  	v2 =	vshrl.u32 v62, $0xC  }
0x460: {  	v63 =	vand.u32 $0xFFF, v62  }
0x461: {  	v0 =	vadd.f32 v1, v0;
	_ =	sdelay $0x1  }
0x462: {  	[tilespmem:s11+$0x6210] =	vst v0  }
0x463: {  	v0 =	vld.idx.msk [tilespmem:v2+s30+$0x0], $0xffff  }
0x464: {  	v1 =	vld.idx.msk [tilespmem:v63+s4+$0x0], $0xffff;
	_ =	sdelay $0x4  }
0x465: {  	v0 =	vadd.f32 v1, v0;
	_ =	sdelay $0x1  }
0x466: {  	v3 =	vld [tilespmem:s11+$0x30];
	[tilespmem:s11+$0x4220] =	vst v0  }
0x467: {  	v2 =	vld.idx.msk [tilespmem:v2+s3+$0x0], $0xffff  }
0x468: {  	v4 =	vld.idx.msk [tilespmem:v63+s5+$0x0], $0xffff;
	_ =	sdelay $0x2  }
0x469: {  	v0 =	vshrl.u32 v3, $0xC  }
0x46a: {  	v1 =	vand.u32 $0xFFF, v3  }
0x46b: {  	v2 =	vadd.f32 v4, v2;
	_ =	sdelay $0x1  }
0x46c: {  	[tilespmem:s11+$0x6220] =	vst v2  }
0x46d: {  	v2 =	vld.idx.msk [tilespmem:v0+s30+$0x0], $0xffff  }
0x46e: {  	v3 =	vld.idx.msk [tilespmem:v1+s4+$0x0], $0xffff;
	_ =	sdelay $0x4  }
0x46f: {  	v3 =	vadd.f32 v3, v2  }
0x470: {  	s15 =	simm.s32 $0x40  }
0x471: {  	s12 =	simm.s32 $0x200;
	v2 =	vld [tilespmem:s15+$0x0];
	[tilespmem:s11+$0x4230] =	vst v3  }
.LBB2_16:
0x472: {  	p1 =	sne.s32 s12, $0x7F00;
	v1 =	vld.idx.msk [tilespmem:v1+s5+$0x0], $0xffff;
	s13 =	smov.u32 s12;
	s12 =	sadd.s32 $0x100, s12  }
0x473: {  	v0 =	vld.idx.msk [tilespmem:v0+s3+$0x0], $0xffff  }
0x474: {  	v3 =	vld [tilespmem:s15+$0x10]  }
0x475: {  	v4 =	vld [tilespmem:s15+$0x20]  }
0x476: {  	v5 =	vld [tilespmem:s15+$0x30]  }
0x477: {  	v6 =	vshrl.u32 v2, $0xC;
	v2 =	vand.u32 $0xFFF, v2;
	_ =	sdelay $0x1  }
0x478: {  	v0 =	vadd.f32 v1, v0;
	_ =	sdelay $0x1  }
0x479: {  	[tilespmem:s11+$0x6230] =	vst v0;
	s11 =	smov.u32 s15  }
0x47a: {  	v0 =	vld.idx.msk [tilespmem:v6+s30+$0x0], $0xffff  }
0x47b: {  	v1 =	vld.idx.msk [tilespmem:v2+s4+$0x0], $0xffff;
	_ =	sdelay $0x5  }
0x47c: {  	v0 =	vadd.f32 v1, v0;
	_ =	sdelay $0x1  }
0x47d: {  	[tilespmem:s11+$0x4200] =	vst v0  }
0x47e: {  	v0 =	vld.idx.msk [tilespmem:v6+s3+$0x0], $0xffff  }
0x47f: {  	v1 =	vld.idx.msk [tilespmem:v2+s5+$0x0], $0xffff;
	_ =	sdelay $0x3  }
0x480: {  	v2 =	vshrl.u32 v3, $0xC  }
0x481: {  	v3 =	vand.u32 $0xFFF, v3  }
0x482: {  	v0 =	vadd.f32 v1, v0;
	_ =	sdelay $0x1  }
0x483: {  	[tilespmem:s11+$0x6200] =	vst v0  }
0x484: {  	v0 =	vld.idx.msk [tilespmem:v2+s30+$0x0], $0xffff  }
0x485: {  	v1 =	vld.idx.msk [tilespmem:v3+s4+$0x0], $0xffff;
	_ =	sdelay $0x5  }
0x486: {  	v0 =	vadd.f32 v1, v0;
	_ =	sdelay $0x1  }
0x487: {  	[tilespmem:s11+$0x4210] =	vst v0  }
0x488: {  	v0 =	vld.idx.msk [tilespmem:v2+s3+$0x0], $0xffff  }
0x489: {  	v1 =	vld.idx.msk [tilespmem:v3+s5+$0x0], $0xffff;
	_ =	sdelay $0x3  }
0x48a: {  	v2 =	vshrl.u32 v4, $0xC  }
0x48b: {  	v3 =	vand.u32 $0xFFF, v4  }
0x48c: {  	v0 =	vadd.f32 v1, v0;
	_ =	sdelay $0x1  }
0x48d: {  	[tilespmem:s11+$0x6210] =	vst v0  }
0x48e: {  	v0 =	vld.idx.msk [tilespmem:v2+s30+$0x0], $0xffff  }
0x48f: {  	v1 =	vld.idx.msk [tilespmem:v3+s4+$0x0], $0xffff;
	_ =	sdelay $0x5  }
0x490: {  	v0 =	vadd.f32 v1, v0;
	_ =	sdelay $0x1  }
0x491: {  	[tilespmem:s11+$0x4220] =	vst v0  }
0x492: {  	v2 =	vld.idx.msk [tilespmem:v2+s3+$0x0], $0xffff  }
0x493: {  	v3 =	vld.idx.msk [tilespmem:v3+s5+$0x0], $0xffff;
	_ =	sdelay $0x3  }
0x494: {  	v0 =	vshrl.u32 v5, $0xC  }
0x495: {  	v1 =	vand.u32 $0xFFF, v5  }
0x496: {  	v2 =	vadd.f32 v3, v2;
	_ =	sdelay $0x1  }
0x497: {  	[tilespmem:s11+$0x6220] =	vst v2  }
0x498: {  	v2 =	vld.idx.msk [tilespmem:v0+s30+$0x0], $0xffff  }
0x499: {  	v3 =	vld.idx.msk [tilespmem:v1+s4+$0x0], $0xffff;
	_ =	sdelay $0x3  }
.Ltmp9:
0x49a: {  	(pc) =	sbr.rel @p1 .LBB2_16-.Ltmp9, $4  }
0x49b: {  	_ = 	snop  }
0x49c: {  	v3 =	vadd.f32 v3, v2  }
0x49d: {  	s15 =	sshra.s32 s13, $0x2  }
0x49e: {  	v2 =	vld [tilespmem:s15+$0x0];
	[tilespmem:s11+$0x4230] =	vst v3  }
0x49f: {  	_ =	sdelay $0x3  }
0x4a0: {  	v1 =	vld.idx.msk [tilespmem:v1+s5+$0x0], $0xffff  }
0x4a1: {  	v0 =	vld.idx.msk [tilespmem:v0+s3+$0x0], $0xffff;
	_ =	sdelay $0x2  }
0x4a2: {  	v3 =	vshrl.u32 v2, $0xC  }
0x4a3: {  	v52 =	vand.u32 $0xFFF, v2  }
0x4a4: {  	v4 =	vld [tilespmem:s15+$0x10];
	v0 =	vadd.f32 v1, v0  }
0x4a5: {  	v5 =	vld [tilespmem:s15+$0x20]  }
0x4a6: {  	v53 =	vld [tilespmem:s15+$0x30];
	[tilespmem:s11+$0x6230] =	vst v0  }
0x4a7: {  	v0 =	vld.idx.msk [tilespmem:v3+s30+$0x0], $0xffff  }
0x4a8: {  	v6 =	vld.idx.msk [tilespmem:v52+s4+$0x0], $0xffff;
	_ =	sdelay $0x4  }
0x4a9: {  	v0 =	vadd.f32 v6, v0;
	_ =	sdelay $0x1  }
0x4aa: {  	[tilespmem:s15+$0x4200] =	vst v0  }
0x4ab: {  	v0 =	vld.idx.msk [tilespmem:v3+s3+$0x0], $0xffff  }
0x4ac: {  	v2 =	vld.idx.msk [tilespmem:v52+s5+$0x0], $0xffff;
	_ =	sdelay $0x2  }
0x4ad: {  	v54 =	vshrl.u32 v4, $0xC  }
0x4ae: {  	v4 =	vand.u32 $0xFFF, v4  }
0x4af: {  	v0 =	vadd.f32 v2, v0;
	_ =	sdelay $0x1  }
0x4b0: {  	[tilespmem:s15+$0x6200] =	vst v0  }
0x4b1: {  	v0 =	vld.idx.msk [tilespmem:v54+s30+$0x0], $0xffff  }
0x4b2: {  	v55 =	vld.idx.msk [tilespmem:v4+s4+$0x0], $0xffff;
	_ =	sdelay $0x4  }
0x4b3: {  	v0 =	vadd.f32 v55, v0;
	_ =	sdelay $0x1  }
0x4b4: {  	[tilespmem:s15+$0x4210] =	vst v0  }
0x4b5: {  	v0 =	vld.idx.msk [tilespmem:v54+s3+$0x0], $0xffff  }
0x4b6: {  	v56 =	vld.idx.msk [tilespmem:v4+s5+$0x0], $0xffff;
	_ =	sdelay $0x2  }
0x4b7: {  	v57 =	vshrl.u32 v5, $0xC  }
0x4b8: {  	v58 =	vand.u32 $0xFFF, v5  }
0x4b9: {  	v0 =	vadd.f32 v56, v0;
	_ =	sdelay $0x1  }
0x4ba: {  	[tilespmem:s15+$0x6210] =	vst v0  }
0x4bb: {  	v0 =	vld.idx.msk [tilespmem:v57+s30+$0x0], $0xffff  }
0x4bc: {  	v59 =	vld.idx.msk [tilespmem:v58+s4+$0x0], $0xffff;
	_ =	sdelay $0x4  }
0x4bd: {  	v0 =	vadd.f32 v59, v0;
	_ =	sdelay $0x1  }
0x4be: {  	[tilespmem:s15+$0x4220] =	vst v0  }
0x4bf: {  	v0 =	vld.idx.msk [tilespmem:v57+s3+$0x0], $0xffff  }
0x4c0: {  	v60 =	vld.idx.msk [tilespmem:v58+s5+$0x0], $0xffff;
	_ =	sdelay $0x2  }
0x4c1: {  	v61 =	vshrl.u32 v53, $0xC  }
0x4c2: {  	v1 =	vand.u32 $0xFFF, v53  }
0x4c3: {  	v0 =	vadd.f32 v60, v0;
	_ =	sdelay $0x1  }
0x4c4: {  	[tilespmem:s15+$0x6220] =	vst v0  }
0x4c5: {  	v0 =	vld.idx.msk [tilespmem:v61+s30+$0x0], $0xffff  }
0x4c6: {  	v62 =	vld.idx.msk [tilespmem:v1+s4+$0x0], $0xffff;
	_ =	sdelay $0x4  }
0x4c7: {  	v0 =	vadd.f32 v62, v0;
	_ =	sdelay $0x1  }
0x4c8: {  	[tilespmem:s15+$0x4230] =	vst v0  }
0x4c9: {  	v0 =	vld.idx.msk [tilespmem:v1+s5+$0x0], $0xffff  }
0x4ca: {  	v63 =	vld.idx.msk [tilespmem:v61+s3+$0x0], $0xffff;
	_ =	sdelay $0x4  }
0x4cb: {  	v0 =	vadd.f32 v0, v63;
	_ =	sdelay $0x1  }
0x4cc: {  	[tilespmem:s15+$0x6230] =	vst v0  }
0x4cd: {  	[hbm4b:s26+s6] =	stream.strided.scatter [tilespmem:s8], [sflag:$0x1], $0x2000, s7, s6, $0x38;
	[tilespmem:$0x8200] =	vst v63  }
0x4ce: {  	_ =	swait.ge [sflag:s2], $0x2000  }
0x4cf: {  	[sflag:s2] =	ssyncset.done $0x0  }
.Ltmp10:
0x4d0: {  	[sflag:s2] =	ssyncadd.s32 $0xFFFFE000;
	(pc) =	sbr.rel @p0 .LBB2_21-.Ltmp10, $4  }
0x4d1: {  	[hbm4b:s28+s6] =	stream.strided.scatter [tilespmem:s9], [sflag:$0x1], $0x2000, s7, s6, $0x38;
	[tilespmem:$0x8200] =	vst v63  }
0x4d2: {  	_ =	swait.ge [sflag:s2], $0x2000  }
0x4d3: {  	[sflag:s2] =	ssyncset.done $0x0  }
0x4d4: {  	[sflag:s2] =	ssyncadd.s32 $0xFFFFE000  }
0x4d5: {  	s11 =	simm.s32 $0x0;
	s12 =	rddreg [dreg:$0x10]  }
0x4d6: {  	[tilespmem:s11], [sflag:$0x1] =	stream.linear.gather [hbm4b:s12+s11], $0x2000, $0x38;
	[tilespmem:$0x8200] =	vst v63  }
0x4d7: {  	_ =	swait.ge [sflag:s2], $0x2000  }
0x4d8: {  	[sflag:s2] =	ssyncset.done $0x0  }
0x4d9: {  	s11 =	simm.s32 $0x0;
	[sflag:s2] =	ssyncadd.s32 $0xFFFFE000  }
0x4da: {  	v0 =	vld [tilespmem:s11+$0x0];
	_ =	sdelay $0x4  }
0x4db: {  	v1 =	vshrl.u32 v0, $0xC  }
0x4dc: {  	v0 =	vand.u32 $0xFFF, v0;
	_ =	sdelay $0x3  }
0x4dd: {  	v2 =	vld.idx.msk [tilespmem:v1+s30+$0x0], $0xffff  }
0x4de: {  	v3 =	vld.idx.msk [tilespmem:v0+s4+$0x0], $0xffff;
	_ =	sdelay $0x4  }
0x4df: {  	v2 =	vadd.f32 v3, v2;
	_ =	sdelay $0x1  }
0x4e0: {  	v4 =	vld [tilespmem:s11+$0x10];
	[tilespmem:s11+$0x4200] =	vst v2  }
0x4e1: {  	v1 =	vld.idx.msk [tilespmem:v1+s3+$0x0], $0xffff  }
0x4e2: {  	v0 =	vld.idx.msk [tilespmem:v0+s5+$0x0], $0xffff;
	_ =	sdelay $0x2  }
0x4e3: {  	v2 =	vshrl.u32 v4, $0xC  }
0x4e4: {  	v4 =	vand.u32 $0xFFF, v4  }
0x4e5: {  	v0 =	vadd.f32 v0, v1;
	_ =	sdelay $0x1  }
0x4e6: {  	[tilespmem:s11+$0x6200] =	vst v0  }
0x4e7: {  	v0 =	vld.idx.msk [tilespmem:v2+s30+$0x0], $0xffff  }
0x4e8: {  	v1 =	vld.idx.msk [tilespmem:v4+s4+$0x0], $0xffff;
	_ =	sdelay $0x4  }
0x4e9: {  	v0 =	vadd.f32 v1, v0;
	_ =	sdelay $0x1  }
0x4ea: {  	v5 =	vld [tilespmem:s11+$0x20];
	[tilespmem:s11+$0x4210] =	vst v0  }
0x4eb: {  	v0 =	vld.idx.msk [tilespmem:v2+s3+$0x0], $0xffff  }
0x4ec: {  	v1 =	vld.idx.msk [tilespmem:v4+s5+$0x0], $0xffff;
	_ =	sdelay $0x2  }
0x4ed: {  	v2 =	vshrl.u32 v5, $0xC  }
0x4ee: {  	v63 =	vand.u32 $0xFFF, v5  }
0x4ef: {  	v0 =	vadd.f32 v1, v0;
	_ =	sdelay $0x1  }
0x4f0: {  	[tilespmem:s11+$0x6210] =	vst v0  }
0x4f1: {  	v0 =	vld.idx.msk [tilespmem:v2+s30+$0x0], $0xffff  }
0x4f2: {  	v1 =	vld.idx.msk [tilespmem:v63+s4+$0x0], $0xffff;
	_ =	sdelay $0x4  }
0x4f3: {  	v0 =	vadd.f32 v1, v0;
	_ =	sdelay $0x1  }
0x4f4: {  	v3 =	vld [tilespmem:s11+$0x30];
	[tilespmem:s11+$0x4220] =	vst v0  }
0x4f5: {  	v2 =	vld.idx.msk [tilespmem:v2+s3+$0x0], $0xffff  }
0x4f6: {  	v4 =	vld.idx.msk [tilespmem:v63+s5+$0x0], $0xffff;
	_ =	sdelay $0x2  }
0x4f7: {  	v0 =	vshrl.u32 v3, $0xC  }
0x4f8: {  	v1 =	vand.u32 $0xFFF, v3  }
0x4f9: {  	v2 =	vadd.f32 v4, v2;
	_ =	sdelay $0x1  }
0x4fa: {  	[tilespmem:s11+$0x6220] =	vst v2  }
0x4fb: {  	v2 =	vld.idx.msk [tilespmem:v0+s30+$0x0], $0xffff  }
0x4fc: {  	v3 =	vld.idx.msk [tilespmem:v1+s4+$0x0], $0xffff;
	_ =	sdelay $0x4  }
0x4fd: {  	v3 =	vadd.f32 v3, v2  }
0x4fe: {  	s15 =	simm.s32 $0x40  }
0x4ff: {  	s12 =	simm.s32 $0x200;
	v2 =	vld [tilespmem:s15+$0x0];
	[tilespmem:s11+$0x4230] =	vst v3  }
.LBB2_19:
0x500: {  	p1 =	sne.s32 s12, $0x7F00;
	v1 =	vld.idx.msk [tilespmem:v1+s5+$0x0], $0xffff;
	s13 =	smov.u32 s12;
	s12 =	sadd.s32 $0x100, s12  }
0x501: {  	v0 =	vld.idx.msk [tilespmem:v0+s3+$0x0], $0xffff  }
0x502: {  	v3 =	vld [tilespmem:s15+$0x10]  }
0x503: {  	v4 =	vld [tilespmem:s15+$0x20]  }
0x504: {  	v5 =	vld [tilespmem:s15+$0x30]  }
0x505: {  	v6 =	vshrl.u32 v2, $0xC;
	v2 =	vand.u32 $0xFFF, v2;
	_ =	sdelay $0x1  }
0x506: {  	v0 =	vadd.f32 v1, v0;
	_ =	sdelay $0x1  }
0x507: {  	[tilespmem:s11+$0x6230] =	vst v0;
	s11 =	smov.u32 s15  }
0x508: {  	v0 =	vld.idx.msk [tilespmem:v6+s30+$0x0], $0xffff  }
0x509: {  	v1 =	vld.idx.msk [tilespmem:v2+s4+$0x0], $0xffff;
	_ =	sdelay $0x5  }
0x50a: {  	v0 =	vadd.f32 v1, v0;
	_ =	sdelay $0x1  }
0x50b: {  	[tilespmem:s11+$0x4200] =	vst v0  }
0x50c: {  	v0 =	vld.idx.msk [tilespmem:v6+s3+$0x0], $0xffff  }
0x50d: {  	v1 =	vld.idx.msk [tilespmem:v2+s5+$0x0], $0xffff;
	_ =	sdelay $0x3  }
0x50e: {  	v2 =	vshrl.u32 v3, $0xC  }
0x50f: {  	v3 =	vand.u32 $0xFFF, v3  }
0x510: {  	v0 =	vadd.f32 v1, v0;
	_ =	sdelay $0x1  }
0x511: {  	[tilespmem:s11+$0x6200] =	vst v0  }
0x512: {  	v0 =	vld.idx.msk [tilespmem:v2+s30+$0x0], $0xffff  }
0x513: {  	v1 =	vld.idx.msk [tilespmem:v3+s4+$0x0], $0xffff;
	_ =	sdelay $0x5  }
0x514: {  	v0 =	vadd.f32 v1, v0;
	_ =	sdelay $0x1  }
0x515: {  	[tilespmem:s11+$0x4210] =	vst v0  }
0x516: {  	v0 =	vld.idx.msk [tilespmem:v2+s3+$0x0], $0xffff  }
0x517: {  	v1 =	vld.idx.msk [tilespmem:v3+s5+$0x0], $0xffff;
	_ =	sdelay $0x3  }
0x518: {  	v2 =	vshrl.u32 v4, $0xC  }
0x519: {  	v3 =	vand.u32 $0xFFF, v4  }
0x51a: {  	v0 =	vadd.f32 v1, v0;
	_ =	sdelay $0x1  }
0x51b: {  	[tilespmem:s11+$0x6210] =	vst v0  }
0x51c: {  	v0 =	vld.idx.msk [tilespmem:v2+s30+$0x0], $0xffff  }
0x51d: {  	v1 =	vld.idx.msk [tilespmem:v3+s4+$0x0], $0xffff;
	_ =	sdelay $0x5  }
0x51e: {  	v0 =	vadd.f32 v1, v0;
	_ =	sdelay $0x1  }
0x51f: {  	[tilespmem:s11+$0x4220] =	vst v0  }
0x520: {  	v2 =	vld.idx.msk [tilespmem:v2+s3+$0x0], $0xffff  }
0x521: {  	v3 =	vld.idx.msk [tilespmem:v3+s5+$0x0], $0xffff;
	_ =	sdelay $0x3  }
0x522: {  	v0 =	vshrl.u32 v5, $0xC  }
0x523: {  	v1 =	vand.u32 $0xFFF, v5  }
0x524: {  	v2 =	vadd.f32 v3, v2;
	_ =	sdelay $0x1  }
0x525: {  	[tilespmem:s11+$0x6220] =	vst v2  }
0x526: {  	v2 =	vld.idx.msk [tilespmem:v0+s30+$0x0], $0xffff  }
0x527: {  	v3 =	vld.idx.msk [tilespmem:v1+s4+$0x0], $0xffff;
	_ =	sdelay $0x3  }
.Ltmp11:
0x528: {  	(pc) =	sbr.rel @p1 .LBB2_19-.Ltmp11, $4  }
0x529: {  	_ = 	snop  }
0x52a: {  	v3 =	vadd.f32 v3, v2  }
0x52b: {  	s15 =	sshra.s32 s13, $0x2  }
0x52c: {  	v2 =	vld [tilespmem:s15+$0x0];
	[tilespmem:s11+$0x4230] =	vst v3  }
.Ltmp12:
0x52d: {  	_ = 	snop;
	(pc) =	sbr.rel .LBB2_20-.Ltmp12, $1  }
0x52e: {  	_ =	sdelay $0x3  }
.LBB2_22:
0x52f: {  	_ =	sfence.sel $0x180000  }
0x530: {  	[bflag:$0x0] =	sbarrier.arrive $0xFFFF  }
0x531: {  	_ =	strace $0x90000047  }
0x532: {  	s0 =	stileid.u32;
	[bflag:$0x2] =	sbarrier.arrive $0xFFFF  }
0x533: {  	p0 =	sne.s32 s0, $0x0;
	s0 =	rddreg [dreg:$0x3]  }
0x534: {  	s0 =	sadd.s32 @!p0 $0x100000, s0  }
0x535: {  	[sflag:s0] =	ssyncadd.tile.s32 @!p0 $0x1;
	_ =	shalt  }
.Lfunc_end2:
_tile_overlayer_lowered:
.L_overlay_start_2:
0x536: {  	(tag) =	ssettag $0x2  }
0x537: {  	s0 =	rddreg [dreg:$0x0];
	s2 =	stileid.u32  }
0x538: {  	s1 =	rddreg [dreg:$0x1];
	p0 =	sne.s32 s2, $0x0  }
0x539: {  	s3 =	rddreg [dreg:$0x2];
	[bflag:$0x3] =	sbarrier.arrive $0xFFFF;
	s2 =	simm.s32 @!p0 $0x1C01  }
0x53a: {  	[timem:s3], [sflag:s2] =	dma.local @!p0 [hbm:s0], s1  }
0x53b: {  	s0 =	simm.s32 @!p0 $0x1  }
0x53c: {  	_ =	swait.ge @!p0 [sflag:s0], s1  }
0x53d: {  	s1 =	ssub.s32 @!p0 $0x0, s1;
	[sflag:s0] =	ssyncset.done @!p0 $0x0  }
0x53e: {  	[sflag:s0] =	ssyncadd.s32 @!p0 s1  }
0x53f: {  	[bflag:$0x3] =	sbarrier.arrive $0xFFFF  }
0x540: {  	_ =	shalt  }

</sc_bundles>
